<compile_context>
chip_gen: v7x
topology: tpu7x:2x2x1
jax: 0.10.2.dev20260603
libtpu: 0.0.44.dev20260713+nightly
codegen_flags: <defaults>
</compile_context>

<pallas_src>
import functools

import jax
import jax.numpy as jnp
from jax import lax
from jax.experimental import pallas as pl
from jax.experimental.pallas import tpu as pltpu
from jax.experimental.pallas import tpu_sc as plsc

N_NODES = 10000
D = 128
N_PAD = 10240
NC, NS, L = 2, 16, 16
NW = NC * NS
E = 320000
CHUNK = 64
CPT = 160
E_PAD = NW * CPT * CHUNK
WAVE = 40
NBUF = 4
SUBG = 8
ROWS_PER_TILE = N_PAD // NS

_mesh = plsc.VectorSubcoreMesh(
    core_axis_name="c", subcore_axis_name="s", num_cores=NC, num_subcores=NS)


@functools.partial(
    pl.kernel,
    out_type=jax.ShapeDtypeStruct((NW * N_PAD,), jnp.float32),
    mesh=_mesh,
    scratch_types=[
        pltpu.VMEM((CPT, CHUNK), jnp.int32),
        pltpu.VMEM((N_PAD,), jnp.float32),
    ],
    compiler_params=pltpu.CompilerParams(needs_layout_passes=False),
)
def _deg_kernel(dst_hbm, out_hbm, ibuf, acc):
    t = lax.axis_index("c") * NS + lax.axis_index("s")
    pltpu.sync_copy(dst_hbm.at[pl.ds(t * CPT, CPT), :], ibuf)

    def zero_body(i, _):
        acc[pl.ds(i * L, L)] = jnp.zeros((L,), jnp.float32)
        return 0
    lax.fori_loop(0, N_PAD // L, zero_body, 0)

    ones = jnp.full((L,), 1.0, jnp.float32)

    def edge_body(j, _):
        def lane_body(m, _):
            idx = ibuf[j, pl.ds(m * L, L)]
            plsc.addupdate_scatter(acc, [idx], ones)
            return 0
        lax.fori_loop(0, CHUNK // L, lane_body, 0)
        return 0
    lax.fori_loop(0, CPT, edge_body, 0)

    pltpu.sync_copy(acc, out_hbm.at[pl.ds(t * N_PAD, N_PAD)])


@functools.partial(
    pl.kernel,
    out_type=jax.ShapeDtypeStruct((NC, N_PAD, D), jnp.float32),
    mesh=_mesh,
    scratch_types=[
        pltpu.VMEM((WAVE, CHUNK), jnp.int32),
        pltpu.VMEM((WAVE, CHUNK), jnp.int32),
        [pltpu.VMEM((CHUNK, D), jnp.float32) for _ in range(NBUF)],
        pltpu.VMEM_SHARED((N_PAD, D), jnp.float32),
        [pltpu.SemaphoreType.DMA for _ in range(NBUF)],
    ],
)
def _hop_kernel(g_hbm, src_hbm, dst_hbm, p_hbm, sbuf, dbuf, rows, acc, sems):
    cid = lax.axis_index("c")
    sid = lax.axis_index("s")
    t = cid * NS + sid
    base = sid * ROWS_PER_TILE

    def zrow(i, _):
        def zcol(m, _):
            rows[0][i, pl.ds(m * L, L)] = jnp.zeros((L,), jnp.float32)
            return 0
        lax.fori_loop(0, D // L, zcol, 0)
        return 0
    lax.fori_loop(0, CHUNK, zrow, 0)

    def zacc(k, _):
        pltpu.sync_copy(rows[0], acc.at[pl.ds(base + k * CHUNK, CHUNK), :])
        return 0
    lax.fori_loop(0, ROWS_PER_TILE // CHUNK, zacc, 0)
    plsc.subcore_barrier()

    def wave_body(w, _):
        wbase = t * CPT + w * WAVE
        pltpu.sync_copy(src_hbm.at[pl.ds(wbase, WAVE), :], sbuf)
        pltpu.sync_copy(dst_hbm.at[pl.ds(wbase, WAVE), :], dbuf)
        for b in range(NBUF):
            pltpu.async_copy(g_hbm.at[sbuf.at[b]], rows[b], sems[b])

        def sub_body(sg, _):
            for k in range(SUBG):
                b = k % NBUF
                j = sg * SUBG + k
                pltpu.make_async_copy(
                    g_hbm.at[sbuf.at[j]], rows[b], sems[b]).wait()
                pltpu.sync_copy(rows[b], acc.at[dbuf.at[j]], add=True)
                if k < NBUF:
                    pltpu.async_copy(
                        g_hbm.at[sbuf.at[j + NBUF]], rows[b], sems[b])
                else:
                    @pl.when(sg < WAVE // SUBG - 1)
                    def _():
                        pltpu.async_copy(
                            g_hbm.at[sbuf.at[j + NBUF]], rows[b], sems[b])
            return 0
        lax.fori_loop(0, WAVE // SUBG, sub_body, 0)
        return 0
    lax.fori_loop(0, CPT // WAVE, wave_body, 0)

    plsc.subcore_barrier()

    def wout(k, _):
        r = base + k * CHUNK
        pltpu.sync_copy(acc.at[pl.ds(r, CHUNK), :], rows[0])
        pltpu.sync_copy(rows[0], p_hbm.at[cid, pl.ds(r, CHUNK), :])
        return 0
    lax.fori_loop(0, ROWS_PER_TILE // CHUNK, wout, 0)


_R = 2560


def _deg_block(pd_blk):
    return 1.0 + jnp.sum(pd_blk, axis=0)


def _scale0_body(x_ref, pd_ref, o_ref):
    deg = _deg_block(pd_ref[...])
    o_ref[...] = lax.rsqrt(deg)[:, None] * x_ref[...]


def _reduce_body(p_ref, g_ref, pd_ref, o_ref):
    deg = _deg_block(pd_ref[...])
    s = p_ref[0] + p_ref[1] + g_ref[...]
    o_ref[...] = s / deg[:, None]


def _final_body(p_ref, g_ref, pd_ref, w_ref, b_ref, o_ref):
    deg = _deg_block(pd_ref[...])
    h = lax.rsqrt(deg)[:, None] * (p_ref[0] + p_ref[1] + g_ref[...])
    y = lax.dot_general(h, w_ref[...], (((1,), (1,)), ((), ())),
                        preferred_element_type=jnp.float32,
                        precision=lax.Precision.HIGHEST)
    o_ref[...] = y + b_ref[...][None, :]


_gspec = pl.BlockSpec((_R, D), lambda i: (i, 0))
_pspec = pl.BlockSpec((NC, _R, D), lambda i: (0, i, 0))
_pdspec = pl.BlockSpec((NW, _R), lambda i: (0, i))

_scale0 = pl.pallas_call(
    _scale0_body,
    grid=(N_PAD // _R,),
    in_specs=[_gspec, _pdspec],
    out_specs=_gspec,
    out_shape=jax.ShapeDtypeStruct((N_PAD, D), jnp.float32),
)

_reduce = pl.pallas_call(
    _reduce_body,
    grid=(N_PAD // _R,),
    in_specs=[_pspec, _gspec, _pdspec],
    out_specs=_gspec,
    out_shape=jax.ShapeDtypeStruct((N_PAD, D), jnp.float32),
)

_final = pl.pallas_call(
    _final_body,
    grid=(N_PAD // _R,),
    in_specs=[_pspec, _gspec, _pdspec,
              pl.BlockSpec((D, D), lambda i: (0, 0)),
              pl.BlockSpec((D,), lambda i: (0,))],
    out_specs=_gspec,
    out_shape=jax.ShapeDtypeStruct((N_PAD, D), jnp.float32),
)


def kernel(x, edge_index, W, b):
    src = edge_index[0].astype(jnp.int32)
    dst = edge_index[1].astype(jnp.int32)
    pad = jnp.full((E_PAD - E,), N_NODES, jnp.int32)
    srcf = jnp.concatenate([src, pad])
    dstf = jnp.concatenate([dst, pad])
    src2d = srcf.reshape(E_PAD // CHUNK, CHUNK)
    dst2d = dstf.reshape(E_PAD // CHUNK, CHUNK)
    x_pad = jnp.pad(x, ((0, N_PAD - N_NODES), (0, 0)))

    pd = _deg_kernel(dst2d).reshape(NW, N_PAD)
    g = _scale0(x_pad, pd)
    for hop in range(3):
        p = _hop_kernel(g, src2d, dst2d)
        if hop < 2:
            g = _reduce(p, g, pd)
        else:
            out = _final(p, g, pd, W, b)
    return out[:N_NODES]

# --- scband reference (transcript-rebuilt; emitter-appended) ---
"""Pipeline reference for scband-sg-4973572128782 (READ-ONLY COPY).

The authoritative reference and input builder live on the scoring server;
editing this copy changes nothing except your own understanding.
"""

import jax, jax.numpy as jnp
import numpy as np

N_NODES = 10000
N_EDGES = 320000
D_IN = 128
D_OUT = 128
K_HOPS = 3


def setup_inputs(seed: int = 0) -> dict:
    key = jax.random.key(seed)
    k1, k2, k3, k4 = jax.random.split(key, 4)
    x = jax.random.normal(k1, (N_NODES, D_IN), dtype=jnp.float32)
    edge_index = jax.random.randint(k2, (2, N_EDGES), 0, N_NODES, dtype=jnp.int64)
    # Linear layer params (PyG Linear: glorot-style init)
    limit = float(np.sqrt(6.0 / (D_IN + D_OUT)))
    W = jax.random.uniform(k3, (D_OUT, D_IN), dtype=jnp.float32, minval=-limit, maxval=limit)
    b = jnp.zeros((D_OUT,), dtype=jnp.float32)
    return {"x": x, "edge_index": edge_index, "W": W, "b": b}


def reference(x, edge_index, W, b):
    # SGConv: x' = (D^{-1/2} (A + I) D^{-1/2})^K x, then linear.
    N = x.shape[0]
    src = edge_index[0]
    dst = edge_index[1]
    # add self loops
    loop = jnp.arange(N, dtype=edge_index.dtype)
    src = jnp.concatenate([src, loop])
    dst = jnp.concatenate([dst, loop])
    # symmetric gcn normalization (deg over dst with unit edge weights)
    ones = jnp.ones(src.shape[0], dtype=x.dtype)
    deg = jnp.zeros((N,), dtype=x.dtype).at[dst].add(ones)
    deg_inv_sqrt = jnp.where(deg > 0, jax.lax.rsqrt(deg), 0.0)
    norm = deg_inv_sqrt[src] * deg_inv_sqrt[dst]
    # K hops of propagation: gather from src, scale, scatter-add to dst
    h = x
    for _ in range(K_HOPS):
        msgs = norm[:, None] * jnp.take(h, src, axis=0)
        h = jnp.zeros_like(h).at[dst].add(msgs)
    # final linear transform
    return h @ W.T + b

if __name__ == "__main__":
    import jax
    _d = setup_inputs()
    print(jax.jit(kernel)(*tuple(_d.values())))

</pallas_src>

<mosaic_0001>
#map = affine_map<(d0, d1) -> (0, 0)>
#map1 = affine_map<(d0, d1) -> (0)>
module attributes {stable_mosaic.version = 14 : i64} {
  func.func @_deg_kernel(%arg0: i32, %arg1: i32, %arg2: memref<5120x64xi32, #tpu.memory_space<hbm>>, %arg3: memref<327680xf32, #tpu.memory_space<hbm>>, %arg4: memref<160x64xi32, #tpu.memory_space<vmem>>, %arg5: memref<10240xf32, #tpu.memory_space<vmem>>) attributes {dimension_semantics = [#tpu.dimension_semantics<core_parallel>, #tpu.dimension_semantics<subcore_parallel>], iteration_bounds = array<i64: 2, 16>, scalar_prefetch = 0 : i64, scratch_operands = 2 : i64, tpu.core_type = #tpu.core_type<sc_vector_subcore>, window_params = [{transform_indices = #map}, {transform_indices = #map1}]} {
    %mul3A = arith.constant 16 : i32
    %mul3A_0 = arith.muli %arg0, %mul3A : i32
    %add3A = arith.addi %mul3A_0, %arg1 : i32
    %mul3A_1 = arith.constant 160 : i32
    %mul3A_2 = arith.muli %add3A, %mul3A_1 : i32
    "tpu.region"() ({
      %run_scoped3A = tpu.sem_alloc : memref<!tpu.dma_semaphore, #tpu.memory_space<semaphore_mem>>
      %dma_start3A = arith.constant 0 : i32
      %dma_start3A_19 = tpu.memref_slice %arg2[%mul3A_2, %dma_start3A] : memref<5120x64xi32, #tpu.memory_space<hbm>> -> memref<160x64xi32, #tpu.memory_space<hbm>>
      %dma_start3A_20 = arith.constant 0 : i32
      %dma_start3A_21 = tpu.memref_slice %arg2[%mul3A_2, %dma_start3A_20] : memref<5120x64xi32, #tpu.memory_space<hbm>> -> memref<160x64xi32, #tpu.memory_space<hbm>>
      tpu.enqueue_dma source(%dma_start3A_21 : memref<160x64xi32, #tpu.memory_space<hbm>>) target(%arg4 : memref<160x64xi32, #tpu.memory_space<vmem>>) target_semaphore(%run_scoped3A : memref<!tpu.dma_semaphore, #tpu.memory_space<semaphore_mem>>)
      %dma_wait3A = arith.constant 0 : i32
      %dma_wait3A_22 = tpu.memref_slice %arg2[%mul3A_2, %dma_wait3A] : memref<5120x64xi32, #tpu.memory_space<hbm>> -> memref<160x64xi32, #tpu.memory_space<hbm>>
      %dma_wait3A_23 = arith.constant 0 : i32
      %dma_wait3A_24 = tpu.memref_slice %arg2[%mul3A_2, %dma_wait3A_23] : memref<5120x64xi32, #tpu.memory_space<hbm>> -> memref<160x64xi32, #tpu.memory_space<hbm>>
      tpu.wait_dma2 semaphore(%run_scoped3A : memref<!tpu.dma_semaphore, #tpu.memory_space<semaphore_mem>>) src(%dma_wait3A_24 : memref<160x64xi32, #tpu.memory_space<hbm>>) dst(%arg4 : memref<160x64xi32, #tpu.memory_space<vmem>>)
      tpu.yield
    }) : () -> ()
    %scan3A = arith.constant 0 : i32
    %scan3A_3 = arith.constant 0 : i32
    %scan3A_4 = arith.constant 640 : i32
    %scan3A_5 = arith.addi %scan3A_3, %scan3A_4 : i32
    %scan3A_6 = arith.constant 1 : i32
    %scan3A_7 = scf.for %scan3A_19 = %scan3A_3 to %scan3A_5 step %scan3A_6 iter_args(%scan3A_20 = %scan3A) -> (i32)  : i32 {
      %broadcast_in_dim3A_21 = arith.constant 0.000000e+00 : f32
      %broadcast_in_dim3A_22 = vector.broadcast %broadcast_in_dim3A_21 : f32 to vector<16xf32>
      %mul3A_23 = arith.constant 16 : i32
      %mul3A_24 = arith.muli %scan3A_19, %mul3A_23 : i32
      %swap3A = arith.index_cast %mul3A_24 : i32 to index
      %swap3A_25 = tpu.vector_load %arg5[%swap3A] {strides = array<i32>} : memref<10240xf32, #tpu.memory_space<vmem>>, vector<16xf32>,
      tpu.vector_store %arg5[%swap3A], %broadcast_in_dim3A_22 {strides = array<i32>} : memref<10240xf32, #tpu.memory_space<vmem>>, vector<16xf32>,
      %scan3A_26 = arith.constant 0 : i32
      scf.yield %scan3A_26 : i32
    }
    %scan3A_8 = arith.constant 640 : i32
    %broadcast_in_dim3A = arith.constant 1.000000e+00 : f32
    %broadcast_in_dim3A_9 = vector.broadcast %broadcast_in_dim3A : f32 to vector<16xf32>
    %scan3A_10 = arith.constant 0 : i32
    %scan3A_11 = arith.constant 0 : i32
    %scan3A_12 = arith.constant 160 : i32
    %scan3A_13 = arith.addi %scan3A_11, %scan3A_12 : i32
    %scan3A_14 = arith.constant 1 : i32
    %scan3A_15 = scf.for %scan3A_19 = %scan3A_11 to %scan3A_13 step %scan3A_14 iter_args(%scan3A_20 = %scan3A_10) -> (i32)  : i32 {
      %scan3A_21 = arith.constant 0 : i32
      %scan3A_22 = arith.constant 0 : i32
      %scan3A_23 = arith.constant 4 : i32
      %scan3A_24 = arith.addi %scan3A_22, %scan3A_23 : i32
      %scan3A_25 = arith.constant 1 : i32
      %scan3A_26 = scf.for %scan3A_29 = %scan3A_22 to %scan3A_24 step %scan3A_25 iter_args(%scan3A_30 = %scan3A_21) -> (i32)  : i32 {
        %mul3A_31 = arith.constant 16 : i32
        %mul3A_32 = arith.muli %scan3A_29, %mul3A_31 : i32
        %get3A = arith.index_cast %scan3A_19 : i32 to index
        %get3A_33 = arith.index_cast %mul3A_32 : i32 to index
        %get3A_34 = tpu.vector_load %arg4[%get3A, %get3A_33] {strides = array<i32>} : memref<160x64xi32, #tpu.memory_space<vmem>>, vector<16xi32>,
        tpu.vector_store_idx %arg5[%get3A_34], %broadcast_in_dim3A_9 {add = true} : memref<10240xf32, #tpu.memory_space<vmem>>[vector<16xi32>], vector<16xf32>,
        %scan3A_35 = arith.constant 0 : i32
        scf.yield %scan3A_35 : i32
      }
      %scan3A_27 = arith.constant 4 : i32
      %scan3A_28 = arith.constant 0 : i32
      scf.yield %scan3A_28 : i32
    }
    %scan3A_16 = arith.constant 160 : i32
    %mul3A_17 = arith.constant 10240 : i32
    %mul3A_18 = arith.muli %add3A, %mul3A_17 : i32
    "tpu.region"() ({
      %run_scoped3A = tpu.sem_alloc : memref<!tpu.dma_semaphore, #tpu.memory_space<semaphore_mem>>
      %dma_start3A = tpu.memref_slice %arg3[%mul3A_18] : memref<327680xf32, #tpu.memory_space<hbm>> -> memref<10240xf32, #tpu.memory_space<hbm>>
      %dma_start3A_19 = tpu.memref_slice %arg3[%mul3A_18] : memref<327680xf32, #tpu.memory_space<hbm>> -> memref<10240xf32, #tpu.memory_space<hbm>>
      tpu.enqueue_dma source(%arg5 : memref<10240xf32, #tpu.memory_space<vmem>>) target(%dma_start3A_19 : memref<10240xf32, #tpu.memory_space<hbm>>) target_semaphore(%run_scoped3A : memref<!tpu.dma_semaphore, #tpu.memory_space<semaphore_mem>>)
      %dma_wait3A = tpu.memref_slice %arg3[%mul3A_18] : memref<327680xf32, #tpu.memory_space<hbm>> -> memref<10240xf32, #tpu.memory_space<hbm>>
      %dma_wait3A_20 = tpu.memref_slice %arg3[%mul3A_18] : memref<327680xf32, #tpu.memory_space<hbm>> -> memref<10240xf32, #tpu.memory_space<hbm>>
      tpu.wait_dma2 semaphore(%run_scoped3A : memref<!tpu.dma_semaphore, #tpu.memory_space<semaphore_mem>>) src(%arg5 : memref<10240xf32, #tpu.memory_space<vmem>>) dst(%dma_wait3A_20 : memref<10240xf32, #tpu.memory_space<hbm>>)
      tpu.yield
    }) : () -> ()
    return
  }
}

#map = affine_map<(d0, d1) -> (0, 0)>
#map1 = affine_map<(d0, d1) -> (0, 0, 0)>
module attributes {stable_mosaic.version = 14 : i64} {
  func.func @_hop_kernel(%arg0: i32, %arg1: i32, %arg2: memref<10240x128xf32, #tpu.memory_space<hbm>>, %arg3: memref<5120x64xi32, #tpu.memory_space<hbm>>, %arg4: memref<5120x64xi32, #tpu.memory_space<hbm>>, %arg5: memref<2x10240x128xf32, #tpu.memory_space<hbm>>, %arg6: memref<40x64xi32, #tpu.memory_space<vmem>>, %arg7: memref<40x64xi32, #tpu.memory_space<vmem>>, %arg8: memref<64x128xf32, #tpu.memory_space<vmem>>, %arg9: memref<64x128xf32, #tpu.memory_space<vmem>>, %arg10: memref<64x128xf32, #tpu.memory_space<vmem>>, %arg11: memref<64x128xf32, #tpu.memory_space<vmem>>, %arg12: memref<10240x128xf32, #tpu.memory_space<vmem_shared>>, %arg13: memref<!tpu.dma_semaphore, #tpu.memory_space<semaphore_mem>>, %arg14: memref<!tpu.dma_semaphore, #tpu.memory_space<semaphore_mem>>, %arg15: memref<!tpu.dma_semaphore, #tpu.memory_space<semaphore_mem>>, %arg16: memref<!tpu.dma_semaphore, #tpu.memory_space<semaphore_mem>>) attributes {dimension_semantics = [#tpu.dimension_semantics<core_parallel>, #tpu.dimension_semantics<subcore_parallel>], iteration_bounds = array<i64: 2, 16>, scalar_prefetch = 0 : i64, scratch_operands = 11 : i64, tpu.core_type = #tpu.core_type<sc_vector_subcore>, window_params = [{transform_indices = #map}, {transform_indices = #map}, {transform_indices = #map}, {transform_indices = #map1}]} {
    %mul3A = arith.constant 16 : i32
    %mul3A_0 = arith.muli %arg0, %mul3A : i32
    %add3A = arith.addi %mul3A_0, %arg1 : i32
    %mul3A_1 = arith.constant 640 : i32
    %mul3A_2 = arith.muli %arg1, %mul3A_1 : i32
    %scan3A = arith.constant 0 : i32
    %scan3A_3 = arith.constant 0 : i32
    %scan3A_4 = arith.constant 64 : i32
    %scan3A_5 = arith.addi %scan3A_3, %scan3A_4 : i32
    %scan3A_6 = arith.constant 1 : i32
    %scan3A_7 = scf.for %scan3A_31 = %scan3A_3 to %scan3A_5 step %scan3A_6 iter_args(%scan3A_32 = %scan3A) -> (i32)  : i32 {
      %scan3A_33 = arith.constant 0 : i32
      %scan3A_34 = arith.constant 0 : i32
      %scan3A_35 = arith.constant 8 : i32
      %scan3A_36 = arith.addi %scan3A_34, %scan3A_35 : i32
      %scan3A_37 = arith.constant 1 : i32
      %scan3A_38 = scf.for %scan3A_41 = %scan3A_34 to %scan3A_36 step %scan3A_37 iter_args(%scan3A_42 = %scan3A_33) -> (i32)  : i32 {
        %broadcast_in_dim3A = arith.constant 0.000000e+00 : f32
        %broadcast_in_dim3A_43 = vector.broadcast %broadcast_in_dim3A : f32 to vector<16xf32>
        %mul3A_44 = arith.constant 16 : i32
        %mul3A_45 = arith.muli %scan3A_41, %mul3A_44 : i32
        %swap3A = arith.index_cast %scan3A_31 : i32 to index
        %swap3A_46 = arith.index_cast %mul3A_45 : i32 to index
        %swap3A_47 = tpu.vector_load %arg8[%swap3A, %swap3A_46] {strides = array<i32>} : memref<64x128xf32, #tpu.memory_space<vmem>>, vector<1x16xf32>,
        %swap3A_48 = vector.shape_cast %swap3A_47 : vector<1x16xf32> to vector<16xf32>
        %swap3A_49 = vector.shape_cast %broadcast_in_dim3A_43 : vector<16xf32> to vector<1x16xf32>
        tpu.vector_store %arg8[%swap3A, %swap3A_46], %swap3A_49 {strides = array<i32>} : memref<64x128xf32, #tpu.memory_space<vmem>>, vector<1x16xf32>,
        %scan3A_50 = arith.constant 0 : i32
        scf.yield %scan3A_50 : i32
      }
      %scan3A_39 = arith.constant 8 : i32
      %scan3A_40 = arith.constant 0 : i32
      scf.yield %scan3A_40 : i32
    }
    %scan3A_8 = arith.constant 64 : i32
    %scan3A_9 = arith.constant 0 : i32
    %scan3A_10 = arith.constant 0 : i32
    %scan3A_11 = arith.constant 10 : i32
    %scan3A_12 = arith.addi %scan3A_10, %scan3A_11 : i32
    %scan3A_13 = arith.constant 1 : i32
    %scan3A_14 = scf.for %scan3A_31 = %scan3A_10 to %scan3A_12 step %scan3A_13 iter_args(%scan3A_32 = %scan3A_9) -> (i32)  : i32 {
      %mul3A_33 = arith.constant 64 : i32
      %mul3A_34 = arith.muli %scan3A_31, %mul3A_33 : i32
      %add3A_35 = arith.addi %mul3A_2, %mul3A_34 : i32
      "tpu.region"() ({
        %run_scoped3A = tpu.sem_alloc : memref<!tpu.dma_semaphore, #tpu.memory_space<semaphore_mem>>
        %dma_start3A = arith.constant 0 : i32
        %dma_start3A_37 = tpu.memref_slice %arg12[%add3A_35, %dma_start3A] : memref<10240x128xf32, #tpu.memory_space<vmem_shared>> -> memref<64x128xf32, #tpu.memory_space<vmem_shared>>
        %dma_start3A_38 = arith.constant 0 : i32
        %dma_start3A_39 = tpu.memref_slice %arg12[%add3A_35, %dma_start3A_38] : memref<10240x128xf32, #tpu.memory_space<vmem_shared>> -> memref<64x128xf32, #tpu.memory_space<vmem_shared>>
        tpu.enqueue_dma source(%arg8 : memref<64x128xf32, #tpu.memory_space<vmem>>) target(%dma_start3A_39 : memref<64x128xf32, #tpu.memory_space<vmem_shared>>) target_semaphore(%run_scoped3A : memref<!tpu.dma_semaphore, #tpu.memory_space<semaphore_mem>>)
        %dma_wait3A = arith.constant 0 : i32
        %dma_wait3A_40 = tpu.memref_slice %arg12[%add3A_35, %dma_wait3A] : memref<10240x128xf32, #tpu.memory_space<vmem_shared>> -> memref<64x128xf32, #tpu.memory_space<vmem_shared>>
        %dma_wait3A_41 = arith.constant 0 : i32
        %dma_wait3A_42 = tpu.memref_slice %arg12[%add3A_35, %dma_wait3A_41] : memref<10240x128xf32, #tpu.memory_space<vmem_shared>> -> memref<64x128xf32, #tpu.memory_space<vmem_shared>>
        tpu.wait_dma2 semaphore(%run_scoped3A : memref<!tpu.dma_semaphore, #tpu.memory_space<semaphore_mem>>) src(%arg8 : memref<64x128xf32, #tpu.memory_space<vmem>>) dst(%dma_wait3A_42 : memref<64x128xf32, #tpu.memory_space<vmem_shared>>)
        tpu.yield
      }) : () -> ()
      %scan3A_36 = arith.constant 0 : i32
      scf.yield %scan3A_36 : i32
    }
    %scan3A_15 = arith.constant 10 : i32
    %barrier3A = arith.constant 0 : index
    tpu.barrier barrier_id(%barrier3A)
    %scan3A_16 = arith.constant 0 : i32
    %scan3A_17 = arith.constant 0 : i32
    %scan3A_18 = arith.constant 4 : i32
    %scan3A_19 = arith.addi %scan3A_17, %scan3A_18 : i32
    %scan3A_20 = arith.constant 1 : i32
    %scan3A_21 = scf.for %scan3A_31 = %scan3A_17 to %scan3A_19 step %scan3A_20 iter_args(%scan3A_32 = %scan3A_16) -> (i32)  : i32 {
      %mul3A_33 = arith.constant 160 : i32
      %mul3A_34 = arith.muli %add3A, %mul3A_33 : i32
      %mul3A_35 = arith.constant 40 : i32
      %mul3A_36 = arith.muli %scan3A_31, %mul3A_35 : i32
      %add3A_37 = arith.addi %mul3A_34, %mul3A_36 : i32
      "tpu.region"() ({
        %run_scoped3A = tpu.sem_alloc : memref<!tpu.dma_semaphore, #tpu.memory_space<semaphore_mem>>
        %dma_start3A_73 = arith.constant 0 : i32
        %dma_start3A_74 = tpu.memref_slice %arg3[%add3A_37, %dma_start3A_73] : memref<5120x64xi32, #tpu.memory_space<hbm>> -> memref<40x64xi32, #tpu.memory_space<hbm>>
        %dma_start3A_75 = arith.constant 0 : i32
        %dma_start3A_76 = tpu.memref_slice %arg3[%add3A_37, %dma_start3A_75] : memref<5120x64xi32, #tpu.memory_space<hbm>> -> memref<40x64xi32, #tpu.memory_space<hbm>>
        tpu.enqueue_dma source(%dma_start3A_76 : memref<40x64xi32, #tpu.memory_space<hbm>>) target(%arg6 : memref<40x64xi32, #tpu.memory_space<vmem>>) target_semaphore(%run_scoped3A : memref<!tpu.dma_semaphore, #tpu.memory_space<semaphore_mem>>)
        %dma_wait3A = arith.constant 0 : i32
        %dma_wait3A_77 = tpu.memref_slice %arg3[%add3A_37, %dma_wait3A] : memref<5120x64xi32, #tpu.memory_space<hbm>> -> memref<40x64xi32, #tpu.memory_space<hbm>>
        %dma_wait3A_78 = arith.constant 0 : i32
        %dma_wait3A_79 = tpu.memref_slice %arg3[%add3A_37, %dma_wait3A_78] : memref<5120x64xi32, #tpu.memory_space<hbm>> -> memref<40x64xi32, #tpu.memory_space<hbm>>
        tpu.wait_dma2 semaphore(%run_scoped3A : memref<!tpu.dma_semaphore, #tpu.memory_space<semaphore_mem>>) src(%dma_wait3A_79 : memref<40x64xi32, #tpu.memory_space<hbm>>) dst(%arg6 : memref<40x64xi32, #tpu.memory_space<vmem>>)
        tpu.yield
      }) : () -> ()
      "tpu.region"() ({
        %run_scoped3A = tpu.sem_alloc : memref<!tpu.dma_semaphore, #tpu.memory_space<semaphore_mem>>
        %dma_start3A_73 = arith.constant 0 : i32
        %dma_start3A_74 = tpu.memref_slice %arg4[%add3A_37, %dma_start3A_73] : memref<5120x64xi32, #tpu.memory_space<hbm>> -> memref<40x64xi32, #tpu.memory_space<hbm>>
        %dma_start3A_75 = arith.constant 0 : i32
        %dma_start3A_76 = tpu.memref_slice %arg4[%add3A_37, %dma_start3A_75] : memref<5120x64xi32, #tpu.memory_space<hbm>> -> memref<40x64xi32, #tpu.memory_space<hbm>>
        tpu.enqueue_dma source(%dma_start3A_76 : memref<40x64xi32, #tpu.memory_space<hbm>>) target(%arg7 : memref<40x64xi32, #tpu.memory_space<vmem>>) target_semaphore(%run_scoped3A : memref<!tpu.dma_semaphore, #tpu.memory_space<semaphore_mem>>)
        %dma_wait3A = arith.constant 0 : i32
        %dma_wait3A_77 = tpu.memref_slice %arg4[%add3A_37, %dma_wait3A] : memref<5120x64xi32, #tpu.memory_space<hbm>> -> memref<40x64xi32, #tpu.memory_space<hbm>>
        %dma_wait3A_78 = arith.constant 0 : i32
        %dma_wait3A_79 = tpu.memref_slice %arg4[%add3A_37, %dma_wait3A_78] : memref<5120x64xi32, #tpu.memory_space<hbm>> -> memref<40x64xi32, #tpu.memory_space<hbm>>
        tpu.wait_dma2 semaphore(%run_scoped3A : memref<!tpu.dma_semaphore, #tpu.memory_space<semaphore_mem>>) src(%dma_wait3A_79 : memref<40x64xi32, #tpu.memory_space<hbm>>) dst(%arg7 : memref<40x64xi32, #tpu.memory_space<vmem>>)
        tpu.yield
      }) : () -> ()
      %dma_start3A = arith.constant 0 : i32
      %dma_start3A_38 = arith.constant 0 : i32
      %dma_start3A_39 = tpu.memref_slice %arg6[%dma_start3A, %dma_start3A_38] : memref<40x64xi32, #tpu.memory_space<vmem>> -> memref<1x64xi32, #tpu.memory_space<vmem>>
      %dma_start3A_40 = tpu.memref_squeeze %dma_start3A_39 : memref<1x64xi32, #tpu.memory_space<vmem>> -> memref<64xi32, #tpu.memory_space<vmem>>
      %dma_start3A_41 = arith.constant 0 : i32
      %dma_start3A_42 = arith.constant 0 : i32
      %dma_start3A_43 = tpu.memref_slice %arg2[%dma_start3A_41, %dma_start3A_42] : memref<10240x128xf32, #tpu.memory_space<hbm>> -> memref<10240x128xf32, #tpu.memory_space<hbm>>
      tpu.enqueue_indirect_dma source(%dma_start3A_43 : memref<10240x128xf32, #tpu.memory_space<hbm>>) target(%arg8 : memref<64x128xf32, #tpu.memory_space<vmem>>) offsets(%dma_start3A_40 : memref<64xi32, #tpu.memory_space<vmem>>) semaphore(%arg13 : memref<!tpu.dma_semaphore, #tpu.memory_space<semaphore_mem>>)
      %dma_start3A_44 = arith.constant 1 : i32
      %dma_start3A_45 = arith.constant 0 : i32
      %dma_start3A_46 = tpu.memref_slice %arg6[%dma_start3A_44, %dma_start3A_45] : memref<40x64xi32, #tpu.memory_space<vmem>> -> memref<1x64xi32, #tpu.memory_space<vmem>>
      %dma_start3A_47 = tpu.memref_squeeze %dma_start3A_46 : memref<1x64xi32, #tpu.memory_space<vmem>> -> memref<64xi32, #tpu.memory_space<vmem>>
      %dma_start3A_48 = arith.constant 0 : i32
      %dma_start3A_49 = arith.constant 0 : i32
      %dma_start3A_50 = tpu.memref_slice %arg2[%dma_start3A_48, %dma_start3A_49] : memref<10240x128xf32, #tpu.memory_space<hbm>> -> memref<10240x128xf32, #tpu.memory_space<hbm>>
      tpu.enqueue_indirect_dma source(%dma_start3A_50 : memref<10240x128xf32, #tpu.memory_space<hbm>>) target(%arg9 : memref<64x128xf32, #tpu.memory_space<vmem>>) offsets(%dma_start3A_47 : memref<64xi32, #tpu.memory_space<vmem>>) semaphore(%arg14 : memref<!tpu.dma_semaphore, #tpu.memory_space<semaphore_mem>>)
      %dma_start3A_51 = arith.constant 2 : i32
      %dma_start3A_52 = arith.constant 0 : i32
      %dma_start3A_53 = tpu.memref_slice %arg6[%dma_start3A_51, %dma_start3A_52] : memref<40x64xi32, #tpu.memory_space<vmem>> -> memref<1x64xi32, #tpu.memory_space<vmem>>
      %dma_start3A_54 = tpu.memref_squeeze %dma_start3A_53 : memref<1x64xi32, #tpu.memory_space<vmem>> -> memref<64xi32, #tpu.memory_space<vmem>>
      %dma_start3A_55 = arith.constant 0 : i32
      %dma_start3A_56 = arith.constant 0 : i32
      %dma_start3A_57 = tpu.memref_slice %arg2[%dma_start3A_55, %dma_start3A_56] : memref<10240x128xf32, #tpu.memory_space<hbm>> -> memref<10240x128xf32, #tpu.memory_space<hbm>>
      tpu.enqueue_indirect_dma source(%dma_start3A_57 : memref<10240x128xf32, #tpu.memory_space<hbm>>) target(%arg10 : memref<64x128xf32, #tpu.memory_space<vmem>>) offsets(%dma_start3A_54 : memref<64xi32, #tpu.memory_space<vmem>>) semaphore(%arg15 : memref<!tpu.dma_semaphore, #tpu.memory_space<semaphore_mem>>)
      %dma_start3A_58 = arith.constant 3 : i32
      %dma_start3A_59 = arith.constant 0 : i32
      %dma_start3A_60 = tpu.memref_slice %arg6[%dma_start3A_58, %dma_start3A_59] : memref<40x64xi32, #tpu.memory_space<vmem>> -> memref<1x64xi32, #tpu.memory_space<vmem>>
      %dma_start3A_61 = tpu.memref_squeeze %dma_start3A_60 : memref<1x64xi32, #tpu.memory_space<vmem>> -> memref<64xi32, #tpu.memory_space<vmem>>
      %dma_start3A_62 = arith.constant 0 : i32
      %dma_start3A_63 = arith.constant 0 : i32
      %dma_start3A_64 = tpu.memref_slice %arg2[%dma_start3A_62, %dma_start3A_63] : memref<10240x128xf32, #tpu.memory_space<hbm>> -> memref<10240x128xf32, #tpu.memory_space<hbm>>
      tpu.enqueue_indirect_dma source(%dma_start3A_64 : memref<10240x128xf32, #tpu.memory_space<hbm>>) target(%arg11 : memref<64x128xf32, #tpu.memory_space<vmem>>) offsets(%dma_start3A_61 : memref<64xi32, #tpu.memory_space<vmem>>) semaphore(%arg16 : memref<!tpu.dma_semaphore, #tpu.memory_space<semaphore_mem>>)
      %scan3A_65 = arith.constant 0 : i32
      %scan3A_66 = arith.constant 0 : i32
      %scan3A_67 = arith.constant 5 : i32
      %scan3A_68 = arith.addi %scan3A_66, %scan3A_67 : i32
      %scan3A_69 = arith.constant 1 : i32
      %scan3A_70 = scf.for %scan3A_73 = %scan3A_66 to %scan3A_68 step %scan3A_69 iter_args(%scan3A_74 = %scan3A_65) -> (i32)  : i32 {
        %mul3A_75 = arith.constant 8 : i32
        %mul3A_76 = arith.muli %scan3A_73, %mul3A_75 : i32
        %add3A_77 = arith.constant 0 : i32
        %add3A_78 = arith.addi %mul3A_76, %add3A_77 : i32
        %dma_wait3A = arith.constant 0 : i32
        %dma_wait3A_79 = tpu.memref_slice %arg6[%add3A_78, %dma_wait3A] : memref<40x64xi32, #tpu.memory_space<vmem>> -> memref<1x64xi32, #tpu.memory_space<vmem>>
        %dma_wait3A_80 = tpu.memref_squeeze %dma_wait3A_79 : memref<1x64xi32, #tpu.memory_space<vmem>> -> memref<64xi32, #tpu.memory_space<vmem>>
        %dma_wait3A_81 = arith.constant 0 : i32
        %dma_wait3A_82 = arith.constant 0 : i32
        %dma_wait3A_83 = tpu.memref_slice %arg2[%dma_wait3A_81, %dma_wait3A_82] : memref<10240x128xf32, #tpu.memory_space<hbm>> -> memref<10240x128xf32, #tpu.memory_space<hbm>>
        tpu.wait_indirect_dma semaphore(%arg13 : memref<!tpu.dma_semaphore, #tpu.memory_space<semaphore_mem>>) src(%dma_wait3A_83 : memref<10240x128xf32, #tpu.memory_space<hbm>>) dst(%arg8 : memref<64x128xf32, #tpu.memory_space<vmem>>)
        "tpu.region"() ({
          %run_scoped3A = tpu.sem_alloc : memref<!tpu.dma_semaphore, #tpu.memory_space<semaphore_mem>>
          %dma_start3A_204 = arith.constant 0 : i32
          %dma_start3A_205 = tpu.memref_slice %arg7[%add3A_78, %dma_start3A_204] : memref<40x64xi32, #tpu.memory_space<vmem>> -> memref<1x64xi32, #tpu.memory_space<vmem>>
          %dma_start3A_206 = tpu.memref_squeeze %dma_start3A_205 : memref<1x64xi32, #tpu.memory_space<vmem>> -> memref<64xi32, #tpu.memory_space<vmem>>
          %dma_start3A_207 = arith.constant 0 : i32
          %dma_start3A_208 = arith.constant 0 : i32
          %dma_start3A_209 = tpu.memref_slice %arg12[%dma_start3A_207, %dma_start3A_208] : memref<10240x128xf32, #tpu.memory_space<vmem_shared>> -> memref<10240x128xf32, #tpu.memory_space<vmem_shared>>
          tpu.enqueue_indirect_dma source(%arg8 : memref<64x128xf32, #tpu.memory_space<vmem>>) target(%dma_start3A_209 : memref<10240x128xf32, #tpu.memory_space<vmem_shared>>) offsets(%dma_start3A_206 : memref<64xi32, #tpu.memory_space<vmem>>) semaphore(%run_scoped3A : memref<!tpu.dma_semaphore, #tpu.memory_space<semaphore_mem>>) {add = true}
          %dma_wait3A_210 = arith.constant 0 : i32
          %dma_wait3A_211 = tpu.memref_slice %arg7[%add3A_78, %dma_wait3A_210] : memref<40x64xi32, #tpu.memory_space<vmem>> -> memref<1x64xi32, #tpu.memory_space<vmem>>
          %dma_wait3A_212 = tpu.memref_squeeze %dma_wait3A_211 : memref<1x64xi32, #tpu.memory_space<vmem>> -> memref<64xi32, #tpu.memory_space<vmem>>
          %dma_wait3A_213 = arith.constant 0 : i32
          %dma_wait3A_214 = arith.constant 0 : i32
          %dma_wait3A_215 = tpu.memref_slice %arg12[%dma_wait3A_213, %dma_wait3A_214] : memref<10240x128xf32, #tpu.memory_space<vmem_shared>> -> memref<10240x128xf32, #tpu.memory_space<vmem_shared>>
          tpu.wait_indirect_dma semaphore(%run_scoped3A : memref<!tpu.dma_semaphore, #tpu.memory_space<semaphore_mem>>) src(%arg8 : memref<64x128xf32, #tpu.memory_space<vmem>>) dst(%dma_wait3A_215 : memref<10240x128xf32, #tpu.memory_space<vmem_shared>>)
          tpu.yield
        }) : () -> ()
        %add3A_84 = arith.constant 4 : i32
        %add3A_85 = arith.addi %add3A_78, %add3A_84 : i32
        %dma_start3A_86 = arith.constant 0 : i32
        %dma_start3A_87 = tpu.memref_slice %arg6[%add3A_85, %dma_start3A_86] : memref<40x64xi32, #tpu.memory_space<vmem>> -> memref<1x64xi32, #tpu.memory_space<vmem>>
        %dma_start3A_88 = tpu.memref_squeeze %dma_start3A_87 : memref<1x64xi32, #tpu.memory_space<vmem>> -> memref<64xi32, #tpu.memory_space<vmem>>
        %dma_start3A_89 = arith.constant 0 : i32
        %dma_start3A_90 = arith.constant 0 : i32
        %dma_start3A_91 = tpu.memref_slice %arg2[%dma_start3A_89, %dma_start3A_90] : memref<10240x128xf32, #tpu.memory_space<hbm>> -> memref<10240x128xf32, #tpu.memory_space<hbm>>
        tpu.enqueue_indirect_dma source(%dma_start3A_91 : memref<10240x128xf32, #tpu.memory_space<hbm>>) target(%arg8 : memref<64x128xf32, #tpu.memory_space<vmem>>) offsets(%dma_start3A_88 : memref<64xi32, #tpu.memory_space<vmem>>) semaphore(%arg13 : memref<!tpu.dma_semaphore, #tpu.memory_space<semaphore_mem>>)
        %mul3A_92 = arith.constant 8 : i32
        %mul3A_93 = arith.muli %scan3A_73, %mul3A_92 : i32
        %add3A_94 = arith.constant 1 : i32
        %add3A_95 = arith.addi %mul3A_93, %add3A_94 : i32
        %dma_wait3A_96 = arith.constant 0 : i32
        %dma_wait3A_97 = tpu.memref_slice %arg6[%add3A_95, %dma_wait3A_96] : memref<40x64xi32, #tpu.memory_space<vmem>> -> memref<1x64xi32, #tpu.memory_space<vmem>>
        %dma_wait3A_98 = tpu.memref_squeeze %dma_wait3A_97 : memref<1x64xi32, #tpu.memory_space<vmem>> -> memref<64xi32, #tpu.memory_space<vmem>>
        %dma_wait3A_99 = arith.constant 0 : i32
        %dma_wait3A_100 = arith.constant 0 : i32
        %dma_wait3A_101 = tpu.memref_slice %arg2[%dma_wait3A_99, %dma_wait3A_100] : memref<10240x128xf32, #tpu.memory_space<hbm>> -> memref<10240x128xf32, #tpu.memory_space<hbm>>
        tpu.wait_indirect_dma semaphore(%arg14 : memref<!tpu.dma_semaphore, #tpu.memory_space<semaphore_mem>>) src(%dma_wait3A_101 : memref<10240x128xf32, #tpu.memory_space<hbm>>) dst(%arg9 : memref<64x128xf32, #tpu.memory_space<vmem>>)
        "tpu.region"() ({
          %run_scoped3A = tpu.sem_alloc : memref<!tpu.dma_semaphore, #tpu.memory_space<semaphore_mem>>
          %dma_start3A_204 = arith.constant 0 : i32
          %dma_start3A_205 = tpu.memref_slice %arg7[%add3A_95, %dma_start3A_204] : memref<40x64xi32, #tpu.memory_space<vmem>> -> memref<1x64xi32, #tpu.memory_space<vmem>>
          %dma_start3A_206 = tpu.memref_squeeze %dma_start3A_205 : memref<1x64xi32, #tpu.memory_space<vmem>> -> memref<64xi32, #tpu.memory_space<vmem>>
          %dma_start3A_207 = arith.constant 0 : i32
          %dma_start3A_208 = arith.constant 0 : i32
          %dma_start3A_209 = tpu.memref_slice %arg12[%dma_start3A_207, %dma_start3A_208] : memref<10240x128xf32, #tpu.memory_space<vmem_shared>> -> memref<10240x128xf32, #tpu.memory_space<vmem_shared>>
          tpu.enqueue_indirect_dma source(%arg9 : memref<64x128xf32, #tpu.memory_space<vmem>>) target(%dma_start3A_209 : memref<10240x128xf32, #tpu.memory_space<vmem_shared>>) offsets(%dma_start3A_206 : memref<64xi32, #tpu.memory_space<vmem>>) semaphore(%run_scoped3A : memref<!tpu.dma_semaphore, #tpu.memory_space<semaphore_mem>>) {add = true}
          %dma_wait3A_210 = arith.constant 0 : i32
          %dma_wait3A_211 = tpu.memref_slice %arg7[%add3A_95, %dma_wait3A_210] : memref<40x64xi32, #tpu.memory_space<vmem>> -> memref<1x64xi32, #tpu.memory_space<vmem>>
          %dma_wait3A_212 = tpu.memref_squeeze %dma_wait3A_211 : memref<1x64xi32, #tpu.memory_space<vmem>> -> memref<64xi32, #tpu.memory_space<vmem>>
          %dma_wait3A_213 = arith.constant 0 : i32
          %dma_wait3A_214 = arith.constant 0 : i32
          %dma_wait3A_215 = tpu.memref_slice %arg12[%dma_wait3A_213, %dma_wait3A_214] : memref<10240x128xf32, #tpu.memory_space<vmem_shared>> -> memref<10240x128xf32, #tpu.memory_space<vmem_shared>>
          tpu.wait_indirect_dma semaphore(%run_scoped3A : memref<!tpu.dma_semaphore, #tpu.memory_space<semaphore_mem>>) src(%arg9 : memref<64x128xf32, #tpu.memory_space<vmem>>) dst(%dma_wait3A_215 : memref<10240x128xf32, #tpu.memory_space<vmem_shared>>)
          tpu.yield
        }) : () -> ()
        %add3A_102 = arith.constant 4 : i32
        %add3A_103 = arith.addi %add3A_95, %add3A_102 : i32
        %dma_start3A_104 = arith.constant 0 : i32
        %dma_start3A_105 = tpu.memref_slice %arg6[%add3A_103, %dma_start3A_104] : memref<40x64xi32, #tpu.memory_space<vmem>> -> memref<1x64xi32, #tpu.memory_space<vmem>>
        %dma_start3A_106 = tpu.memref_squeeze %dma_start3A_105 : memref<1x64xi32, #tpu.memory_space<vmem>> -> memref<64xi32, #tpu.memory_space<vmem>>
        %dma_start3A_107 = arith.constant 0 : i32
        %dma_start3A_108 = arith.constant 0 : i32
        %dma_start3A_109 = tpu.memref_slice %arg2[%dma_start3A_107, %dma_start3A_108] : memref<10240x128xf32, #tpu.memory_space<hbm>> -> memref<10240x128xf32, #tpu.memory_space<hbm>>
        tpu.enqueue_indirect_dma source(%dma_start3A_109 : memref<10240x128xf32, #tpu.memory_space<hbm>>) target(%arg9 : memref<64x128xf32, #tpu.memory_space<vmem>>) offsets(%dma_start3A_106 : memref<64xi32, #tpu.memory_space<vmem>>) semaphore(%arg14 : memref<!tpu.dma_semaphore, #tpu.memory_space<semaphore_mem>>)
        %mul3A_110 = arith.constant 8 : i32
        %mul3A_111 = arith.muli %scan3A_73, %mul3A_110 : i32
        %add3A_112 = arith.constant 2 : i32
        %add3A_113 = arith.addi %mul3A_111, %add3A_112 : i32
        %dma_wait3A_114 = arith.constant 0 : i32
        %dma_wait3A_115 = tpu.memref_slice %arg6[%add3A_113, %dma_wait3A_114] : memref<40x64xi32, #tpu.memory_space<vmem>> -> memref<1x64xi32, #tpu.memory_space<vmem>>
        %dma_wait3A_116 = tpu.memref_squeeze %dma_wait3A_115 : memref<1x64xi32, #tpu.memory_space<vmem>> -> memref<64xi32, #tpu.memory_space<vmem>>
        %dma_wait3A_117 = arith.constant 0 : i32
        %dma_wait3A_118 = arith.constant 0 : i32
        %dma_wait3A_119 = tpu.memref_slice %arg2[%dma_wait3A_117, %dma_wait3A_118] : memref<10240x128xf32, #tpu.memory_space<hbm>> -> memref<10240x128xf32, #tpu.memory_space<hbm>>
        tpu.wait_indirect_dma semaphore(%arg15 : memref<!tpu.dma_semaphore, #tpu.memory_space<semaphore_mem>>) src(%dma_wait3A_119 : memref<10240x128xf32, #tpu.memory_space<hbm>>) dst(%arg10 : memref<64x128xf32, #tpu.memory_space<vmem>>)
        "tpu.region"() ({
          %run_scoped3A = tpu.sem_alloc : memref<!tpu.dma_semaphore, #tpu.memory_space<semaphore_mem>>
          %dma_start3A_204 = arith.constant 0 : i32
          %dma_start3A_205 = tpu.memref_slice %arg7[%add3A_113, %dma_start3A_204] : memref<40x64xi32, #tpu.memory_space<vmem>> -> memref<1x64xi32, #tpu.memory_space<vmem>>
          %dma_start3A_206 = tpu.memref_squeeze %dma_start3A_205 : memref<1x64xi32, #tpu.memory_space<vmem>> -> memref<64xi32, #tpu.memory_space<vmem>>
          %dma_start3A_207 = arith.constant 0 : i32
          %dma_start3A_208 = arith.constant 0 : i32
          %dma_start3A_209 = tpu.memref_slice %arg12[%dma_start3A_207, %dma_start3A_208] : memref<10240x128xf32, #tpu.memory_space<vmem_shared>> -> memref<10240x128xf32, #tpu.memory_space<vmem_shared>>
          tpu.enqueue_indirect_dma source(%arg10 : memref<64x128xf32, #tpu.memory_space<vmem>>) target(%dma_start3A_209 : memref<10240x128xf32, #tpu.memory_space<vmem_shared>>) offsets(%dma_start3A_206 : memref<64xi32, #tpu.memory_space<vmem>>) semaphore(%run_scoped3A : memref<!tpu.dma_semaphore, #tpu.memory_space<semaphore_mem>>) {add = true}
          %dma_wait3A_210 = arith.constant 0 : i32
          %dma_wait3A_211 = tpu.memref_slice %arg7[%add3A_113, %dma_wait3A_210] : memref<40x64xi32, #tpu.memory_space<vmem>> -> memref<1x64xi32, #tpu.memory_space<vmem>>
          %dma_wait3A_212 = tpu.memref_squeeze %dma_wait3A_211 : memref<1x64xi32, #tpu.memory_space<vmem>> -> memref<64xi32, #tpu.memory_space<vmem>>
          %dma_wait3A_213 = arith.constant 0 : i32
          %dma_wait3A_214 = arith.constant 0 : i32
          %dma_wait3A_215 = tpu.memref_slice %arg12[%dma_wait3A_213, %dma_wait3A_214] : memref<10240x128xf32, #tpu.memory_space<vmem_shared>> -> memref<10240x128xf32, #tpu.memory_space<vmem_shared>>
          tpu.wait_indirect_dma semaphore(%run_scoped3A : memref<!tpu.dma_semaphore, #tpu.memory_space<semaphore_mem>>) src(%arg10 : memref<64x128xf32, #tpu.memory_space<vmem>>) dst(%dma_wait3A_215 : memref<10240x128xf32, #tpu.memory_space<vmem_shared>>)
          tpu.yield
        }) : () -> ()
        %add3A_120 = arith.constant 4 : i32
        %add3A_121 = arith.addi %add3A_113, %add3A_120 : i32
        %dma_start3A_122 = arith.constant 0 : i32
        %dma_start3A_123 = tpu.memref_slice %arg6[%add3A_121, %dma_start3A_122] : memref<40x64xi32, #tpu.memory_space<vmem>> -> memref<1x64xi32, #tpu.memory_space<vmem>>
        %dma_start3A_124 = tpu.memref_squeeze %dma_start3A_123 : memref<1x64xi32, #tpu.memory_space<vmem>> -> memref<64xi32, #tpu.memory_space<vmem>>
        %dma_start3A_125 = arith.constant 0 : i32
        %dma_start3A_126 = arith.constant 0 : i32
        %dma_start3A_127 = tpu.memref_slice %arg2[%dma_start3A_125, %dma_start3A_126] : memref<10240x128xf32, #tpu.memory_space<hbm>> -> memref<10240x128xf32, #tpu.memory_space<hbm>>
        tpu.enqueue_indirect_dma source(%dma_start3A_127 : memref<10240x128xf32, #tpu.memory_space<hbm>>) target(%arg10 : memref<64x128xf32, #tpu.memory_space<vmem>>) offsets(%dma_start3A_124 : memref<64xi32, #tpu.memory_space<vmem>>) semaphore(%arg15 : memref<!tpu.dma_semaphore, #tpu.memory_space<semaphore_mem>>)
        %mul3A_128 = arith.constant 8 : i32
        %mul3A_129 = arith.muli %scan3A_73, %mul3A_128 : i32
        %add3A_130 = arith.constant 3 : i32
        %add3A_131 = arith.addi %mul3A_129, %add3A_130 : i32
        %dma_wait3A_132 = arith.constant 0 : i32
        %dma_wait3A_133 = tpu.memref_slice %arg6[%add3A_131, %dma_wait3A_132] : memref<40x64xi32, #tpu.memory_space<vmem>> -> memref<1x64xi32, #tpu.memory_space<vmem>>
        %dma_wait3A_134 = tpu.memref_squeeze %dma_wait3A_133 : memref<1x64xi32, #tpu.memory_space<vmem>> -> memref<64xi32, #tpu.memory_space<vmem>>
        %dma_wait3A_135 = arith.constant 0 : i32
        %dma_wait3A_136 = arith.constant 0 : i32
        %dma_wait3A_137 = tpu.memref_slice %arg2[%dma_wait3A_135, %dma_wait3A_136] : memref<10240x128xf32, #tpu.memory_space<hbm>> -> memref<10240x128xf32, #tpu.memory_space<hbm>>
        tpu.wait_indirect_dma semaphore(%arg16 : memref<!tpu.dma_semaphore, #tpu.memory_space<semaphore_mem>>) src(%dma_wait3A_137 : memref<10240x128xf32, #tpu.memory_space<hbm>>) dst(%arg11 : memref<64x128xf32, #tpu.memory_space<vmem>>)
        "tpu.region"() ({
          %run_scoped3A = tpu.sem_alloc : memref<!tpu.dma_semaphore, #tpu.memory_space<semaphore_mem>>
          %dma_start3A_204 = arith.constant 0 : i32
          %dma_start3A_205 = tpu.memref_slice %arg7[%add3A_131, %dma_start3A_204] : memref<40x64xi32, #tpu.memory_space<vmem>> -> memref<1x64xi32, #tpu.memory_space<vmem>>
          %dma_start3A_206 = tpu.memref_squeeze %dma_start3A_205 : memref<1x64xi32, #tpu.memory_space<vmem>> -> memref<64xi32, #tpu.memory_space<vmem>>
          %dma_start3A_207 = arith.constant 0 : i32
          %dma_start3A_208 = arith.constant 0 : i32
          %dma_start3A_209 = tpu.memref_slice %arg12[%dma_start3A_207, %dma_start3A_208] : memref<10240x128xf32, #tpu.memory_space<vmem_shared>> -> memref<10240x128xf32, #tpu.memory_space<vmem_shared>>
          tpu.enqueue_indirect_dma source(%arg11 : memref<64x128xf32, #tpu.memory_space<vmem>>) target(%dma_start3A_209 : memref<10240x128xf32, #tpu.memory_space<vmem_shared>>) offsets(%dma_start3A_206 : memref<64xi32, #tpu.memory_space<vmem>>) semaphore(%run_scoped3A : memref<!tpu.dma_semaphore, #tpu.memory_space<semaphore_mem>>) {add = true}
          %dma_wait3A_210 = arith.constant 0 : i32
          %dma_wait3A_211 = tpu.memref_slice %arg7[%add3A_131, %dma_wait3A_210] : memref<40x64xi32, #tpu.memory_space<vmem>> -> memref<1x64xi32, #tpu.memory_space<vmem>>
          %dma_wait3A_212 = tpu.memref_squeeze %dma_wait3A_211 : memref<1x64xi32, #tpu.memory_space<vmem>> -> memref<64xi32, #tpu.memory_space<vmem>>
          %dma_wait3A_213 = arith.constant 0 : i32
          %dma_wait3A_214 = arith.constant 0 : i32
          %dma_wait3A_215 = tpu.memref_slice %arg12[%dma_wait3A_213, %dma_wait3A_214] : memref<10240x128xf32, #tpu.memory_space<vmem_shared>> -> memref<10240x128xf32, #tpu.memory_space<vmem_shared>>
          tpu.wait_indirect_dma semaphore(%run_scoped3A : memref<!tpu.dma_semaphore, #tpu.memory_space<semaphore_mem>>) src(%arg11 : memref<64x128xf32, #tpu.memory_space<vmem>>) dst(%dma_wait3A_215 : memref<10240x128xf32, #tpu.memory_space<vmem_shared>>)
          tpu.yield
        }) : () -> ()
        %add3A_138 = arith.constant 4 : i32
        %add3A_139 = arith.addi %add3A_131, %add3A_138 : i32
        %dma_start3A_140 = arith.constant 0 : i32
        %dma_start3A_141 = tpu.memref_slice %arg6[%add3A_139, %dma_start3A_140] : memref<40x64xi32, #tpu.memory_space<vmem>> -> memref<1x64xi32, #tpu.memory_space<vmem>>
        %dma_start3A_142 = tpu.memref_squeeze %dma_start3A_141 : memref<1x64xi32, #tpu.memory_space<vmem>> -> memref<64xi32, #tpu.memory_space<vmem>>
        %dma_start3A_143 = arith.constant 0 : i32
        %dma_start3A_144 = arith.constant 0 : i32
        %dma_start3A_145 = tpu.memref_slice %arg2[%dma_start3A_143, %dma_start3A_144] : memref<10240x128xf32, #tpu.memory_space<hbm>> -> memref<10240x128xf32, #tpu.memory_space<hbm>>
        tpu.enqueue_indirect_dma source(%dma_start3A_145 : memref<10240x128xf32, #tpu.memory_space<hbm>>) target(%arg11 : memref<64x128xf32, #tpu.memory_space<vmem>>) offsets(%dma_start3A_142 : memref<64xi32, #tpu.memory_space<vmem>>) semaphore(%arg16 : memref<!tpu.dma_semaphore, #tpu.memory_space<semaphore_mem>>)
        %mul3A_146 = arith.constant 8 : i32
        %mul3A_147 = arith.muli %scan3A_73, %mul3A_146 : i32
        %add3A_148 = arith.constant 4 : i32
        %add3A_149 = arith.addi %mul3A_147, %add3A_148 : i32
        %dma_wait3A_150 = arith.constant 0 : i32
        %dma_wait3A_151 = tpu.memref_slice %arg6[%add3A_149, %dma_wait3A_150] : memref<40x64xi32, #tpu.memory_space<vmem>> -> memref<1x64xi32, #tpu.memory_space<vmem>>
        %dma_wait3A_152 = tpu.memref_squeeze %dma_wait3A_151 : memref<1x64xi32, #tpu.memory_space<vmem>> -> memref<64xi32, #tpu.memory_space<vmem>>
        %dma_wait3A_153 = arith.constant 0 : i32
        %dma_wait3A_154 = arith.constant 0 : i32
        %dma_wait3A_155 = tpu.memref_slice %arg2[%dma_wait3A_153, %dma_wait3A_154] : memref<10240x128xf32, #tpu.memory_space<hbm>> -> memref<10240x128xf32, #tpu.memory_space<hbm>>
        tpu.wait_indirect_dma semaphore(%arg13 : memref<!tpu.dma_semaphore, #tpu.memory_space<semaphore_mem>>) src(%dma_wait3A_155 : memref<10240x128xf32, #tpu.memory_space<hbm>>) dst(%arg8 : memref<64x128xf32, #tpu.memory_space<vmem>>)
        "tpu.region"() ({
          %run_scoped3A = tpu.sem_alloc : memref<!tpu.dma_semaphore, #tpu.memory_space<semaphore_mem>>
          %dma_start3A_204 = arith.constant 0 : i32
          %dma_start3A_205 = tpu.memref_slice %arg7[%add3A_149, %dma_start3A_204] : memref<40x64xi32, #tpu.memory_space<vmem>> -> memref<1x64xi32, #tpu.memory_space<vmem>>
          %dma_start3A_206 = tpu.memref_squeeze %dma_start3A_205 : memref<1x64xi32, #tpu.memory_space<vmem>> -> memref<64xi32, #tpu.memory_space<vmem>>
          %dma_start3A_207 = arith.constant 0 : i32
          %dma_start3A_208 = arith.constant 0 : i32
          %dma_start3A_209 = tpu.memref_slice %arg12[%dma_start3A_207, %dma_start3A_208] : memref<10240x128xf32, #tpu.memory_space<vmem_shared>> -> memref<10240x128xf32, #tpu.memory_space<vmem_shared>>
          tpu.enqueue_indirect_dma source(%arg8 : memref<64x128xf32, #tpu.memory_space<vmem>>) target(%dma_start3A_209 : memref<10240x128xf32, #tpu.memory_space<vmem_shared>>) offsets(%dma_start3A_206 : memref<64xi32, #tpu.memory_space<vmem>>) semaphore(%run_scoped3A : memref<!tpu.dma_semaphore, #tpu.memory_space<semaphore_mem>>) {add = true}
          %dma_wait3A_210 = arith.constant 0 : i32
          %dma_wait3A_211 = tpu.memref_slice %arg7[%add3A_149, %dma_wait3A_210] : memref<40x64xi32, #tpu.memory_space<vmem>> -> memref<1x64xi32, #tpu.memory_space<vmem>>
          %dma_wait3A_212 = tpu.memref_squeeze %dma_wait3A_211 : memref<1x64xi32, #tpu.memory_space<vmem>> -> memref<64xi32, #tpu.memory_space<vmem>>
          %dma_wait3A_213 = arith.constant 0 : i32
          %dma_wait3A_214 = arith.constant 0 : i32
          %dma_wait3A_215 = tpu.memref_slice %arg12[%dma_wait3A_213, %dma_wait3A_214] : memref<10240x128xf32, #tpu.memory_space<vmem_shared>> -> memref<10240x128xf32, #tpu.memory_space<vmem_shared>>
          tpu.wait_indirect_dma semaphore(%run_scoped3A : memref<!tpu.dma_semaphore, #tpu.memory_space<semaphore_mem>>) src(%arg8 : memref<64x128xf32, #tpu.memory_space<vmem>>) dst(%dma_wait3A_215 : memref<10240x128xf32, #tpu.memory_space<vmem_shared>>)
          tpu.yield
        }) : () -> ()
        %lt3A = arith.constant 4 : i32
        %lt3A_156 = arith.cmpi slt, %scan3A_73, %lt3A : i32
        %convert_element_type3A = arith.extui %lt3A_156 : i1 to i32
        %cond3A = arith.constant 0 : i32
        %cond3A_157 = arith.cmpi ne, %convert_element_type3A, %cond3A : i32
        scf.if %cond3A_157 {
          %add3A_204 = arith.constant 4 : i32
          %add3A_205 = arith.addi %add3A_149, %add3A_204 : i32
          %dma_start3A_206 = arith.constant 0 : i32
          %dma_start3A_207 = tpu.memref_slice %arg6[%add3A_205, %dma_start3A_206] : memref<40x64xi32, #tpu.memory_space<vmem>> -> memref<1x64xi32, #tpu.memory_space<vmem>>
          %dma_start3A_208 = tpu.memref_squeeze %dma_start3A_207 : memref<1x64xi32, #tpu.memory_space<vmem>> -> memref<64xi32, #tpu.memory_space<vmem>>
          %dma_start3A_209 = arith.constant 0 : i32
          %dma_start3A_210 = arith.constant 0 : i32
          %dma_start3A_211 = tpu.memref_slice %arg2[%dma_start3A_209, %dma_start3A_210] : memref<10240x128xf32, #tpu.memory_space<hbm>> -> memref<10240x128xf32, #tpu.memory_space<hbm>>
          tpu.enqueue_indirect_dma source(%dma_start3A_211 : memref<10240x128xf32, #tpu.memory_space<hbm>>) target(%arg8 : memref<64x128xf32, #tpu.memory_space<vmem>>) offsets(%dma_start3A_208 : memref<64xi32, #tpu.memory_space<vmem>>) semaphore(%arg13 : memref<!tpu.dma_semaphore, #tpu.memory_space<semaphore_mem>>)
        } else {
        }
        %mul3A_158 = arith.constant 8 : i32
        %mul3A_159 = arith.muli %scan3A_73, %mul3A_158 : i32
        %add3A_160 = arith.constant 5 : i32
        %add3A_161 = arith.addi %mul3A_159, %add3A_160 : i32
        %dma_wait3A_162 = arith.constant 0 : i32
        %dma_wait3A_163 = tpu.memref_slice %arg6[%add3A_161, %dma_wait3A_162] : memref<40x64xi32, #tpu.memory_space<vmem>> -> memref<1x64xi32, #tpu.memory_space<vmem>>
        %dma_wait3A_164 = tpu.memref_squeeze %dma_wait3A_163 : memref<1x64xi32, #tpu.memory_space<vmem>> -> memref<64xi32, #tpu.memory_space<vmem>>
        %dma_wait3A_165 = arith.constant 0 : i32
        %dma_wait3A_166 = arith.constant 0 : i32
        %dma_wait3A_167 = tpu.memref_slice %arg2[%dma_wait3A_165, %dma_wait3A_166] : memref<10240x128xf32, #tpu.memory_space<hbm>> -> memref<10240x128xf32, #tpu.memory_space<hbm>>
        tpu.wait_indirect_dma semaphore(%arg14 : memref<!tpu.dma_semaphore, #tpu.memory_space<semaphore_mem>>) src(%dma_wait3A_167 : memref<10240x128xf32, #tpu.memory_space<hbm>>) dst(%arg9 : memref<64x128xf32, #tpu.memory_space<vmem>>)
        "tpu.region"() ({
          %run_scoped3A = tpu.sem_alloc : memref<!tpu.dma_semaphore, #tpu.memory_space<semaphore_mem>>
          %dma_start3A_204 = arith.constant 0 : i32
          %dma_start3A_205 = tpu.memref_slice %arg7[%add3A_161, %dma_start3A_204] : memref<40x64xi32, #tpu.memory_space<vmem>> -> memref<1x64xi32, #tpu.memory_space<vmem>>
          %dma_start3A_206 = tpu.memref_squeeze %dma_start3A_205 : memref<1x64xi32, #tpu.memory_space<vmem>> -> memref<64xi32, #tpu.memory_space<vmem>>
          %dma_start3A_207 = arith.constant 0 : i32
          %dma_start3A_208 = arith.constant 0 : i32
          %dma_start3A_209 = tpu.memref_slice %arg12[%dma_start3A_207, %dma_start3A_208] : memref<10240x128xf32, #tpu.memory_space<vmem_shared>> -> memref<10240x128xf32, #tpu.memory_space<vmem_shared>>
          tpu.enqueue_indirect_dma source(%arg9 : memref<64x128xf32, #tpu.memory_space<vmem>>) target(%dma_start3A_209 : memref<10240x128xf32, #tpu.memory_space<vmem_shared>>) offsets(%dma_start3A_206 : memref<64xi32, #tpu.memory_space<vmem>>) semaphore(%run_scoped3A : memref<!tpu.dma_semaphore, #tpu.memory_space<semaphore_mem>>) {add = true}
          %dma_wait3A_210 = arith.constant 0 : i32
          %dma_wait3A_211 = tpu.memref_slice %arg7[%add3A_161, %dma_wait3A_210] : memref<40x64xi32, #tpu.memory_space<vmem>> -> memref<1x64xi32, #tpu.memory_space<vmem>>
          %dma_wait3A_212 = tpu.memref_squeeze %dma_wait3A_211 : memref<1x64xi32, #tpu.memory_space<vmem>> -> memref<64xi32, #tpu.memory_space<vmem>>
          %dma_wait3A_213 = arith.constant 0 : i32
          %dma_wait3A_214 = arith.constant 0 : i32
          %dma_wait3A_215 = tpu.memref_slice %arg12[%dma_wait3A_213, %dma_wait3A_214] : memref<10240x128xf32, #tpu.memory_space<vmem_shared>> -> memref<10240x128xf32, #tpu.memory_space<vmem_shared>>
          tpu.wait_indirect_dma semaphore(%run_scoped3A : memref<!tpu.dma_semaphore, #tpu.memory_space<semaphore_mem>>) src(%arg9 : memref<64x128xf32, #tpu.memory_space<vmem>>) dst(%dma_wait3A_215 : memref<10240x128xf32, #tpu.memory_space<vmem_shared>>)
          tpu.yield
        }) : () -> ()
        %lt3A_168 = arith.constant 4 : i32
        %lt3A_169 = arith.cmpi slt, %scan3A_73, %lt3A_168 : i32
        %convert_element_type3A_170 = arith.extui %lt3A_169 : i1 to i32
        %cond3A_171 = arith.constant 0 : i32
        %cond3A_172 = arith.cmpi ne, %convert_element_type3A_170, %cond3A_171 : i32
        scf.if %cond3A_172 {
          %add3A_204 = arith.constant 4 : i32
          %add3A_205 = arith.addi %add3A_161, %add3A_204 : i32
          %dma_start3A_206 = arith.constant 0 : i32
          %dma_start3A_207 = tpu.memref_slice %arg6[%add3A_205, %dma_start3A_206] : memref<40x64xi32, #tpu.memory_space<vmem>> -> memref<1x64xi32, #tpu.memory_space<vmem>>
          %dma_start3A_208 = tpu.memref_squeeze %dma_start3A_207 : memref<1x64xi32, #tpu.memory_space<vmem>> -> memref<64xi32, #tpu.memory_space<vmem>>
          %dma_start3A_209 = arith.constant 0 : i32
          %dma_start3A_210 = arith.constant 0 : i32
          %dma_start3A_211 = tpu.memref_slice %arg2[%dma_start3A_209, %dma_start3A_210] : memref<10240x128xf32, #tpu.memory_space<hbm>> -> memref<10240x128xf32, #tpu.memory_space<hbm>>
          tpu.enqueue_indirect_dma source(%dma_start3A_211 : memref<10240x128xf32, #tpu.memory_space<hbm>>) target(%arg9 : memref<64x128xf32, #tpu.memory_space<vmem>>) offsets(%dma_start3A_208 : memref<64xi32, #tpu.memory_space<vmem>>) semaphore(%arg14 : memref<!tpu.dma_semaphore, #tpu.memory_space<semaphore_mem>>)
        } else {
        }
        %mul3A_173 = arith.constant 8 : i32
        %mul3A_174 = arith.muli %scan3A_73, %mul3A_173 : i32
        %add3A_175 = arith.constant 6 : i32
        %add3A_176 = arith.addi %mul3A_174, %add3A_175 : i32
        %dma_wait3A_177 = arith.constant 0 : i32
        %dma_wait3A_178 = tpu.memref_slice %arg6[%add3A_176, %dma_wait3A_177] : memref<40x64xi32, #tpu.memory_space<vmem>> -> memref<1x64xi32, #tpu.memory_space<vmem>>
        %dma_wait3A_179 = tpu.memref_squeeze %dma_wait3A_178 : memref<1x64xi32, #tpu.memory_space<vmem>> -> memref<64xi32, #tpu.memory_space<vmem>>
        %dma_wait3A_180 = arith.constant 0 : i32
        %dma_wait3A_181 = arith.constant 0 : i32
        %dma_wait3A_182 = tpu.memref_slice %arg2[%dma_wait3A_180, %dma_wait3A_181] : memref<10240x128xf32, #tpu.memory_space<hbm>> -> memref<10240x128xf32, #tpu.memory_space<hbm>>
        tpu.wait_indirect_dma semaphore(%arg15 : memref<!tpu.dma_semaphore, #tpu.memory_space<semaphore_mem>>) src(%dma_wait3A_182 : memref<10240x128xf32, #tpu.memory_space<hbm>>) dst(%arg10 : memref<64x128xf32, #tpu.memory_space<vmem>>)
        "tpu.region"() ({
          %run_scoped3A = tpu.sem_alloc : memref<!tpu.dma_semaphore, #tpu.memory_space<semaphore_mem>>
          %dma_start3A_204 = arith.constant 0 : i32
          %dma_start3A_205 = tpu.memref_slice %arg7[%add3A_176, %dma_start3A_204] : memref<40x64xi32, #tpu.memory_space<vmem>> -> memref<1x64xi32, #tpu.memory_space<vmem>>
          %dma_start3A_206 = tpu.memref_squeeze %dma_start3A_205 : memref<1x64xi32, #tpu.memory_space<vmem>> -> memref<64xi32, #tpu.memory_space<vmem>>
          %dma_start3A_207 = arith.constant 0 : i32
          %dma_start3A_208 = arith.constant 0 : i32
          %dma_start3A_209 = tpu.memref_slice %arg12[%dma_start3A_207, %dma_start3A_208] : memref<10240x128xf32, #tpu.memory_space<vmem_shared>> -> memref<10240x128xf32, #tpu.memory_space<vmem_shared>>
          tpu.enqueue_indirect_dma source(%arg10 : memref<64x128xf32, #tpu.memory_space<vmem>>) target(%dma_start3A_209 : memref<10240x128xf32, #tpu.memory_space<vmem_shared>>) offsets(%dma_start3A_206 : memref<64xi32, #tpu.memory_space<vmem>>) semaphore(%run_scoped3A : memref<!tpu.dma_semaphore, #tpu.memory_space<semaphore_mem>>) {add = true}
          %dma_wait3A_210 = arith.constant 0 : i32
          %dma_wait3A_211 = tpu.memref_slice %arg7[%add3A_176, %dma_wait3A_210] : memref<40x64xi32, #tpu.memory_space<vmem>> -> memref<1x64xi32, #tpu.memory_space<vmem>>
          %dma_wait3A_212 = tpu.memref_squeeze %dma_wait3A_211 : memref<1x64xi32, #tpu.memory_space<vmem>> -> memref<64xi32, #tpu.memory_space<vmem>>
          %dma_wait3A_213 = arith.constant 0 : i32
          %dma_wait3A_214 = arith.constant 0 : i32
          %dma_wait3A_215 = tpu.memref_slice %arg12[%dma_wait3A_213, %dma_wait3A_214] : memref<10240x128xf32, #tpu.memory_space<vmem_shared>> -> memref<10240x128xf32, #tpu.memory_space<vmem_shared>>
          tpu.wait_indirect_dma semaphore(%run_scoped3A : memref<!tpu.dma_semaphore, #tpu.memory_space<semaphore_mem>>) src(%arg10 : memref<64x128xf32, #tpu.memory_space<vmem>>) dst(%dma_wait3A_215 : memref<10240x128xf32, #tpu.memory_space<vmem_shared>>)
          tpu.yield
        }) : () -> ()
        %lt3A_183 = arith.constant 4 : i32
        %lt3A_184 = arith.cmpi slt, %scan3A_73, %lt3A_183 : i32
        %convert_element_type3A_185 = arith.extui %lt3A_184 : i1 to i32
        %cond3A_186 = arith.constant 0 : i32
        %cond3A_187 = arith.cmpi ne, %convert_element_type3A_185, %cond3A_186 : i32
        scf.if %cond3A_187 {
          %add3A_204 = arith.constant 4 : i32
          %add3A_205 = arith.addi %add3A_176, %add3A_204 : i32
          %dma_start3A_206 = arith.constant 0 : i32
          %dma_start3A_207 = tpu.memref_slice %arg6[%add3A_205, %dma_start3A_206] : memref<40x64xi32, #tpu.memory_space<vmem>> -> memref<1x64xi32, #tpu.memory_space<vmem>>
          %dma_start3A_208 = tpu.memref_squeeze %dma_start3A_207 : memref<1x64xi32, #tpu.memory_space<vmem>> -> memref<64xi32, #tpu.memory_space<vmem>>
          %dma_start3A_209 = arith.constant 0 : i32
          %dma_start3A_210 = arith.constant 0 : i32
          %dma_start3A_211 = tpu.memref_slice %arg2[%dma_start3A_209, %dma_start3A_210] : memref<10240x128xf32, #tpu.memory_space<hbm>> -> memref<10240x128xf32, #tpu.memory_space<hbm>>
          tpu.enqueue_indirect_dma source(%dma_start3A_211 : memref<10240x128xf32, #tpu.memory_space<hbm>>) target(%arg10 : memref<64x128xf32, #tpu.memory_space<vmem>>) offsets(%dma_start3A_208 : memref<64xi32, #tpu.memory_space<vmem>>) semaphore(%arg15 : memref<!tpu.dma_semaphore, #tpu.memory_space<semaphore_mem>>)
        } else {
        }
        %mul3A_188 = arith.constant 8 : i32
        %mul3A_189 = arith.muli %scan3A_73, %mul3A_188 : i32
        %add3A_190 = arith.constant 7 : i32
        %add3A_191 = arith.addi %mul3A_189, %add3A_190 : i32
        %dma_wait3A_192 = arith.constant 0 : i32
        %dma_wait3A_193 = tpu.memref_slice %arg6[%add3A_191, %dma_wait3A_192] : memref<40x64xi32, #tpu.memory_space<vmem>> -> memref<1x64xi32, #tpu.memory_space<vmem>>
        %dma_wait3A_194 = tpu.memref_squeeze %dma_wait3A_193 : memref<1x64xi32, #tpu.memory_space<vmem>> -> memref<64xi32, #tpu.memory_space<vmem>>
        %dma_wait3A_195 = arith.constant 0 : i32
        %dma_wait3A_196 = arith.constant 0 : i32
        %dma_wait3A_197 = tpu.memref_slice %arg2[%dma_wait3A_195, %dma_wait3A_196] : memref<10240x128xf32, #tpu.memory_space<hbm>> -> memref<10240x128xf32, #tpu.memory_space<hbm>>
        tpu.wait_indirect_dma semaphore(%arg16 : memref<!tpu.dma_semaphore, #tpu.memory_space<semaphore_mem>>) src(%dma_wait3A_197 : memref<10240x128xf32, #tpu.memory_space<hbm>>) dst(%arg11 : memref<64x128xf32, #tpu.memory_space<vmem>>)
        "tpu.region"() ({
          %run_scoped3A = tpu.sem_alloc : memref<!tpu.dma_semaphore, #tpu.memory_space<semaphore_mem>>
          %dma_start3A_204 = arith.constant 0 : i32
          %dma_start3A_205 = tpu.memref_slice %arg7[%add3A_191, %dma_start3A_204] : memref<40x64xi32, #tpu.memory_space<vmem>> -> memref<1x64xi32, #tpu.memory_space<vmem>>
          %dma_start3A_206 = tpu.memref_squeeze %dma_start3A_205 : memref<1x64xi32, #tpu.memory_space<vmem>> -> memref<64xi32, #tpu.memory_space<vmem>>
          %dma_start3A_207 = arith.constant 0 : i32
          %dma_start3A_208 = arith.constant 0 : i32
          %dma_start3A_209 = tpu.memref_slice %arg12[%dma_start3A_207, %dma_start3A_208] : memref<10240x128xf32, #tpu.memory_space<vmem_shared>> -> memref<10240x128xf32, #tpu.memory_space<vmem_shared>>
          tpu.enqueue_indirect_dma source(%arg11 : memref<64x128xf32, #tpu.memory_space<vmem>>) target(%dma_start3A_209 : memref<10240x128xf32, #tpu.memory_space<vmem_shared>>) offsets(%dma_start3A_206 : memref<64xi32, #tpu.memory_space<vmem>>) semaphore(%run_scoped3A : memref<!tpu.dma_semaphore, #tpu.memory_space<semaphore_mem>>) {add = true}
          %dma_wait3A_210 = arith.constant 0 : i32
          %dma_wait3A_211 = tpu.memref_slice %arg7[%add3A_191, %dma_wait3A_210] : memref<40x64xi32, #tpu.memory_space<vmem>> -> memref<1x64xi32, #tpu.memory_space<vmem>>
          %dma_wait3A_212 = tpu.memref_squeeze %dma_wait3A_211 : memref<1x64xi32, #tpu.memory_space<vmem>> -> memref<64xi32, #tpu.memory_space<vmem>>
          %dma_wait3A_213 = arith.constant 0 : i32
          %dma_wait3A_214 = arith.constant 0 : i32
          %dma_wait3A_215 = tpu.memref_slice %arg12[%dma_wait3A_213, %dma_wait3A_214] : memref<10240x128xf32, #tpu.memory_space<vmem_shared>> -> memref<10240x128xf32, #tpu.memory_space<vmem_shared>>
          tpu.wait_indirect_dma semaphore(%run_scoped3A : memref<!tpu.dma_semaphore, #tpu.memory_space<semaphore_mem>>) src(%arg11 : memref<64x128xf32, #tpu.memory_space<vmem>>) dst(%dma_wait3A_215 : memref<10240x128xf32, #tpu.memory_space<vmem_shared>>)
          tpu.yield
        }) : () -> ()
        %lt3A_198 = arith.constant 4 : i32
        %lt3A_199 = arith.cmpi slt, %scan3A_73, %lt3A_198 : i32
        %convert_element_type3A_200 = arith.extui %lt3A_199 : i1 to i32
        %cond3A_201 = arith.constant 0 : i32
        %cond3A_202 = arith.cmpi ne, %convert_element_type3A_200, %cond3A_201 : i32
        scf.if %cond3A_202 {
          %add3A_204 = arith.constant 4 : i32
          %add3A_205 = arith.addi %add3A_191, %add3A_204 : i32
          %dma_start3A_206 = arith.constant 0 : i32
          %dma_start3A_207 = tpu.memref_slice %arg6[%add3A_205, %dma_start3A_206] : memref<40x64xi32, #tpu.memory_space<vmem>> -> memref<1x64xi32, #tpu.memory_space<vmem>>
          %dma_start3A_208 = tpu.memref_squeeze %dma_start3A_207 : memref<1x64xi32, #tpu.memory_space<vmem>> -> memref<64xi32, #tpu.memory_space<vmem>>
          %dma_start3A_209 = arith.constant 0 : i32
          %dma_start3A_210 = arith.constant 0 : i32
          %dma_start3A_211 = tpu.memref_slice %arg2[%dma_start3A_209, %dma_start3A_210] : memref<10240x128xf32, #tpu.memory_space<hbm>> -> memref<10240x128xf32, #tpu.memory_space<hbm>>
          tpu.enqueue_indirect_dma source(%dma_start3A_211 : memref<10240x128xf32, #tpu.memory_space<hbm>>) target(%arg11 : memref<64x128xf32, #tpu.memory_space<vmem>>) offsets(%dma_start3A_208 : memref<64xi32, #tpu.memory_space<vmem>>) semaphore(%arg16 : memref<!tpu.dma_semaphore, #tpu.memory_space<semaphore_mem>>)
        } else {
        }
        %scan3A_203 = arith.constant 0 : i32
        scf.yield %scan3A_203 : i32
      }
      %scan3A_71 = arith.constant 5 : i32
      %scan3A_72 = arith.constant 0 : i32
      scf.yield %scan3A_72 : i32
    }
    %scan3A_22 = arith.constant 4 : i32
    %barrier3A_23 = arith.constant 0 : index
    tpu.barrier barrier_id(%barrier3A_23)
    %scan3A_24 = arith.constant 0 : i32
    %scan3A_25 = arith.constant 0 : i32
    %scan3A_26 = arith.constant 10 : i32
    %scan3A_27 = arith.addi %scan3A_25, %scan3A_26 : i32
    %scan3A_28 = arith.constant 1 : i32
    %scan3A_29 = scf.for %scan3A_31 = %scan3A_25 to %scan3A_27 step %scan3A_28 iter_args(%scan3A_32 = %scan3A_24) -> (i32)  : i32 {
      %mul3A_33 = arith.constant 64 : i32
      %mul3A_34 = arith.muli %scan3A_31, %mul3A_33 : i32
      %add3A_35 = arith.addi %mul3A_2, %mul3A_34 : i32
      "tpu.region"() ({
        %run_scoped3A = tpu.sem_alloc : memref<!tpu.dma_semaphore, #tpu.memory_space<semaphore_mem>>
        %dma_start3A = arith.constant 0 : i32
        %dma_start3A_37 = tpu.memref_slice %arg12[%add3A_35, %dma_start3A] : memref<10240x128xf32, #tpu.memory_space<vmem_shared>> -> memref<64x128xf32, #tpu.memory_space<vmem_shared>>
        %dma_start3A_38 = arith.constant 0 : i32
        %dma_start3A_39 = tpu.memref_slice %arg12[%add3A_35, %dma_start3A_38] : memref<10240x128xf32, #tpu.memory_space<vmem_shared>> -> memref<64x128xf32, #tpu.memory_space<vmem_shared>>
        tpu.enqueue_dma source(%dma_start3A_39 : memref<64x128xf32, #tpu.memory_space<vmem_shared>>) target(%arg8 : memref<64x128xf32, #tpu.memory_space<vmem>>) target_semaphore(%run_scoped3A : memref<!tpu.dma_semaphore, #tpu.memory_space<semaphore_mem>>)
        %dma_wait3A = arith.constant 0 : i32
        %dma_wait3A_40 = tpu.memref_slice %arg12[%add3A_35, %dma_wait3A] : memref<10240x128xf32, #tpu.memory_space<vmem_shared>> -> memref<64x128xf32, #tpu.memory_space<vmem_shared>>
        %dma_wait3A_41 = arith.constant 0 : i32
        %dma_wait3A_42 = tpu.memref_slice %arg12[%add3A_35, %dma_wait3A_41] : memref<10240x128xf32, #tpu.memory_space<vmem_shared>> -> memref<64x128xf32, #tpu.memory_space<vmem_shared>>
        tpu.wait_dma2 semaphore(%run_scoped3A : memref<!tpu.dma_semaphore, #tpu.memory_space<semaphore_mem>>) src(%dma_wait3A_42 : memref<64x128xf32, #tpu.memory_space<vmem_shared>>) dst(%arg8 : memref<64x128xf32, #tpu.memory_space<vmem>>)
        tpu.yield
      }) : () -> ()
      "tpu.region"() ({
        %run_scoped3A = tpu.sem_alloc : memref<!tpu.dma_semaphore, #tpu.memory_space<semaphore_mem>>
        %dma_start3A = arith.constant 0 : i32
        %dma_start3A_37 = tpu.memref_slice %arg5[%arg0, %add3A_35, %dma_start3A] : memref<2x10240x128xf32, #tpu.memory_space<hbm>> -> memref<1x64x128xf32, #tpu.memory_space<hbm>>
        %dma_start3A_38 = tpu.memref_squeeze %dma_start3A_37 : memref<1x64x128xf32, #tpu.memory_space<hbm>> -> memref<64x128xf32, #tpu.memory_space<hbm>>
        %dma_start3A_39 = arith.constant 0 : i32
        %dma_start3A_40 = tpu.memref_slice %arg5[%arg0, %add3A_35, %dma_start3A_39] : memref<2x10240x128xf32, #tpu.memory_space<hbm>> -> memref<1x64x128xf32, #tpu.memory_space<hbm>>
        %dma_start3A_41 = tpu.memref_squeeze %dma_start3A_40 : memref<1x64x128xf32, #tpu.memory_space<hbm>> -> memref<64x128xf32, #tpu.memory_space<hbm>>
        tpu.enqueue_dma source(%arg8 : memref<64x128xf32, #tpu.memory_space<vmem>>) target(%dma_start3A_41 : memref<64x128xf32, #tpu.memory_space<hbm>>) target_semaphore(%run_scoped3A : memref<!tpu.dma_semaphore, #tpu.memory_space<semaphore_mem>>)
        %dma_wait3A = arith.constant 0 : i32
        %dma_wait3A_42 = tpu.memref_slice %arg5[%arg0, %add3A_35, %dma_wait3A] : memref<2x10240x128xf32, #tpu.memory_space<hbm>> -> memref<1x64x128xf32, #tpu.memory_space<hbm>>
        %dma_wait3A_43 = tpu.memref_squeeze %dma_wait3A_42 : memref<1x64x128xf32, #tpu.memory_space<hbm>> -> memref<64x128xf32, #tpu.memory_space<hbm>>
        %dma_wait3A_44 = arith.constant 0 : i32
        %dma_wait3A_45 = tpu.memref_slice %arg5[%arg0, %add3A_35, %dma_wait3A_44] : memref<2x10240x128xf32, #tpu.memory_space<hbm>> -> memref<1x64x128xf32, #tpu.memory_space<hbm>>
        %dma_wait3A_46 = tpu.memref_squeeze %dma_wait3A_45 : memref<1x64x128xf32, #tpu.memory_space<hbm>> -> memref<64x128xf32, #tpu.memory_space<hbm>>
        tpu.wait_dma2 semaphore(%run_scoped3A : memref<!tpu.dma_semaphore, #tpu.memory_space<semaphore_mem>>) src(%arg8 : memref<64x128xf32, #tpu.memory_space<vmem>>) dst(%dma_wait3A_46 : memref<64x128xf32, #tpu.memory_space<hbm>>)
        tpu.yield
      }) : () -> ()
      %scan3A_36 = arith.constant 0 : i32
      scf.yield %scan3A_36 : i32
    }
    %scan3A_30 = arith.constant 10 : i32
    return
  }
}

#map = affine_map<(d0, d1) -> (0, 0)>
#map1 = affine_map<(d0, d1) -> (0, 0, 0)>
module attributes {stable_mosaic.version = 14 : i64} {
  func.func @_hop_kernel(%arg0: i32, %arg1: i32, %arg2: memref<10240x128xf32, #tpu.memory_space<hbm>>, %arg3: memref<5120x64xi32, #tpu.memory_space<hbm>>, %arg4: memref<5120x64xi32, #tpu.memory_space<hbm>>, %arg5: memref<2x10240x128xf32, #tpu.memory_space<hbm>>, %arg6: memref<40x64xi32, #tpu.memory_space<vmem>>, %arg7: memref<40x64xi32, #tpu.memory_space<vmem>>, %arg8: memref<64x128xf32, #tpu.memory_space<vmem>>, %arg9: memref<64x128xf32, #tpu.memory_space<vmem>>, %arg10: memref<64x128xf32, #tpu.memory_space<vmem>>, %arg11: memref<64x128xf32, #tpu.memory_space<vmem>>, %arg12: memref<10240x128xf32, #tpu.memory_space<vmem_shared>>, %arg13: memref<!tpu.dma_semaphore, #tpu.memory_space<semaphore_mem>>, %arg14: memref<!tpu.dma_semaphore, #tpu.memory_space<semaphore_mem>>, %arg15: memref<!tpu.dma_semaphore, #tpu.memory_space<semaphore_mem>>, %arg16: memref<!tpu.dma_semaphore, #tpu.memory_space<semaphore_mem>>) attributes {dimension_semantics = [#tpu.dimension_semantics<core_parallel>, #tpu.dimension_semantics<subcore_parallel>], iteration_bounds = array<i64: 2, 16>, scalar_prefetch = 0 : i64, scratch_operands = 11 : i64, tpu.core_type = #tpu.core_type<sc_vector_subcore>, window_params = [{transform_indices = #map}, {transform_indices = #map}, {transform_indices = #map}, {transform_indices = #map1}]} {
    %mul3A = arith.constant 16 : i32
    %mul3A_0 = arith.muli %arg0, %mul3A : i32
    %add3A = arith.addi %mul3A_0, %arg1 : i32
    %mul3A_1 = arith.constant 640 : i32
    %mul3A_2 = arith.muli %arg1, %mul3A_1 : i32
    %scan3A = arith.constant 0 : i32
    %scan3A_3 = arith.constant 0 : i32
    %scan3A_4 = arith.constant 64 : i32
    %scan3A_5 = arith.addi %scan3A_3, %scan3A_4 : i32
    %scan3A_6 = arith.constant 1 : i32
    %scan3A_7 = scf.for %scan3A_31 = %scan3A_3 to %scan3A_5 step %scan3A_6 iter_args(%scan3A_32 = %scan3A) -> (i32)  : i32 {
      %scan3A_33 = arith.constant 0 : i32
      %scan3A_34 = arith.constant 0 : i32
      %scan3A_35 = arith.constant 8 : i32
      %scan3A_36 = arith.addi %scan3A_34, %scan3A_35 : i32
      %scan3A_37 = arith.constant 1 : i32
      %scan3A_38 = scf.for %scan3A_41 = %scan3A_34 to %scan3A_36 step %scan3A_37 iter_args(%scan3A_42 = %scan3A_33) -> (i32)  : i32 {
        %broadcast_in_dim3A = arith.constant 0.000000e+00 : f32
        %broadcast_in_dim3A_43 = vector.broadcast %broadcast_in_dim3A : f32 to vector<16xf32>
        %mul3A_44 = arith.constant 16 : i32
        %mul3A_45 = arith.muli %scan3A_41, %mul3A_44 : i32
        %swap3A = arith.index_cast %scan3A_31 : i32 to index
        %swap3A_46 = arith.index_cast %mul3A_45 : i32 to index
        %swap3A_47 = tpu.vector_load %arg8[%swap3A, %swap3A_46] {strides = array<i32>} : memref<64x128xf32, #tpu.memory_space<vmem>>, vector<1x16xf32>,
        %swap3A_48 = vector.shape_cast %swap3A_47 : vector<1x16xf32> to vector<16xf32>
        %swap3A_49 = vector.shape_cast %broadcast_in_dim3A_43 : vector<16xf32> to vector<1x16xf32>
        tpu.vector_store %arg8[%swap3A, %swap3A_46], %swap3A_49 {strides = array<i32>} : memref<64x128xf32, #tpu.memory_space<vmem>>, vector<1x16xf32>,
        %scan3A_50 = arith.constant 0 : i32
        scf.yield %scan3A_50 : i32
      }
      %scan3A_39 = arith.constant 8 : i32
      %scan3A_40 = arith.constant 0 : i32
      scf.yield %scan3A_40 : i32
    }
    %scan3A_8 = arith.constant 64 : i32
    %scan3A_9 = arith.constant 0 : i32
    %scan3A_10 = arith.constant 0 : i32
    %scan3A_11 = arith.constant 10 : i32
    %scan3A_12 = arith.addi %scan3A_10, %scan3A_11 : i32
    %scan3A_13 = arith.constant 1 : i32
    %scan3A_14 = scf.for %scan3A_31 = %scan3A_10 to %scan3A_12 step %scan3A_13 iter_args(%scan3A_32 = %scan3A_9) -> (i32)  : i32 {
      %mul3A_33 = arith.constant 64 : i32
      %mul3A_34 = arith.muli %scan3A_31, %mul3A_33 : i32
      %add3A_35 = arith.addi %mul3A_2, %mul3A_34 : i32
      "tpu.region"() ({
        %run_scoped3A = tpu.sem_alloc : memref<!tpu.dma_semaphore, #tpu.memory_space<semaphore_mem>>
        %dma_start3A = arith.constant 0 : i32
        %dma_start3A_37 = tpu.memref_slice %arg12[%add3A_35, %dma_start3A] : memref<10240x128xf32, #tpu.memory_space<vmem_shared>> -> memref<64x128xf32, #tpu.memory_space<vmem_shared>>
        %dma_start3A_38 = arith.constant 0 : i32
        %dma_start3A_39 = tpu.memref_slice %arg12[%add3A_35, %dma_start3A_38] : memref<10240x128xf32, #tpu.memory_space<vmem_shared>> -> memref<64x128xf32, #tpu.memory_space<vmem_shared>>
        tpu.enqueue_dma source(%arg8 : memref<64x128xf32, #tpu.memory_space<vmem>>) target(%dma_start3A_39 : memref<64x128xf32, #tpu.memory_space<vmem_shared>>) target_semaphore(%run_scoped3A : memref<!tpu.dma_semaphore, #tpu.memory_space<semaphore_mem>>)
        %dma_wait3A = arith.constant 0 : i32
        %dma_wait3A_40 = tpu.memref_slice %arg12[%add3A_35, %dma_wait3A] : memref<10240x128xf32, #tpu.memory_space<vmem_shared>> -> memref<64x128xf32, #tpu.memory_space<vmem_shared>>
        %dma_wait3A_41 = arith.constant 0 : i32
        %dma_wait3A_42 = tpu.memref_slice %arg12[%add3A_35, %dma_wait3A_41] : memref<10240x128xf32, #tpu.memory_space<vmem_shared>> -> memref<64x128xf32, #tpu.memory_space<vmem_shared>>
        tpu.wait_dma2 semaphore(%run_scoped3A : memref<!tpu.dma_semaphore, #tpu.memory_space<semaphore_mem>>) src(%arg8 : memref<64x128xf32, #tpu.memory_space<vmem>>) dst(%dma_wait3A_42 : memref<64x128xf32, #tpu.memory_space<vmem_shared>>)
        tpu.yield
      }) : () -> ()
      %scan3A_36 = arith.constant 0 : i32
      scf.yield %scan3A_36 : i32
    }
    %scan3A_15 = arith.constant 10 : i32
    %barrier3A = arith.constant 0 : index
    tpu.barrier barrier_id(%barrier3A)
    %scan3A_16 = arith.constant 0 : i32
    %scan3A_17 = arith.constant 0 : i32
    %scan3A_18 = arith.constant 4 : i32
    %scan3A_19 = arith.addi %scan3A_17, %scan3A_18 : i32
    %scan3A_20 = arith.constant 1 : i32
    %scan3A_21 = scf.for %scan3A_31 = %scan3A_17 to %scan3A_19 step %scan3A_20 iter_args(%scan3A_32 = %scan3A_16) -> (i32)  : i32 {
      %mul3A_33 = arith.constant 160 : i32
      %mul3A_34 = arith.muli %add3A, %mul3A_33 : i32
      %mul3A_35 = arith.constant 40 : i32
      %mul3A_36 = arith.muli %scan3A_31, %mul3A_35 : i32
      %add3A_37 = arith.addi %mul3A_34, %mul3A_36 : i32
      "tpu.region"() ({
        %run_scoped3A = tpu.sem_alloc : memref<!tpu.dma_semaphore, #tpu.memory_space<semaphore_mem>>
        %dma_start3A_73 = arith.constant 0 : i32
        %dma_start3A_74 = tpu.memref_slice %arg3[%add3A_37, %dma_start3A_73] : memref<5120x64xi32, #tpu.memory_space<hbm>> -> memref<40x64xi32, #tpu.memory_space<hbm>>
        %dma_start3A_75 = arith.constant 0 : i32
        %dma_start3A_76 = tpu.memref_slice %arg3[%add3A_37, %dma_start3A_75] : memref<5120x64xi32, #tpu.memory_space<hbm>> -> memref<40x64xi32, #tpu.memory_space<hbm>>
        tpu.enqueue_dma source(%dma_start3A_76 : memref<40x64xi32, #tpu.memory_space<hbm>>) target(%arg6 : memref<40x64xi32, #tpu.memory_space<vmem>>) target_semaphore(%run_scoped3A : memref<!tpu.dma_semaphore, #tpu.memory_space<semaphore_mem>>)
        %dma_wait3A = arith.constant 0 : i32
        %dma_wait3A_77 = tpu.memref_slice %arg3[%add3A_37, %dma_wait3A] : memref<5120x64xi32, #tpu.memory_space<hbm>> -> memref<40x64xi32, #tpu.memory_space<hbm>>
        %dma_wait3A_78 = arith.constant 0 : i32
        %dma_wait3A_79 = tpu.memref_slice %arg3[%add3A_37, %dma_wait3A_78] : memref<5120x64xi32, #tpu.memory_space<hbm>> -> memref<40x64xi32, #tpu.memory_space<hbm>>
        tpu.wait_dma2 semaphore(%run_scoped3A : memref<!tpu.dma_semaphore, #tpu.memory_space<semaphore_mem>>) src(%dma_wait3A_79 : memref<40x64xi32, #tpu.memory_space<hbm>>) dst(%arg6 : memref<40x64xi32, #tpu.memory_space<vmem>>)
        tpu.yield
      }) : () -> ()
      "tpu.region"() ({
        %run_scoped3A = tpu.sem_alloc : memref<!tpu.dma_semaphore, #tpu.memory_space<semaphore_mem>>
        %dma_start3A_73 = arith.constant 0 : i32
        %dma_start3A_74 = tpu.memref_slice %arg4[%add3A_37, %dma_start3A_73] : memref<5120x64xi32, #tpu.memory_space<hbm>> -> memref<40x64xi32, #tpu.memory_space<hbm>>
        %dma_start3A_75 = arith.constant 0 : i32
        %dma_start3A_76 = tpu.memref_slice %arg4[%add3A_37, %dma_start3A_75] : memref<5120x64xi32, #tpu.memory_space<hbm>> -> memref<40x64xi32, #tpu.memory_space<hbm>>
        tpu.enqueue_dma source(%dma_start3A_76 : memref<40x64xi32, #tpu.memory_space<hbm>>) target(%arg7 : memref<40x64xi32, #tpu.memory_space<vmem>>) target_semaphore(%run_scoped3A : memref<!tpu.dma_semaphore, #tpu.memory_space<semaphore_mem>>)
        %dma_wait3A = arith.constant 0 : i32
        %dma_wait3A_77 = tpu.memref_slice %arg4[%add3A_37, %dma_wait3A] : memref<5120x64xi32, #tpu.memory_space<hbm>> -> memref<40x64xi32, #tpu.memory_space<hbm>>
        %dma_wait3A_78 = arith.constant 0 : i32
        %dma_wait3A_79 = tpu.memref_slice %arg4[%add3A_37, %dma_wait3A_78] : memref<5120x64xi32, #tpu.memory_space<hbm>> -> memref<40x64xi32, #tpu.memory_space<hbm>>
        tpu.wait_dma2 semaphore(%run_scoped3A : memref<!tpu.dma_semaphore, #tpu.memory_space<semaphore_mem>>) src(%dma_wait3A_79 : memref<40x64xi32, #tpu.memory_space<hbm>>) dst(%arg7 : memref<40x64xi32, #tpu.memory_space<vmem>>)
        tpu.yield
      }) : () -> ()
      %dma_start3A = arith.constant 0 : i32
      %dma_start3A_38 = arith.constant 0 : i32
      %dma_start3A_39 = tpu.memref_slice %arg6[%dma_start3A, %dma_start3A_38] : memref<40x64xi32, #tpu.memory_space<vmem>> -> memref<1x64xi32, #tpu.memory_space<vmem>>
      %dma_start3A_40 = tpu.memref_squeeze %dma_start3A_39 : memref<1x64xi32, #tpu.memory_space<vmem>> -> memref<64xi32, #tpu.memory_space<vmem>>
      %dma_start3A_41 = arith.constant 0 : i32
      %dma_start3A_42 = arith.constant 0 : i32
      %dma_start3A_43 = tpu.memref_slice %arg2[%dma_start3A_41, %dma_start3A_42] : memref<10240x128xf32, #tpu.memory_space<hbm>> -> memref<10240x128xf32, #tpu.memory_space<hbm>>
      tpu.enqueue_indirect_dma source(%dma_start3A_43 : memref<10240x128xf32, #tpu.memory_space<hbm>>) target(%arg8 : memref<64x128xf32, #tpu.memory_space<vmem>>) offsets(%dma_start3A_40 : memref<64xi32, #tpu.memory_space<vmem>>) semaphore(%arg13 : memref<!tpu.dma_semaphore, #tpu.memory_space<semaphore_mem>>)
      %dma_start3A_44 = arith.constant 1 : i32
      %dma_start3A_45 = arith.constant 0 : i32
      %dma_start3A_46 = tpu.memref_slice %arg6[%dma_start3A_44, %dma_start3A_45] : memref<40x64xi32, #tpu.memory_space<vmem>> -> memref<1x64xi32, #tpu.memory_space<vmem>>
      %dma_start3A_47 = tpu.memref_squeeze %dma_start3A_46 : memref<1x64xi32, #tpu.memory_space<vmem>> -> memref<64xi32, #tpu.memory_space<vmem>>
      %dma_start3A_48 = arith.constant 0 : i32
      %dma_start3A_49 = arith.constant 0 : i32
      %dma_start3A_50 = tpu.memref_slice %arg2[%dma_start3A_48, %dma_start3A_49] : memref<10240x128xf32, #tpu.memory_space<hbm>> -> memref<10240x128xf32, #tpu.memory_space<hbm>>
      tpu.enqueue_indirect_dma source(%dma_start3A_50 : memref<10240x128xf32, #tpu.memory_space<hbm>>) target(%arg9 : memref<64x128xf32, #tpu.memory_space<vmem>>) offsets(%dma_start3A_47 : memref<64xi32, #tpu.memory_space<vmem>>) semaphore(%arg14 : memref<!tpu.dma_semaphore, #tpu.memory_space<semaphore_mem>>)
      %dma_start3A_51 = arith.constant 2 : i32
      %dma_start3A_52 = arith.constant 0 : i32
      %dma_start3A_53 = tpu.memref_slice %arg6[%dma_start3A_51, %dma_start3A_52] : memref<40x64xi32, #tpu.memory_space<vmem>> -> memref<1x64xi32, #tpu.memory_space<vmem>>
      %dma_start3A_54 = tpu.memref_squeeze %dma_start3A_53 : memref<1x64xi32, #tpu.memory_space<vmem>> -> memref<64xi32, #tpu.memory_space<vmem>>
      %dma_start3A_55 = arith.constant 0 : i32
      %dma_start3A_56 = arith.constant 0 : i32
      %dma_start3A_57 = tpu.memref_slice %arg2[%dma_start3A_55, %dma_start3A_56] : memref<10240x128xf32, #tpu.memory_space<hbm>> -> memref<10240x128xf32, #tpu.memory_space<hbm>>
      tpu.enqueue_indirect_dma source(%dma_start3A_57 : memref<10240x128xf32, #tpu.memory_space<hbm>>) target(%arg10 : memref<64x128xf32, #tpu.memory_space<vmem>>) offsets(%dma_start3A_54 : memref<64xi32, #tpu.memory_space<vmem>>) semaphore(%arg15 : memref<!tpu.dma_semaphore, #tpu.memory_space<semaphore_mem>>)
      %dma_start3A_58 = arith.constant 3 : i32
      %dma_start3A_59 = arith.constant 0 : i32
      %dma_start3A_60 = tpu.memref_slice %arg6[%dma_start3A_58, %dma_start3A_59] : memref<40x64xi32, #tpu.memory_space<vmem>> -> memref<1x64xi32, #tpu.memory_space<vmem>>
      %dma_start3A_61 = tpu.memref_squeeze %dma_start3A_60 : memref<1x64xi32, #tpu.memory_space<vmem>> -> memref<64xi32, #tpu.memory_space<vmem>>
      %dma_start3A_62 = arith.constant 0 : i32
      %dma_start3A_63 = arith.constant 0 : i32
      %dma_start3A_64 = tpu.memref_slice %arg2[%dma_start3A_62, %dma_start3A_63] : memref<10240x128xf32, #tpu.memory_space<hbm>> -> memref<10240x128xf32, #tpu.memory_space<hbm>>
      tpu.enqueue_indirect_dma source(%dma_start3A_64 : memref<10240x128xf32, #tpu.memory_space<hbm>>) target(%arg11 : memref<64x128xf32, #tpu.memory_space<vmem>>) offsets(%dma_start3A_61 : memref<64xi32, #tpu.memory_space<vmem>>) semaphore(%arg16 : memref<!tpu.dma_semaphore, #tpu.memory_space<semaphore_mem>>)
      %scan3A_65 = arith.constant 0 : i32
      %scan3A_66 = arith.constant 0 : i32
      %scan3A_67 = arith.constant 5 : i32
      %scan3A_68 = arith.addi %scan3A_66, %scan3A_67 : i32
      %scan3A_69 = arith.constant 1 : i32
      %scan3A_70 = scf.for %scan3A_73 = %scan3A_66 to %scan3A_68 step %scan3A_69 iter_args(%scan3A_74 = %scan3A_65) -> (i32)  : i32 {
        %mul3A_75 = arith.constant 8 : i32
        %mul3A_76 = arith.muli %scan3A_73, %mul3A_75 : i32
        %add3A_77 = arith.constant 0 : i32
        %add3A_78 = arith.addi %mul3A_76, %add3A_77 : i32
        %dma_wait3A = arith.constant 0 : i32
        %dma_wait3A_79 = tpu.memref_slice %arg6[%add3A_78, %dma_wait3A] : memref<40x64xi32, #tpu.memory_space<vmem>> -> memref<1x64xi32, #tpu.memory_space<vmem>>
        %dma_wait3A_80 = tpu.memref_squeeze %dma_wait3A_79 : memref<1x64xi32, #tpu.memory_space<vmem>> -> memref<64xi32, #tpu.memory_space<vmem>>
        %dma_wait3A_81 = arith.constant 0 : i32
        %dma_wait3A_82 = arith.constant 0 : i32
        %dma_wait3A_83 = tpu.memref_slice %arg2[%dma_wait3A_81, %dma_wait3A_82] : memref<10240x128xf32, #tpu.memory_space<hbm>> -> memref<10240x128xf32, #tpu.memory_space<hbm>>
        tpu.wait_indirect_dma semaphore(%arg13 : memref<!tpu.dma_semaphore, #tpu.memory_space<semaphore_mem>>) src(%dma_wait3A_83 : memref<10240x128xf32, #tpu.memory_space<hbm>>) dst(%arg8 : memref<64x128xf32, #tpu.memory_space<vmem>>)
        "tpu.region"() ({
          %run_scoped3A = tpu.sem_alloc : memref<!tpu.dma_semaphore, #tpu.memory_space<semaphore_mem>>
          %dma_start3A_204 = arith.constant 0 : i32
          %dma_start3A_205 = tpu.memref_slice %arg7[%add3A_78, %dma_start3A_204] : memref<40x64xi32, #tpu.memory_space<vmem>> -> memref<1x64xi32, #tpu.memory_space<vmem>>
          %dma_start3A_206 = tpu.memref_squeeze %dma_start3A_205 : memref<1x64xi32, #tpu.memory_space<vmem>> -> memref<64xi32, #tpu.memory_space<vmem>>
          %dma_start3A_207 = arith.constant 0 : i32
          %dma_start3A_208 = arith.constant 0 : i32
          %dma_start3A_209 = tpu.memref_slice %arg12[%dma_start3A_207, %dma_start3A_208] : memref<10240x128xf32, #tpu.memory_space<vmem_shared>> -> memref<10240x128xf32, #tpu.memory_space<vmem_shared>>
          tpu.enqueue_indirect_dma source(%arg8 : memref<64x128xf32, #tpu.memory_space<vmem>>) target(%dma_start3A_209 : memref<10240x128xf32, #tpu.memory_space<vmem_shared>>) offsets(%dma_start3A_206 : memref<64xi32, #tpu.memory_space<vmem>>) semaphore(%run_scoped3A : memref<!tpu.dma_semaphore, #tpu.memory_space<semaphore_mem>>) {add = true}
          %dma_wait3A_210 = arith.constant 0 : i32
          %dma_wait3A_211 = tpu.memref_slice %arg7[%add3A_78, %dma_wait3A_210] : memref<40x64xi32, #tpu.memory_space<vmem>> -> memref<1x64xi32, #tpu.memory_space<vmem>>
          %dma_wait3A_212 = tpu.memref_squeeze %dma_wait3A_211 : memref<1x64xi32, #tpu.memory_space<vmem>> -> memref<64xi32, #tpu.memory_space<vmem>>
          %dma_wait3A_213 = arith.constant 0 : i32
          %dma_wait3A_214 = arith.constant 0 : i32
          %dma_wait3A_215 = tpu.memref_slice %arg12[%dma_wait3A_213, %dma_wait3A_214] : memref<10240x128xf32, #tpu.memory_space<vmem_shared>> -> memref<10240x128xf32, #tpu.memory_space<vmem_shared>>
          tpu.wait_indirect_dma semaphore(%run_scoped3A : memref<!tpu.dma_semaphore, #tpu.memory_space<semaphore_mem>>) src(%arg8 : memref<64x128xf32, #tpu.memory_space<vmem>>) dst(%dma_wait3A_215 : memref<10240x128xf32, #tpu.memory_space<vmem_shared>>)
          tpu.yield
        }) : () -> ()
        %add3A_84 = arith.constant 4 : i32
        %add3A_85 = arith.addi %add3A_78, %add3A_84 : i32
        %dma_start3A_86 = arith.constant 0 : i32
        %dma_start3A_87 = tpu.memref_slice %arg6[%add3A_85, %dma_start3A_86] : memref<40x64xi32, #tpu.memory_space<vmem>> -> memref<1x64xi32, #tpu.memory_space<vmem>>
        %dma_start3A_88 = tpu.memref_squeeze %dma_start3A_87 : memref<1x64xi32, #tpu.memory_space<vmem>> -> memref<64xi32, #tpu.memory_space<vmem>>
        %dma_start3A_89 = arith.constant 0 : i32
        %dma_start3A_90 = arith.constant 0 : i32
        %dma_start3A_91 = tpu.memref_slice %arg2[%dma_start3A_89, %dma_start3A_90] : memref<10240x128xf32, #tpu.memory_space<hbm>> -> memref<10240x128xf32, #tpu.memory_space<hbm>>
        tpu.enqueue_indirect_dma source(%dma_start3A_91 : memref<10240x128xf32, #tpu.memory_space<hbm>>) target(%arg8 : memref<64x128xf32, #tpu.memory_space<vmem>>) offsets(%dma_start3A_88 : memref<64xi32, #tpu.memory_space<vmem>>) semaphore(%arg13 : memref<!tpu.dma_semaphore, #tpu.memory_space<semaphore_mem>>)
        %mul3A_92 = arith.constant 8 : i32
        %mul3A_93 = arith.muli %scan3A_73, %mul3A_92 : i32
        %add3A_94 = arith.constant 1 : i32
        %add3A_95 = arith.addi %mul3A_93, %add3A_94 : i32
        %dma_wait3A_96 = arith.constant 0 : i32
        %dma_wait3A_97 = tpu.memref_slice %arg6[%add3A_95, %dma_wait3A_96] : memref<40x64xi32, #tpu.memory_space<vmem>> -> memref<1x64xi32, #tpu.memory_space<vmem>>
        %dma_wait3A_98 = tpu.memref_squeeze %dma_wait3A_97 : memref<1x64xi32, #tpu.memory_space<vmem>> -> memref<64xi32, #tpu.memory_space<vmem>>
        %dma_wait3A_99 = arith.constant 0 : i32
        %dma_wait3A_100 = arith.constant 0 : i32
        %dma_wait3A_101 = tpu.memref_slice %arg2[%dma_wait3A_99, %dma_wait3A_100] : memref<10240x128xf32, #tpu.memory_space<hbm>> -> memref<10240x128xf32, #tpu.memory_space<hbm>>
        tpu.wait_indirect_dma semaphore(%arg14 : memref<!tpu.dma_semaphore, #tpu.memory_space<semaphore_mem>>) src(%dma_wait3A_101 : memref<10240x128xf32, #tpu.memory_space<hbm>>) dst(%arg9 : memref<64x128xf32, #tpu.memory_space<vmem>>)
        "tpu.region"() ({
          %run_scoped3A = tpu.sem_alloc : memref<!tpu.dma_semaphore, #tpu.memory_space<semaphore_mem>>
          %dma_start3A_204 = arith.constant 0 : i32
          %dma_start3A_205 = tpu.memref_slice %arg7[%add3A_95, %dma_start3A_204] : memref<40x64xi32, #tpu.memory_space<vmem>> -> memref<1x64xi32, #tpu.memory_space<vmem>>
          %dma_start3A_206 = tpu.memref_squeeze %dma_start3A_205 : memref<1x64xi32, #tpu.memory_space<vmem>> -> memref<64xi32, #tpu.memory_space<vmem>>
          %dma_start3A_207 = arith.constant 0 : i32
          %dma_start3A_208 = arith.constant 0 : i32
          %dma_start3A_209 = tpu.memref_slice %arg12[%dma_start3A_207, %dma_start3A_208] : memref<10240x128xf32, #tpu.memory_space<vmem_shared>> -> memref<10240x128xf32, #tpu.memory_space<vmem_shared>>
          tpu.enqueue_indirect_dma source(%arg9 : memref<64x128xf32, #tpu.memory_space<vmem>>) target(%dma_start3A_209 : memref<10240x128xf32, #tpu.memory_space<vmem_shared>>) offsets(%dma_start3A_206 : memref<64xi32, #tpu.memory_space<vmem>>) semaphore(%run_scoped3A : memref<!tpu.dma_semaphore, #tpu.memory_space<semaphore_mem>>) {add = true}
          %dma_wait3A_210 = arith.constant 0 : i32
          %dma_wait3A_211 = tpu.memref_slice %arg7[%add3A_95, %dma_wait3A_210] : memref<40x64xi32, #tpu.memory_space<vmem>> -> memref<1x64xi32, #tpu.memory_space<vmem>>
          %dma_wait3A_212 = tpu.memref_squeeze %dma_wait3A_211 : memref<1x64xi32, #tpu.memory_space<vmem>> -> memref<64xi32, #tpu.memory_space<vmem>>
          %dma_wait3A_213 = arith.constant 0 : i32
          %dma_wait3A_214 = arith.constant 0 : i32
          %dma_wait3A_215 = tpu.memref_slice %arg12[%dma_wait3A_213, %dma_wait3A_214] : memref<10240x128xf32, #tpu.memory_space<vmem_shared>> -> memref<10240x128xf32, #tpu.memory_space<vmem_shared>>
          tpu.wait_indirect_dma semaphore(%run_scoped3A : memref<!tpu.dma_semaphore, #tpu.memory_space<semaphore_mem>>) src(%arg9 : memref<64x128xf32, #tpu.memory_space<vmem>>) dst(%dma_wait3A_215 : memref<10240x128xf32, #tpu.memory_space<vmem_shared>>)
          tpu.yield
        }) : () -> ()
        %add3A_102 = arith.constant 4 : i32
        %add3A_103 = arith.addi %add3A_95, %add3A_102 : i32
        %dma_start3A_104 = arith.constant 0 : i32
        %dma_start3A_105 = tpu.memref_slice %arg6[%add3A_103, %dma_start3A_104] : memref<40x64xi32, #tpu.memory_space<vmem>> -> memref<1x64xi32, #tpu.memory_space<vmem>>
        %dma_start3A_106 = tpu.memref_squeeze %dma_start3A_105 : memref<1x64xi32, #tpu.memory_space<vmem>> -> memref<64xi32, #tpu.memory_space<vmem>>
        %dma_start3A_107 = arith.constant 0 : i32
        %dma_start3A_108 = arith.constant 0 : i32
        %dma_start3A_109 = tpu.memref_slice %arg2[%dma_start3A_107, %dma_start3A_108] : memref<10240x128xf32, #tpu.memory_space<hbm>> -> memref<10240x128xf32, #tpu.memory_space<hbm>>
        tpu.enqueue_indirect_dma source(%dma_start3A_109 : memref<10240x128xf32, #tpu.memory_space<hbm>>) target(%arg9 : memref<64x128xf32, #tpu.memory_space<vmem>>) offsets(%dma_start3A_106 : memref<64xi32, #tpu.memory_space<vmem>>) semaphore(%arg14 : memref<!tpu.dma_semaphore, #tpu.memory_space<semaphore_mem>>)
        %mul3A_110 = arith.constant 8 : i32
        %mul3A_111 = arith.muli %scan3A_73, %mul3A_110 : i32
        %add3A_112 = arith.constant 2 : i32
        %add3A_113 = arith.addi %mul3A_111, %add3A_112 : i32
        %dma_wait3A_114 = arith.constant 0 : i32
        %dma_wait3A_115 = tpu.memref_slice %arg6[%add3A_113, %dma_wait3A_114] : memref<40x64xi32, #tpu.memory_space<vmem>> -> memref<1x64xi32, #tpu.memory_space<vmem>>
        %dma_wait3A_116 = tpu.memref_squeeze %dma_wait3A_115 : memref<1x64xi32, #tpu.memory_space<vmem>> -> memref<64xi32, #tpu.memory_space<vmem>>
        %dma_wait3A_117 = arith.constant 0 : i32
        %dma_wait3A_118 = arith.constant 0 : i32
        %dma_wait3A_119 = tpu.memref_slice %arg2[%dma_wait3A_117, %dma_wait3A_118] : memref<10240x128xf32, #tpu.memory_space<hbm>> -> memref<10240x128xf32, #tpu.memory_space<hbm>>
        tpu.wait_indirect_dma semaphore(%arg15 : memref<!tpu.dma_semaphore, #tpu.memory_space<semaphore_mem>>) src(%dma_wait3A_119 : memref<10240x128xf32, #tpu.memory_space<hbm>>) dst(%arg10 : memref<64x128xf32, #tpu.memory_space<vmem>>)
        "tpu.region"() ({
          %run_scoped3A = tpu.sem_alloc : memref<!tpu.dma_semaphore, #tpu.memory_space<semaphore_mem>>
          %dma_start3A_204 = arith.constant 0 : i32
          %dma_start3A_205 = tpu.memref_slice %arg7[%add3A_113, %dma_start3A_204] : memref<40x64xi32, #tpu.memory_space<vmem>> -> memref<1x64xi32, #tpu.memory_space<vmem>>
          %dma_start3A_206 = tpu.memref_squeeze %dma_start3A_205 : memref<1x64xi32, #tpu.memory_space<vmem>> -> memref<64xi32, #tpu.memory_space<vmem>>
          %dma_start3A_207 = arith.constant 0 : i32
          %dma_start3A_208 = arith.constant 0 : i32
          %dma_start3A_209 = tpu.memref_slice %arg12[%dma_start3A_207, %dma_start3A_208] : memref<10240x128xf32, #tpu.memory_space<vmem_shared>> -> memref<10240x128xf32, #tpu.memory_space<vmem_shared>>
          tpu.enqueue_indirect_dma source(%arg10 : memref<64x128xf32, #tpu.memory_space<vmem>>) target(%dma_start3A_209 : memref<10240x128xf32, #tpu.memory_space<vmem_shared>>) offsets(%dma_start3A_206 : memref<64xi32, #tpu.memory_space<vmem>>) semaphore(%run_scoped3A : memref<!tpu.dma_semaphore, #tpu.memory_space<semaphore_mem>>) {add = true}
          %dma_wait3A_210 = arith.constant 0 : i32
          %dma_wait3A_211 = tpu.memref_slice %arg7[%add3A_113, %dma_wait3A_210] : memref<40x64xi32, #tpu.memory_space<vmem>> -> memref<1x64xi32, #tpu.memory_space<vmem>>
          %dma_wait3A_212 = tpu.memref_squeeze %dma_wait3A_211 : memref<1x64xi32, #tpu.memory_space<vmem>> -> memref<64xi32, #tpu.memory_space<vmem>>
          %dma_wait3A_213 = arith.constant 0 : i32
          %dma_wait3A_214 = arith.constant 0 : i32
          %dma_wait3A_215 = tpu.memref_slice %arg12[%dma_wait3A_213, %dma_wait3A_214] : memref<10240x128xf32, #tpu.memory_space<vmem_shared>> -> memref<10240x128xf32, #tpu.memory_space<vmem_shared>>
          tpu.wait_indirect_dma semaphore(%run_scoped3A : memref<!tpu.dma_semaphore, #tpu.memory_space<semaphore_mem>>) src(%arg10 : memref<64x128xf32, #tpu.memory_space<vmem>>) dst(%dma_wait3A_215 : memref<10240x128xf32, #tpu.memory_space<vmem_shared>>)
          tpu.yield
        }) : () -> ()
        %add3A_120 = arith.constant 4 : i32
        %add3A_121 = arith.addi %add3A_113, %add3A_120 : i32
        %dma_start3A_122 = arith.constant 0 : i32
        %dma_start3A_123 = tpu.memref_slice %arg6[%add3A_121, %dma_start3A_122] : memref<40x64xi32, #tpu.memory_space<vmem>> -> memref<1x64xi32, #tpu.memory_space<vmem>>
        %dma_start3A_124 = tpu.memref_squeeze %dma_start3A_123 : memref<1x64xi32, #tpu.memory_space<vmem>> -> memref<64xi32, #tpu.memory_space<vmem>>
        %dma_start3A_125 = arith.constant 0 : i32
        %dma_start3A_126 = arith.constant 0 : i32
        %dma_start3A_127 = tpu.memref_slice %arg2[%dma_start3A_125, %dma_start3A_126] : memref<10240x128xf32, #tpu.memory_space<hbm>> -> memref<10240x128xf32, #tpu.memory_space<hbm>>
        tpu.enqueue_indirect_dma source(%dma_start3A_127 : memref<10240x128xf32, #tpu.memory_space<hbm>>) target(%arg10 : memref<64x128xf32, #tpu.memory_space<vmem>>) offsets(%dma_start3A_124 : memref<64xi32, #tpu.memory_space<vmem>>) semaphore(%arg15 : memref<!tpu.dma_semaphore, #tpu.memory_space<semaphore_mem>>)
        %mul3A_128 = arith.constant 8 : i32
        %mul3A_129 = arith.muli %scan3A_73, %mul3A_128 : i32
        %add3A_130 = arith.constant 3 : i32
        %add3A_131 = arith.addi %mul3A_129, %add3A_130 : i32
        %dma_wait3A_132 = arith.constant 0 : i32
        %dma_wait3A_133 = tpu.memref_slice %arg6[%add3A_131, %dma_wait3A_132] : memref<40x64xi32, #tpu.memory_space<vmem>> -> memref<1x64xi32, #tpu.memory_space<vmem>>
        %dma_wait3A_134 = tpu.memref_squeeze %dma_wait3A_133 : memref<1x64xi32, #tpu.memory_space<vmem>> -> memref<64xi32, #tpu.memory_space<vmem>>
        %dma_wait3A_135 = arith.constant 0 : i32
        %dma_wait3A_136 = arith.constant 0 : i32
        %dma_wait3A_137 = tpu.memref_slice %arg2[%dma_wait3A_135, %dma_wait3A_136] : memref<10240x128xf32, #tpu.memory_space<hbm>> -> memref<10240x128xf32, #tpu.memory_space<hbm>>
        tpu.wait_indirect_dma semaphore(%arg16 : memref<!tpu.dma_semaphore, #tpu.memory_space<semaphore_mem>>) src(%dma_wait3A_137 : memref<10240x128xf32, #tpu.memory_space<hbm>>) dst(%arg11 : memref<64x128xf32, #tpu.memory_space<vmem>>)
        "tpu.region"() ({
          %run_scoped3A = tpu.sem_alloc : memref<!tpu.dma_semaphore, #tpu.memory_space<semaphore_mem>>
          %dma_start3A_204 = arith.constant 0 : i32
          %dma_start3A_205 = tpu.memref_slice %arg7[%add3A_131, %dma_start3A_204] : memref<40x64xi32, #tpu.memory_space<vmem>> -> memref<1x64xi32, #tpu.memory_space<vmem>>
          %dma_start3A_206 = tpu.memref_squeeze %dma_start3A_205 : memref<1x64xi32, #tpu.memory_space<vmem>> -> memref<64xi32, #tpu.memory_space<vmem>>
          %dma_start3A_207 = arith.constant 0 : i32
          %dma_start3A_208 = arith.constant 0 : i32
          %dma_start3A_209 = tpu.memref_slice %arg12[%dma_start3A_207, %dma_start3A_208] : memref<10240x128xf32, #tpu.memory_space<vmem_shared>> -> memref<10240x128xf32, #tpu.memory_space<vmem_shared>>
          tpu.enqueue_indirect_dma source(%arg11 : memref<64x128xf32, #tpu.memory_space<vmem>>) target(%dma_start3A_209 : memref<10240x128xf32, #tpu.memory_space<vmem_shared>>) offsets(%dma_start3A_206 : memref<64xi32, #tpu.memory_space<vmem>>) semaphore(%run_scoped3A : memref<!tpu.dma_semaphore, #tpu.memory_space<semaphore_mem>>) {add = true}
          %dma_wait3A_210 = arith.constant 0 : i32
          %dma_wait3A_211 = tpu.memref_slice %arg7[%add3A_131, %dma_wait3A_210] : memref<40x64xi32, #tpu.memory_space<vmem>> -> memref<1x64xi32, #tpu.memory_space<vmem>>
          %dma_wait3A_212 = tpu.memref_squeeze %dma_wait3A_211 : memref<1x64xi32, #tpu.memory_space<vmem>> -> memref<64xi32, #tpu.memory_space<vmem>>
          %dma_wait3A_213 = arith.constant 0 : i32
          %dma_wait3A_214 = arith.constant 0 : i32
          %dma_wait3A_215 = tpu.memref_slice %arg12[%dma_wait3A_213, %dma_wait3A_214] : memref<10240x128xf32, #tpu.memory_space<vmem_shared>> -> memref<10240x128xf32, #tpu.memory_space<vmem_shared>>
          tpu.wait_indirect_dma semaphore(%run_scoped3A : memref<!tpu.dma_semaphore, #tpu.memory_space<semaphore_mem>>) src(%arg11 : memref<64x128xf32, #tpu.memory_space<vmem>>) dst(%dma_wait3A_215 : memref<10240x128xf32, #tpu.memory_space<vmem_shared>>)
          tpu.yield
        }) : () -> ()
        %add3A_138 = arith.constant 4 : i32
        %add3A_139 = arith.addi %add3A_131, %add3A_138 : i32
        %dma_start3A_140 = arith.constant 0 : i32
        %dma_start3A_141 = tpu.memref_slice %arg6[%add3A_139, %dma_start3A_140] : memref<40x64xi32, #tpu.memory_space<vmem>> -> memref<1x64xi32, #tpu.memory_space<vmem>>
        %dma_start3A_142 = tpu.memref_squeeze %dma_start3A_141 : memref<1x64xi32, #tpu.memory_space<vmem>> -> memref<64xi32, #tpu.memory_space<vmem>>
        %dma_start3A_143 = arith.constant 0 : i32
        %dma_start3A_144 = arith.constant 0 : i32
        %dma_start3A_145 = tpu.memref_slice %arg2[%dma_start3A_143, %dma_start3A_144] : memref<10240x128xf32, #tpu.memory_space<hbm>> -> memref<10240x128xf32, #tpu.memory_space<hbm>>
        tpu.enqueue_indirect_dma source(%dma_start3A_145 : memref<10240x128xf32, #tpu.memory_space<hbm>>) target(%arg11 : memref<64x128xf32, #tpu.memory_space<vmem>>) offsets(%dma_start3A_142 : memref<64xi32, #tpu.memory_space<vmem>>) semaphore(%arg16 : memref<!tpu.dma_semaphore, #tpu.memory_space<semaphore_mem>>)
        %mul3A_146 = arith.constant 8 : i32
        %mul3A_147 = arith.muli %scan3A_73, %mul3A_146 : i32
        %add3A_148 = arith.constant 4 : i32
        %add3A_149 = arith.addi %mul3A_147, %add3A_148 : i32
        %dma_wait3A_150 = arith.constant 0 : i32
        %dma_wait3A_151 = tpu.memref_slice %arg6[%add3A_149, %dma_wait3A_150] : memref<40x64xi32, #tpu.memory_space<vmem>> -> memref<1x64xi32, #tpu.memory_space<vmem>>
        %dma_wait3A_152 = tpu.memref_squeeze %dma_wait3A_151 : memref<1x64xi32, #tpu.memory_space<vmem>> -> memref<64xi32, #tpu.memory_space<vmem>>
        %dma_wait3A_153 = arith.constant 0 : i32
        %dma_wait3A_154 = arith.constant 0 : i32
        %dma_wait3A_155 = tpu.memref_slice %arg2[%dma_wait3A_153, %dma_wait3A_154] : memref<10240x128xf32, #tpu.memory_space<hbm>> -> memref<10240x128xf32, #tpu.memory_space<hbm>>
        tpu.wait_indirect_dma semaphore(%arg13 : memref<!tpu.dma_semaphore, #tpu.memory_space<semaphore_mem>>) src(%dma_wait3A_155 : memref<10240x128xf32, #tpu.memory_space<hbm>>) dst(%arg8 : memref<64x128xf32, #tpu.memory_space<vmem>>)
        "tpu.region"() ({
          %run_scoped3A = tpu.sem_alloc : memref<!tpu.dma_semaphore, #tpu.memory_space<semaphore_mem>>
          %dma_start3A_204 = arith.constant 0 : i32
          %dma_start3A_205 = tpu.memref_slice %arg7[%add3A_149, %dma_start3A_204] : memref<40x64xi32, #tpu.memory_space<vmem>> -> memref<1x64xi32, #tpu.memory_space<vmem>>
          %dma_start3A_206 = tpu.memref_squeeze %dma_start3A_205 : memref<1x64xi32, #tpu.memory_space<vmem>> -> memref<64xi32, #tpu.memory_space<vmem>>
          %dma_start3A_207 = arith.constant 0 : i32
          %dma_start3A_208 = arith.constant 0 : i32
          %dma_start3A_209 = tpu.memref_slice %arg12[%dma_start3A_207, %dma_start3A_208] : memref<10240x128xf32, #tpu.memory_space<vmem_shared>> -> memref<10240x128xf32, #tpu.memory_space<vmem_shared>>
          tpu.enqueue_indirect_dma source(%arg8 : memref<64x128xf32, #tpu.memory_space<vmem>>) target(%dma_start3A_209 : memref<10240x128xf32, #tpu.memory_space<vmem_shared>>) offsets(%dma_start3A_206 : memref<64xi32, #tpu.memory_space<vmem>>) semaphore(%run_scoped3A : memref<!tpu.dma_semaphore, #tpu.memory_space<semaphore_mem>>) {add = true}
          %dma_wait3A_210 = arith.constant 0 : i32
          %dma_wait3A_211 = tpu.memref_slice %arg7[%add3A_149, %dma_wait3A_210] : memref<40x64xi32, #tpu.memory_space<vmem>> -> memref<1x64xi32, #tpu.memory_space<vmem>>
          %dma_wait3A_212 = tpu.memref_squeeze %dma_wait3A_211 : memref<1x64xi32, #tpu.memory_space<vmem>> -> memref<64xi32, #tpu.memory_space<vmem>>
          %dma_wait3A_213 = arith.constant 0 : i32
          %dma_wait3A_214 = arith.constant 0 : i32
          %dma_wait3A_215 = tpu.memref_slice %arg12[%dma_wait3A_213, %dma_wait3A_214] : memref<10240x128xf32, #tpu.memory_space<vmem_shared>> -> memref<10240x128xf32, #tpu.memory_space<vmem_shared>>
          tpu.wait_indirect_dma semaphore(%run_scoped3A : memref<!tpu.dma_semaphore, #tpu.memory_space<semaphore_mem>>) src(%arg8 : memref<64x128xf32, #tpu.memory_space<vmem>>) dst(%dma_wait3A_215 : memref<10240x128xf32, #tpu.memory_space<vmem_shared>>)
          tpu.yield
        }) : () -> ()
        %lt3A = arith.constant 4 : i32
        %lt3A_156 = arith.cmpi slt, %scan3A_73, %lt3A : i32
        %convert_element_type3A = arith.extui %lt3A_156 : i1 to i32
        %cond3A = arith.constant 0 : i32
        %cond3A_157 = arith.cmpi ne, %convert_element_type3A, %cond3A : i32
        scf.if %cond3A_157 {
          %add3A_204 = arith.constant 4 : i32
          %add3A_205 = arith.addi %add3A_149, %add3A_204 : i32
          %dma_start3A_206 = arith.constant 0 : i32
          %dma_start3A_207 = tpu.memref_slice %arg6[%add3A_205, %dma_start3A_206] : memref<40x64xi32, #tpu.memory_space<vmem>> -> memref<1x64xi32, #tpu.memory_space<vmem>>
          %dma_start3A_208 = tpu.memref_squeeze %dma_start3A_207 : memref<1x64xi32, #tpu.memory_space<vmem>> -> memref<64xi32, #tpu.memory_space<vmem>>
          %dma_start3A_209 = arith.constant 0 : i32
          %dma_start3A_210 = arith.constant 0 : i32
          %dma_start3A_211 = tpu.memref_slice %arg2[%dma_start3A_209, %dma_start3A_210] : memref<10240x128xf32, #tpu.memory_space<hbm>> -> memref<10240x128xf32, #tpu.memory_space<hbm>>
          tpu.enqueue_indirect_dma source(%dma_start3A_211 : memref<10240x128xf32, #tpu.memory_space<hbm>>) target(%arg8 : memref<64x128xf32, #tpu.memory_space<vmem>>) offsets(%dma_start3A_208 : memref<64xi32, #tpu.memory_space<vmem>>) semaphore(%arg13 : memref<!tpu.dma_semaphore, #tpu.memory_space<semaphore_mem>>)
        } else {
        }
        %mul3A_158 = arith.constant 8 : i32
        %mul3A_159 = arith.muli %scan3A_73, %mul3A_158 : i32
        %add3A_160 = arith.constant 5 : i32
        %add3A_161 = arith.addi %mul3A_159, %add3A_160 : i32
        %dma_wait3A_162 = arith.constant 0 : i32
        %dma_wait3A_163 = tpu.memref_slice %arg6[%add3A_161, %dma_wait3A_162] : memref<40x64xi32, #tpu.memory_space<vmem>> -> memref<1x64xi32, #tpu.memory_space<vmem>>
        %dma_wait3A_164 = tpu.memref_squeeze %dma_wait3A_163 : memref<1x64xi32, #tpu.memory_space<vmem>> -> memref<64xi32, #tpu.memory_space<vmem>>
        %dma_wait3A_165 = arith.constant 0 : i32
        %dma_wait3A_166 = arith.constant 0 : i32
        %dma_wait3A_167 = tpu.memref_slice %arg2[%dma_wait3A_165, %dma_wait3A_166] : memref<10240x128xf32, #tpu.memory_space<hbm>> -> memref<10240x128xf32, #tpu.memory_space<hbm>>
        tpu.wait_indirect_dma semaphore(%arg14 : memref<!tpu.dma_semaphore, #tpu.memory_space<semaphore_mem>>) src(%dma_wait3A_167 : memref<10240x128xf32, #tpu.memory_space<hbm>>) dst(%arg9 : memref<64x128xf32, #tpu.memory_space<vmem>>)
        "tpu.region"() ({
          %run_scoped3A = tpu.sem_alloc : memref<!tpu.dma_semaphore, #tpu.memory_space<semaphore_mem>>
          %dma_start3A_204 = arith.constant 0 : i32
          %dma_start3A_205 = tpu.memref_slice %arg7[%add3A_161, %dma_start3A_204] : memref<40x64xi32, #tpu.memory_space<vmem>> -> memref<1x64xi32, #tpu.memory_space<vmem>>
          %dma_start3A_206 = tpu.memref_squeeze %dma_start3A_205 : memref<1x64xi32, #tpu.memory_space<vmem>> -> memref<64xi32, #tpu.memory_space<vmem>>
          %dma_start3A_207 = arith.constant 0 : i32
          %dma_start3A_208 = arith.constant 0 : i32
          %dma_start3A_209 = tpu.memref_slice %arg12[%dma_start3A_207, %dma_start3A_208] : memref<10240x128xf32, #tpu.memory_space<vmem_shared>> -> memref<10240x128xf32, #tpu.memory_space<vmem_shared>>
          tpu.enqueue_indirect_dma source(%arg9 : memref<64x128xf32, #tpu.memory_space<vmem>>) target(%dma_start3A_209 : memref<10240x128xf32, #tpu.memory_space<vmem_shared>>) offsets(%dma_start3A_206 : memref<64xi32, #tpu.memory_space<vmem>>) semaphore(%run_scoped3A : memref<!tpu.dma_semaphore, #tpu.memory_space<semaphore_mem>>) {add = true}
          %dma_wait3A_210 = arith.constant 0 : i32
          %dma_wait3A_211 = tpu.memref_slice %arg7[%add3A_161, %dma_wait3A_210] : memref<40x64xi32, #tpu.memory_space<vmem>> -> memref<1x64xi32, #tpu.memory_space<vmem>>
          %dma_wait3A_212 = tpu.memref_squeeze %dma_wait3A_211 : memref<1x64xi32, #tpu.memory_space<vmem>> -> memref<64xi32, #tpu.memory_space<vmem>>
          %dma_wait3A_213 = arith.constant 0 : i32
          %dma_wait3A_214 = arith.constant 0 : i32
          %dma_wait3A_215 = tpu.memref_slice %arg12[%dma_wait3A_213, %dma_wait3A_214] : memref<10240x128xf32, #tpu.memory_space<vmem_shared>> -> memref<10240x128xf32, #tpu.memory_space<vmem_shared>>
          tpu.wait_indirect_dma semaphore(%run_scoped3A : memref<!tpu.dma_semaphore, #tpu.memory_space<semaphore_mem>>) src(%arg9 : memref<64x128xf32, #tpu.memory_space<vmem>>) dst(%dma_wait3A_215 : memref<10240x128xf32, #tpu.memory_space<vmem_shared>>)
          tpu.yield
        }) : () -> ()
        %lt3A_168 = arith.constant 4 : i32
        %lt3A_169 = arith.cmpi slt, %scan3A_73, %lt3A_168 : i32
        %convert_element_type3A_170 = arith.extui %lt3A_169 : i1 to i32
        %cond3A_171 = arith.constant 0 : i32
        %cond3A_172 = arith.cmpi ne, %convert_element_type3A_170, %cond3A_171 : i32
        scf.if %cond3A_172 {
          %add3A_204 = arith.constant 4 : i32
          %add3A_205 = arith.addi %add3A_161, %add3A_204 : i32
          %dma_start3A_206 = arith.constant 0 : i32
          %dma_start3A_207 = tpu.memref_slice %arg6[%add3A_205, %dma_start3A_206] : memref<40x64xi32, #tpu.memory_space<vmem>> -> memref<1x64xi32, #tpu.memory_space<vmem>>
          %dma_start3A_208 = tpu.memref_squeeze %dma_start3A_207 : memref<1x64xi32, #tpu.memory_space<vmem>> -> memref<64xi32, #tpu.memory_space<vmem>>
          %dma_start3A_209 = arith.constant 0 : i32
          %dma_start3A_210 = arith.constant 0 : i32
          %dma_start3A_211 = tpu.memref_slice %arg2[%dma_start3A_209, %dma_start3A_210] : memref<10240x128xf32, #tpu.memory_space<hbm>> -> memref<10240x128xf32, #tpu.memory_space<hbm>>
          tpu.enqueue_indirect_dma source(%dma_start3A_211 : memref<10240x128xf32, #tpu.memory_space<hbm>>) target(%arg9 : memref<64x128xf32, #tpu.memory_space<vmem>>) offsets(%dma_start3A_208 : memref<64xi32, #tpu.memory_space<vmem>>) semaphore(%arg14 : memref<!tpu.dma_semaphore, #tpu.memory_space<semaphore_mem>>)
        } else {
        }
        %mul3A_173 = arith.constant 8 : i32
        %mul3A_174 = arith.muli %scan3A_73, %mul3A_173 : i32
        %add3A_175 = arith.constant 6 : i32
        %add3A_176 = arith.addi %mul3A_174, %add3A_175 : i32
        %dma_wait3A_177 = arith.constant 0 : i32
        %dma_wait3A_178 = tpu.memref_slice %arg6[%add3A_176, %dma_wait3A_177] : memref<40x64xi32, #tpu.memory_space<vmem>> -> memref<1x64xi32, #tpu.memory_space<vmem>>
        %dma_wait3A_179 = tpu.memref_squeeze %dma_wait3A_178 : memref<1x64xi32, #tpu.memory_space<vmem>> -> memref<64xi32, #tpu.memory_space<vmem>>
        %dma_wait3A_180 = arith.constant 0 : i32
        %dma_wait3A_181 = arith.constant 0 : i32
        %dma_wait3A_182 = tpu.memref_slice %arg2[%dma_wait3A_180, %dma_wait3A_181] : memref<10240x128xf32, #tpu.memory_space<hbm>> -> memref<10240x128xf32, #tpu.memory_space<hbm>>
        tpu.wait_indirect_dma semaphore(%arg15 : memref<!tpu.dma_semaphore, #tpu.memory_space<semaphore_mem>>) src(%dma_wait3A_182 : memref<10240x128xf32, #tpu.memory_space<hbm>>) dst(%arg10 : memref<64x128xf32, #tpu.memory_space<vmem>>)
        "tpu.region"() ({
          %run_scoped3A = tpu.sem_alloc : memref<!tpu.dma_semaphore, #tpu.memory_space<semaphore_mem>>
          %dma_start3A_204 = arith.constant 0 : i32
          %dma_start3A_205 = tpu.memref_slice %arg7[%add3A_176, %dma_start3A_204] : memref<40x64xi32, #tpu.memory_space<vmem>> -> memref<1x64xi32, #tpu.memory_space<vmem>>
          %dma_start3A_206 = tpu.memref_squeeze %dma_start3A_205 : memref<1x64xi32, #tpu.memory_space<vmem>> -> memref<64xi32, #tpu.memory_space<vmem>>
          %dma_start3A_207 = arith.constant 0 : i32
          %dma_start3A_208 = arith.constant 0 : i32
          %dma_start3A_209 = tpu.memref_slice %arg12[%dma_start3A_207, %dma_start3A_208] : memref<10240x128xf32, #tpu.memory_space<vmem_shared>> -> memref<10240x128xf32, #tpu.memory_space<vmem_shared>>
          tpu.enqueue_indirect_dma source(%arg10 : memref<64x128xf32, #tpu.memory_space<vmem>>) target(%dma_start3A_209 : memref<10240x128xf32, #tpu.memory_space<vmem_shared>>) offsets(%dma_start3A_206 : memref<64xi32, #tpu.memory_space<vmem>>) semaphore(%run_scoped3A : memref<!tpu.dma_semaphore, #tpu.memory_space<semaphore_mem>>) {add = true}
          %dma_wait3A_210 = arith.constant 0 : i32
          %dma_wait3A_211 = tpu.memref_slice %arg7[%add3A_176, %dma_wait3A_210] : memref<40x64xi32, #tpu.memory_space<vmem>> -> memref<1x64xi32, #tpu.memory_space<vmem>>
          %dma_wait3A_212 = tpu.memref_squeeze %dma_wait3A_211 : memref<1x64xi32, #tpu.memory_space<vmem>> -> memref<64xi32, #tpu.memory_space<vmem>>
          %dma_wait3A_213 = arith.constant 0 : i32
          %dma_wait3A_214 = arith.constant 0 : i32
          %dma_wait3A_215 = tpu.memref_slice %arg12[%dma_wait3A_213, %dma_wait3A_214] : memref<10240x128xf32, #tpu.memory_space<vmem_shared>> -> memref<10240x128xf32, #tpu.memory_space<vmem_shared>>
          tpu.wait_indirect_dma semaphore(%run_scoped3A : memref<!tpu.dma_semaphore, #tpu.memory_space<semaphore_mem>>) src(%arg10 : memref<64x128xf32, #tpu.memory_space<vmem>>) dst(%dma_wait3A_215 : memref<10240x128xf32, #tpu.memory_space<vmem_shared>>)
          tpu.yield
        }) : () -> ()
        %lt3A_183 = arith.constant 4 : i32
        %lt3A_184 = arith.cmpi slt, %scan3A_73, %lt3A_183 : i32
        %convert_element_type3A_185 = arith.extui %lt3A_184 : i1 to i32
        %cond3A_186 = arith.constant 0 : i32
        %cond3A_187 = arith.cmpi ne, %convert_element_type3A_185, %cond3A_186 : i32
        scf.if %cond3A_187 {
          %add3A_204 = arith.constant 4 : i32
          %add3A_205 = arith.addi %add3A_176, %add3A_204 : i32
          %dma_start3A_206 = arith.constant 0 : i32
          %dma_start3A_207 = tpu.memref_slice %arg6[%add3A_205, %dma_start3A_206] : memref<40x64xi32, #tpu.memory_space<vmem>> -> memref<1x64xi32, #tpu.memory_space<vmem>>
          %dma_start3A_208 = tpu.memref_squeeze %dma_start3A_207 : memref<1x64xi32, #tpu.memory_space<vmem>> -> memref<64xi32, #tpu.memory_space<vmem>>
          %dma_start3A_209 = arith.constant 0 : i32
          %dma_start3A_210 = arith.constant 0 : i32
          %dma_start3A_211 = tpu.memref_slice %arg2[%dma_start3A_209, %dma_start3A_210] : memref<10240x128xf32, #tpu.memory_space<hbm>> -> memref<10240x128xf32, #tpu.memory_space<hbm>>
          tpu.enqueue_indirect_dma source(%dma_start3A_211 : memref<10240x128xf32, #tpu.memory_space<hbm>>) target(%arg10 : memref<64x128xf32, #tpu.memory_space<vmem>>) offsets(%dma_start3A_208 : memref<64xi32, #tpu.memory_space<vmem>>) semaphore(%arg15 : memref<!tpu.dma_semaphore, #tpu.memory_space<semaphore_mem>>)
        } else {
        }
        %mul3A_188 = arith.constant 8 : i32
        %mul3A_189 = arith.muli %scan3A_73, %mul3A_188 : i32
        %add3A_190 = arith.constant 7 : i32
        %add3A_191 = arith.addi %mul3A_189, %add3A_190 : i32
        %dma_wait3A_192 = arith.constant 0 : i32
        %dma_wait3A_193 = tpu.memref_slice %arg6[%add3A_191, %dma_wait3A_192] : memref<40x64xi32, #tpu.memory_space<vmem>> -> memref<1x64xi32, #tpu.memory_space<vmem>>
        %dma_wait3A_194 = tpu.memref_squeeze %dma_wait3A_193 : memref<1x64xi32, #tpu.memory_space<vmem>> -> memref<64xi32, #tpu.memory_space<vmem>>
        %dma_wait3A_195 = arith.constant 0 : i32
        %dma_wait3A_196 = arith.constant 0 : i32
        %dma_wait3A_197 = tpu.memref_slice %arg2[%dma_wait3A_195, %dma_wait3A_196] : memref<10240x128xf32, #tpu.memory_space<hbm>> -> memref<10240x128xf32, #tpu.memory_space<hbm>>
        tpu.wait_indirect_dma semaphore(%arg16 : memref<!tpu.dma_semaphore, #tpu.memory_space<semaphore_mem>>) src(%dma_wait3A_197 : memref<10240x128xf32, #tpu.memory_space<hbm>>) dst(%arg11 : memref<64x128xf32, #tpu.memory_space<vmem>>)
        "tpu.region"() ({
          %run_scoped3A = tpu.sem_alloc : memref<!tpu.dma_semaphore, #tpu.memory_space<semaphore_mem>>
          %dma_start3A_204 = arith.constant 0 : i32
          %dma_start3A_205 = tpu.memref_slice %arg7[%add3A_191, %dma_start3A_204] : memref<40x64xi32, #tpu.memory_space<vmem>> -> memref<1x64xi32, #tpu.memory_space<vmem>>
          %dma_start3A_206 = tpu.memref_squeeze %dma_start3A_205 : memref<1x64xi32, #tpu.memory_space<vmem>> -> memref<64xi32, #tpu.memory_space<vmem>>
          %dma_start3A_207 = arith.constant 0 : i32
          %dma_start3A_208 = arith.constant 0 : i32
          %dma_start3A_209 = tpu.memref_slice %arg12[%dma_start3A_207, %dma_start3A_208] : memref<10240x128xf32, #tpu.memory_space<vmem_shared>> -> memref<10240x128xf32, #tpu.memory_space<vmem_shared>>
          tpu.enqueue_indirect_dma source(%arg11 : memref<64x128xf32, #tpu.memory_space<vmem>>) target(%dma_start3A_209 : memref<10240x128xf32, #tpu.memory_space<vmem_shared>>) offsets(%dma_start3A_206 : memref<64xi32, #tpu.memory_space<vmem>>) semaphore(%run_scoped3A : memref<!tpu.dma_semaphore, #tpu.memory_space<semaphore_mem>>) {add = true}
          %dma_wait3A_210 = arith.constant 0 : i32
          %dma_wait3A_211 = tpu.memref_slice %arg7[%add3A_191, %dma_wait3A_210] : memref<40x64xi32, #tpu.memory_space<vmem>> -> memref<1x64xi32, #tpu.memory_space<vmem>>
          %dma_wait3A_212 = tpu.memref_squeeze %dma_wait3A_211 : memref<1x64xi32, #tpu.memory_space<vmem>> -> memref<64xi32, #tpu.memory_space<vmem>>
          %dma_wait3A_213 = arith.constant 0 : i32
          %dma_wait3A_214 = arith.constant 0 : i32
          %dma_wait3A_215 = tpu.memref_slice %arg12[%dma_wait3A_213, %dma_wait3A_214] : memref<10240x128xf32, #tpu.memory_space<vmem_shared>> -> memref<10240x128xf32, #tpu.memory_space<vmem_shared>>
          tpu.wait_indirect_dma semaphore(%run_scoped3A : memref<!tpu.dma_semaphore, #tpu.memory_space<semaphore_mem>>) src(%arg11 : memref<64x128xf32, #tpu.memory_space<vmem>>) dst(%dma_wait3A_215 : memref<10240x128xf32, #tpu.memory_space<vmem_shared>>)
          tpu.yield
        }) : () -> ()
        %lt3A_198 = arith.constant 4 : i32
        %lt3A_199 = arith.cmpi slt, %scan3A_73, %lt3A_198 : i32
        %convert_element_type3A_200 = arith.extui %lt3A_199 : i1 to i32
        %cond3A_201 = arith.constant 0 : i32
        %cond3A_202 = arith.cmpi ne, %convert_element_type3A_200, %cond3A_201 : i32
        scf.if %cond3A_202 {
          %add3A_204 = arith.constant 4 : i32
          %add3A_205 = arith.addi %add3A_191, %add3A_204 : i32
          %dma_start3A_206 = arith.constant 0 : i32
          %dma_start3A_207 = tpu.memref_slice %arg6[%add3A_205, %dma_start3A_206] : memref<40x64xi32, #tpu.memory_space<vmem>> -> memref<1x64xi32, #tpu.memory_space<vmem>>
          %dma_start3A_208 = tpu.memref_squeeze %dma_start3A_207 : memref<1x64xi32, #tpu.memory_space<vmem>> -> memref<64xi32, #tpu.memory_space<vmem>>
          %dma_start3A_209 = arith.constant 0 : i32
          %dma_start3A_210 = arith.constant 0 : i32
          %dma_start3A_211 = tpu.memref_slice %arg2[%dma_start3A_209, %dma_start3A_210] : memref<10240x128xf32, #tpu.memory_space<hbm>> -> memref<10240x128xf32, #tpu.memory_space<hbm>>
          tpu.enqueue_indirect_dma source(%dma_start3A_211 : memref<10240x128xf32, #tpu.memory_space<hbm>>) target(%arg11 : memref<64x128xf32, #tpu.memory_space<vmem>>) offsets(%dma_start3A_208 : memref<64xi32, #tpu.memory_space<vmem>>) semaphore(%arg16 : memref<!tpu.dma_semaphore, #tpu.memory_space<semaphore_mem>>)
        } else {
        }
        %scan3A_203 = arith.constant 0 : i32
        scf.yield %scan3A_203 : i32
      }
      %scan3A_71 = arith.constant 5 : i32
      %scan3A_72 = arith.constant 0 : i32
      scf.yield %scan3A_72 : i32
    }
    %scan3A_22 = arith.constant 4 : i32
    %barrier3A_23 = arith.constant 0 : index
    tpu.barrier barrier_id(%barrier3A_23)
    %scan3A_24 = arith.constant 0 : i32
    %scan3A_25 = arith.constant 0 : i32
    %scan3A_26 = arith.constant 10 : i32
    %scan3A_27 = arith.addi %scan3A_25, %scan3A_26 : i32
    %scan3A_28 = arith.constant 1 : i32
    %scan3A_29 = scf.for %scan3A_31 = %scan3A_25 to %scan3A_27 step %scan3A_28 iter_args(%scan3A_32 = %scan3A_24) -> (i32)  : i32 {
      %mul3A_33 = arith.constant 64 : i32
      %mul3A_34 = arith.muli %scan3A_31, %mul3A_33 : i32
      %add3A_35 = arith.addi %mul3A_2, %mul3A_34 : i32
      "tpu.region"() ({
        %run_scoped3A = tpu.sem_alloc : memref<!tpu.dma_semaphore, #tpu.memory_space<semaphore_mem>>
        %dma_start3A = arith.constant 0 : i32
        %dma_start3A_37 = tpu.memref_slice %arg12[%add3A_35, %dma_start3A] : memref<10240x128xf32, #tpu.memory_space<vmem_shared>> -> memref<64x128xf32, #tpu.memory_space<vmem_shared>>
        %dma_start3A_38 = arith.constant 0 : i32
        %dma_start3A_39 = tpu.memref_slice %arg12[%add3A_35, %dma_start3A_38] : memref<10240x128xf32, #tpu.memory_space<vmem_shared>> -> memref<64x128xf32, #tpu.memory_space<vmem_shared>>
        tpu.enqueue_dma source(%dma_start3A_39 : memref<64x128xf32, #tpu.memory_space<vmem_shared>>) target(%arg8 : memref<64x128xf32, #tpu.memory_space<vmem>>) target_semaphore(%run_scoped3A : memref<!tpu.dma_semaphore, #tpu.memory_space<semaphore_mem>>)
        %dma_wait3A = arith.constant 0 : i32
        %dma_wait3A_40 = tpu.memref_slice %arg12[%add3A_35, %dma_wait3A] : memref<10240x128xf32, #tpu.memory_space<vmem_shared>> -> memref<64x128xf32, #tpu.memory_space<vmem_shared>>
        %dma_wait3A_41 = arith.constant 0 : i32
        %dma_wait3A_42 = tpu.memref_slice %arg12[%add3A_35, %dma_wait3A_41] : memref<10240x128xf32, #tpu.memory_space<vmem_shared>> -> memref<64x128xf32, #tpu.memory_space<vmem_shared>>
        tpu.wait_dma2 semaphore(%run_scoped3A : memref<!tpu.dma_semaphore, #tpu.memory_space<semaphore_mem>>) src(%dma_wait3A_42 : memref<64x128xf32, #tpu.memory_space<vmem_shared>>) dst(%arg8 : memref<64x128xf32, #tpu.memory_space<vmem>>)
        tpu.yield
      }) : () -> ()
      "tpu.region"() ({
        %run_scoped3A = tpu.sem_alloc : memref<!tpu.dma_semaphore, #tpu.memory_space<semaphore_mem>>
        %dma_start3A = arith.constant 0 : i32
        %dma_start3A_37 = tpu.memref_slice %arg5[%arg0, %add3A_35, %dma_start3A] : memref<2x10240x128xf32, #tpu.memory_space<hbm>> -> memref<1x64x128xf32, #tpu.memory_space<hbm>>
        %dma_start3A_38 = tpu.memref_squeeze %dma_start3A_37 : memref<1x64x128xf32, #tpu.memory_space<hbm>> -> memref<64x128xf32, #tpu.memory_space<hbm>>
        %dma_start3A_39 = arith.constant 0 : i32
        %dma_start3A_40 = tpu.memref_slice %arg5[%arg0, %add3A_35, %dma_start3A_39] : memref<2x10240x128xf32, #tpu.memory_space<hbm>> -> memref<1x64x128xf32, #tpu.memory_space<hbm>>
        %dma_start3A_41 = tpu.memref_squeeze %dma_start3A_40 : memref<1x64x128xf32, #tpu.memory_space<hbm>> -> memref<64x128xf32, #tpu.memory_space<hbm>>
        tpu.enqueue_dma source(%arg8 : memref<64x128xf32, #tpu.memory_space<vmem>>) target(%dma_start3A_41 : memref<64x128xf32, #tpu.memory_space<hbm>>) target_semaphore(%run_scoped3A : memref<!tpu.dma_semaphore, #tpu.memory_space<semaphore_mem>>)
        %dma_wait3A = arith.constant 0 : i32
        %dma_wait3A_42 = tpu.memref_slice %arg5[%arg0, %add3A_35, %dma_wait3A] : memref<2x10240x128xf32, #tpu.memory_space<hbm>> -> memref<1x64x128xf32, #tpu.memory_space<hbm>>
        %dma_wait3A_43 = tpu.memref_squeeze %dma_wait3A_42 : memref<1x64x128xf32, #tpu.memory_space<hbm>> -> memref<64x128xf32, #tpu.memory_space<hbm>>
        %dma_wait3A_44 = arith.constant 0 : i32
        %dma_wait3A_45 = tpu.memref_slice %arg5[%arg0, %add3A_35, %dma_wait3A_44] : memref<2x10240x128xf32, #tpu.memory_space<hbm>> -> memref<1x64x128xf32, #tpu.memory_space<hbm>>
        %dma_wait3A_46 = tpu.memref_squeeze %dma_wait3A_45 : memref<1x64x128xf32, #tpu.memory_space<hbm>> -> memref<64x128xf32, #tpu.memory_space<hbm>>
        tpu.wait_dma2 semaphore(%run_scoped3A : memref<!tpu.dma_semaphore, #tpu.memory_space<semaphore_mem>>) src(%arg8 : memref<64x128xf32, #tpu.memory_space<vmem>>) dst(%dma_wait3A_46 : memref<64x128xf32, #tpu.memory_space<hbm>>)
        tpu.yield
      }) : () -> ()
      %scan3A_36 = arith.constant 0 : i32
      scf.yield %scan3A_36 : i32
    }
    %scan3A_30 = arith.constant 10 : i32
    return
  }
}

#map = affine_map<(d0, d1) -> (0, 0)>
#map1 = affine_map<(d0, d1) -> (0, 0, 0)>
module attributes {stable_mosaic.version = 14 : i64} {
  func.func @_hop_kernel(%arg0: i32, %arg1: i32, %arg2: memref<10240x128xf32, #tpu.memory_space<hbm>>, %arg3: memref<5120x64xi32, #tpu.memory_space<hbm>>, %arg4: memref<5120x64xi32, #tpu.memory_space<hbm>>, %arg5: memref<2x10240x128xf32, #tpu.memory_space<hbm>>, %arg6: memref<40x64xi32, #tpu.memory_space<vmem>>, %arg7: memref<40x64xi32, #tpu.memory_space<vmem>>, %arg8: memref<64x128xf32, #tpu.memory_space<vmem>>, %arg9: memref<64x128xf32, #tpu.memory_space<vmem>>, %arg10: memref<64x128xf32, #tpu.memory_space<vmem>>, %arg11: memref<64x128xf32, #tpu.memory_space<vmem>>, %arg12: memref<10240x128xf32, #tpu.memory_space<vmem_shared>>, %arg13: memref<!tpu.dma_semaphore, #tpu.memory_space<semaphore_mem>>, %arg14: memref<!tpu.dma_semaphore, #tpu.memory_space<semaphore_mem>>, %arg15: memref<!tpu.dma_semaphore, #tpu.memory_space<semaphore_mem>>, %arg16: memref<!tpu.dma_semaphore, #tpu.memory_space<semaphore_mem>>) attributes {dimension_semantics = [#tpu.dimension_semantics<core_parallel>, #tpu.dimension_semantics<subcore_parallel>], iteration_bounds = array<i64: 2, 16>, scalar_prefetch = 0 : i64, scratch_operands = 11 : i64, tpu.core_type = #tpu.core_type<sc_vector_subcore>, window_params = [{transform_indices = #map}, {transform_indices = #map}, {transform_indices = #map}, {transform_indices = #map1}]} {
    %mul3A = arith.constant 16 : i32
    %mul3A_0 = arith.muli %arg0, %mul3A : i32
    %add3A = arith.addi %mul3A_0, %arg1 : i32
    %mul3A_1 = arith.constant 640 : i32
    %mul3A_2 = arith.muli %arg1, %mul3A_1 : i32
    %scan3A = arith.constant 0 : i32
    %scan3A_3 = arith.constant 0 : i32
    %scan3A_4 = arith.constant 64 : i32
    %scan3A_5 = arith.addi %scan3A_3, %scan3A_4 : i32
    %scan3A_6 = arith.constant 1 : i32
    %scan3A_7 = scf.for %scan3A_31 = %scan3A_3 to %scan3A_5 step %scan3A_6 iter_args(%scan3A_32 = %scan3A) -> (i32)  : i32 {
      %scan3A_33 = arith.constant 0 : i32
      %scan3A_34 = arith.constant 0 : i32
      %scan3A_35 = arith.constant 8 : i32
      %scan3A_36 = arith.addi %scan3A_34, %scan3A_35 : i32
      %scan3A_37 = arith.constant 1 : i32
      %scan3A_38 = scf.for %scan3A_41 = %scan3A_34 to %scan3A_36 step %scan3A_37 iter_args(%scan3A_42 = %scan3A_33) -> (i32)  : i32 {
        %broadcast_in_dim3A = arith.constant 0.000000e+00 : f32
        %broadcast_in_dim3A_43 = vector.broadcast %broadcast_in_dim3A : f32 to vector<16xf32>
        %mul3A_44 = arith.constant 16 : i32
        %mul3A_45 = arith.muli %scan3A_41, %mul3A_44 : i32
        %swap3A = arith.index_cast %scan3A_31 : i32 to index
        %swap3A_46 = arith.index_cast %mul3A_45 : i32 to index
        %swap3A_47 = tpu.vector_load %arg8[%swap3A, %swap3A_46] {strides = array<i32>} : memref<64x128xf32, #tpu.memory_space<vmem>>, vector<1x16xf32>,
        %swap3A_48 = vector.shape_cast %swap3A_47 : vector<1x16xf32> to vector<16xf32>
        %swap3A_49 = vector.shape_cast %broadcast_in_dim3A_43 : vector<16xf32> to vector<1x16xf32>
        tpu.vector_store %arg8[%swap3A, %swap3A_46], %swap3A_49 {strides = array<i32>} : memref<64x128xf32, #tpu.memory_space<vmem>>, vector<1x16xf32>,
        %scan3A_50 = arith.constant 0 : i32
        scf.yield %scan3A_50 : i32
      }
      %scan3A_39 = arith.constant 8 : i32
      %scan3A_40 = arith.constant 0 : i32
      scf.yield %scan3A_40 : i32
    }
    %scan3A_8 = arith.constant 64 : i32
    %scan3A_9 = arith.constant 0 : i32
    %scan3A_10 = arith.constant 0 : i32
    %scan3A_11 = arith.constant 10 : i32
    %scan3A_12 = arith.addi %scan3A_10, %scan3A_11 : i32
    %scan3A_13 = arith.constant 1 : i32
    %scan3A_14 = scf.for %scan3A_31 = %scan3A_10 to %scan3A_12 step %scan3A_13 iter_args(%scan3A_32 = %scan3A_9) -> (i32)  : i32 {
      %mul3A_33 = arith.constant 64 : i32
      %mul3A_34 = arith.muli %scan3A_31, %mul3A_33 : i32
      %add3A_35 = arith.addi %mul3A_2, %mul3A_34 : i32
      "tpu.region"() ({
        %run_scoped3A = tpu.sem_alloc : memref<!tpu.dma_semaphore, #tpu.memory_space<semaphore_mem>>
        %dma_start3A = arith.constant 0 : i32
        %dma_start3A_37 = tpu.memref_slice %arg12[%add3A_35, %dma_start3A] : memref<10240x128xf32, #tpu.memory_space<vmem_shared>> -> memref<64x128xf32, #tpu.memory_space<vmem_shared>>
        %dma_start3A_38 = arith.constant 0 : i32
        %dma_start3A_39 = tpu.memref_slice %arg12[%add3A_35, %dma_start3A_38] : memref<10240x128xf32, #tpu.memory_space<vmem_shared>> -> memref<64x128xf32, #tpu.memory_space<vmem_shared>>
        tpu.enqueue_dma source(%arg8 : memref<64x128xf32, #tpu.memory_space<vmem>>) target(%dma_start3A_39 : memref<64x128xf32, #tpu.memory_space<vmem_shared>>) target_semaphore(%run_scoped3A : memref<!tpu.dma_semaphore, #tpu.memory_space<semaphore_mem>>)
        %dma_wait3A = arith.constant 0 : i32
        %dma_wait3A_40 = tpu.memref_slice %arg12[%add3A_35, %dma_wait3A] : memref<10240x128xf32, #tpu.memory_space<vmem_shared>> -> memref<64x128xf32, #tpu.memory_space<vmem_shared>>
        %dma_wait3A_41 = arith.constant 0 : i32
        %dma_wait3A_42 = tpu.memref_slice %arg12[%add3A_35, %dma_wait3A_41] : memref<10240x128xf32, #tpu.memory_space<vmem_shared>> -> memref<64x128xf32, #tpu.memory_space<vmem_shared>>
        tpu.wait_dma2 semaphore(%run_scoped3A : memref<!tpu.dma_semaphore, #tpu.memory_space<semaphore_mem>>) src(%arg8 : memref<64x128xf32, #tpu.memory_space<vmem>>) dst(%dma_wait3A_42 : memref<64x128xf32, #tpu.memory_space<vmem_shared>>)
        tpu.yield
      }) : () -> ()
      %scan3A_36 = arith.constant 0 : i32
      scf.yield %scan3A_36 : i32
    }
    %scan3A_15 = arith.constant 10 : i32
    %barrier3A = arith.constant 0 : index
    tpu.barrier barrier_id(%barrier3A)
    %scan3A_16 = arith.constant 0 : i32
    %scan3A_17 = arith.constant 0 : i32
    %scan3A_18 = arith.constant 4 : i32
    %scan3A_19 = arith.addi %scan3A_17, %scan3A_18 : i32
    %scan3A_20 = arith.constant 1 : i32
    %scan3A_21 = scf.for %scan3A_31 = %scan3A_17 to %scan3A_19 step %scan3A_20 iter_args(%scan3A_32 = %scan3A_16) -> (i32)  : i32 {
      %mul3A_33 = arith.constant 160 : i32
      %mul3A_34 = arith.muli %add3A, %mul3A_33 : i32
      %mul3A_35 = arith.constant 40 : i32
      %mul3A_36 = arith.muli %scan3A_31, %mul3A_35 : i32
      %add3A_37 = arith.addi %mul3A_34, %mul3A_36 : i32
      "tpu.region"() ({
        %run_scoped3A = tpu.sem_alloc : memref<!tpu.dma_semaphore, #tpu.memory_space<semaphore_mem>>
        %dma_start3A_73 = arith.constant 0 : i32
        %dma_start3A_74 = tpu.memref_slice %arg3[%add3A_37, %dma_start3A_73] : memref<5120x64xi32, #tpu.memory_space<hbm>> -> memref<40x64xi32, #tpu.memory_space<hbm>>
        %dma_start3A_75 = arith.constant 0 : i32
        %dma_start3A_76 = tpu.memref_slice %arg3[%add3A_37, %dma_start3A_75] : memref<5120x64xi32, #tpu.memory_space<hbm>> -> memref<40x64xi32, #tpu.memory_space<hbm>>
        tpu.enqueue_dma source(%dma_start3A_76 : memref<40x64xi32, #tpu.memory_space<hbm>>) target(%arg6 : memref<40x64xi32, #tpu.memory_space<vmem>>) target_semaphore(%run_scoped3A : memref<!tpu.dma_semaphore, #tpu.memory_space<semaphore_mem>>)
        %dma_wait3A = arith.constant 0 : i32
        %dma_wait3A_77 = tpu.memref_slice %arg3[%add3A_37, %dma_wait3A] : memref<5120x64xi32, #tpu.memory_space<hbm>> -> memref<40x64xi32, #tpu.memory_space<hbm>>
        %dma_wait3A_78 = arith.constant 0 : i32
        %dma_wait3A_79 = tpu.memref_slice %arg3[%add3A_37, %dma_wait3A_78] : memref<5120x64xi32, #tpu.memory_space<hbm>> -> memref<40x64xi32, #tpu.memory_space<hbm>>
        tpu.wait_dma2 semaphore(%run_scoped3A : memref<!tpu.dma_semaphore, #tpu.memory_space<semaphore_mem>>) src(%dma_wait3A_79 : memref<40x64xi32, #tpu.memory_space<hbm>>) dst(%arg6 : memref<40x64xi32, #tpu.memory_space<vmem>>)
        tpu.yield
      }) : () -> ()
      "tpu.region"() ({
        %run_scoped3A = tpu.sem_alloc : memref<!tpu.dma_semaphore, #tpu.memory_space<semaphore_mem>>
        %dma_start3A_73 = arith.constant 0 : i32
        %dma_start3A_74 = tpu.memref_slice %arg4[%add3A_37, %dma_start3A_73] : memref<5120x64xi32, #tpu.memory_space<hbm>> -> memref<40x64xi32, #tpu.memory_space<hbm>>
        %dma_start3A_75 = arith.constant 0 : i32
        %dma_start3A_76 = tpu.memref_slice %arg4[%add3A_37, %dma_start3A_75] : memref<5120x64xi32, #tpu.memory_space<hbm>> -> memref<40x64xi32, #tpu.memory_space<hbm>>
        tpu.enqueue_dma source(%dma_start3A_76 : memref<40x64xi32, #tpu.memory_space<hbm>>) target(%arg7 : memref<40x64xi32, #tpu.memory_space<vmem>>) target_semaphore(%run_scoped3A : memref<!tpu.dma_semaphore, #tpu.memory_space<semaphore_mem>>)
        %dma_wait3A = arith.constant 0 : i32
        %dma_wait3A_77 = tpu.memref_slice %arg4[%add3A_37, %dma_wait3A] : memref<5120x64xi32, #tpu.memory_space<hbm>> -> memref<40x64xi32, #tpu.memory_space<hbm>>
        %dma_wait3A_78 = arith.constant 0 : i32
        %dma_wait3A_79 = tpu.memref_slice %arg4[%add3A_37, %dma_wait3A_78] : memref<5120x64xi32, #tpu.memory_space<hbm>> -> memref<40x64xi32, #tpu.memory_space<hbm>>
        tpu.wait_dma2 semaphore(%run_scoped3A : memref<!tpu.dma_semaphore, #tpu.memory_space<semaphore_mem>>) src(%dma_wait3A_79 : memref<40x64xi32, #tpu.memory_space<hbm>>) dst(%arg7 : memref<40x64xi32, #tpu.memory_space<vmem>>)
        tpu.yield
      }) : () -> ()
      %dma_start3A = arith.constant 0 : i32
      %dma_start3A_38 = arith.constant 0 : i32
      %dma_start3A_39 = tpu.memref_slice %arg6[%dma_start3A, %dma_start3A_38] : memref<40x64xi32, #tpu.memory_space<vmem>> -> memref<1x64xi32, #tpu.memory_space<vmem>>
      %dma_start3A_40 = tpu.memref_squeeze %dma_start3A_39 : memref<1x64xi32, #tpu.memory_space<vmem>> -> memref<64xi32, #tpu.memory_space<vmem>>
      %dma_start3A_41 = arith.constant 0 : i32
      %dma_start3A_42 = arith.constant 0 : i32
      %dma_start3A_43 = tpu.memref_slice %arg2[%dma_start3A_41, %dma_start3A_42] : memref<10240x128xf32, #tpu.memory_space<hbm>> -> memref<10240x128xf32, #tpu.memory_space<hbm>>
      tpu.enqueue_indirect_dma source(%dma_start3A_43 : memref<10240x128xf32, #tpu.memory_space<hbm>>) target(%arg8 : memref<64x128xf32, #tpu.memory_space<vmem>>) offsets(%dma_start3A_40 : memref<64xi32, #tpu.memory_space<vmem>>) semaphore(%arg13 : memref<!tpu.dma_semaphore, #tpu.memory_space<semaphore_mem>>)
      %dma_start3A_44 = arith.constant 1 : i32
      %dma_start3A_45 = arith.constant 0 : i32
      %dma_start3A_46 = tpu.memref_slice %arg6[%dma_start3A_44, %dma_start3A_45] : memref<40x64xi32, #tpu.memory_space<vmem>> -> memref<1x64xi32, #tpu.memory_space<vmem>>
      %dma_start3A_47 = tpu.memref_squeeze %dma_start3A_46 : memref<1x64xi32, #tpu.memory_space<vmem>> -> memref<64xi32, #tpu.memory_space<vmem>>
      %dma_start3A_48 = arith.constant 0 : i32
      %dma_start3A_49 = arith.constant 0 : i32
      %dma_start3A_50 = tpu.memref_slice %arg2[%dma_start3A_48, %dma_start3A_49] : memref<10240x128xf32, #tpu.memory_space<hbm>> -> memref<10240x128xf32, #tpu.memory_space<hbm>>
      tpu.enqueue_indirect_dma source(%dma_start3A_50 : memref<10240x128xf32, #tpu.memory_space<hbm>>) target(%arg9 : memref<64x128xf32, #tpu.memory_space<vmem>>) offsets(%dma_start3A_47 : memref<64xi32, #tpu.memory_space<vmem>>) semaphore(%arg14 : memref<!tpu.dma_semaphore, #tpu.memory_space<semaphore_mem>>)
      %dma_start3A_51 = arith.constant 2 : i32
      %dma_start3A_52 = arith.constant 0 : i32
      %dma_start3A_53 = tpu.memref_slice %arg6[%dma_start3A_51, %dma_start3A_52] : memref<40x64xi32, #tpu.memory_space<vmem>> -> memref<1x64xi32, #tpu.memory_space<vmem>>
      %dma_start3A_54 = tpu.memref_squeeze %dma_start3A_53 : memref<1x64xi32, #tpu.memory_space<vmem>> -> memref<64xi32, #tpu.memory_space<vmem>>
      %dma_start3A_55 = arith.constant 0 : i32
      %dma_start3A_56 = arith.constant 0 : i32
      %dma_start3A_57 = tpu.memref_slice %arg2[%dma_start3A_55, %dma_start3A_56] : memref<10240x128xf32, #tpu.memory_space<hbm>> -> memref<10240x128xf32, #tpu.memory_space<hbm>>
      tpu.enqueue_indirect_dma source(%dma_start3A_57 : memref<10240x128xf32, #tpu.memory_space<hbm>>) target(%arg10 : memref<64x128xf32, #tpu.memory_space<vmem>>) offsets(%dma_start3A_54 : memref<64xi32, #tpu.memory_space<vmem>>) semaphore(%arg15 : memref<!tpu.dma_semaphore, #tpu.memory_space<semaphore_mem>>)
      %dma_start3A_58 = arith.constant 3 : i32
      %dma_start3A_59 = arith.constant 0 : i32
      %dma_start3A_60 = tpu.memref_slice %arg6[%dma_start3A_58, %dma_start3A_59] : memref<40x64xi32, #tpu.memory_space<vmem>> -> memref<1x64xi32, #tpu.memory_space<vmem>>
      %dma_start3A_61 = tpu.memref_squeeze %dma_start3A_60 : memref<1x64xi32, #tpu.memory_space<vmem>> -> memref<64xi32, #tpu.memory_space<vmem>>
      %dma_start3A_62 = arith.constant 0 : i32
      %dma_start3A_63 = arith.constant 0 : i32
      %dma_start3A_64 = tpu.memref_slice %arg2[%dma_start3A_62, %dma_start3A_63] : memref<10240x128xf32, #tpu.memory_space<hbm>> -> memref<10240x128xf32, #tpu.memory_space<hbm>>
      tpu.enqueue_indirect_dma source(%dma_start3A_64 : memref<10240x128xf32, #tpu.memory_space<hbm>>) target(%arg11 : memref<64x128xf32, #tpu.memory_space<vmem>>) offsets(%dma_start3A_61 : memref<64xi32, #tpu.memory_space<vmem>>) semaphore(%arg16 : memref<!tpu.dma_semaphore, #tpu.memory_space<semaphore_mem>>)
      %scan3A_65 = arith.constant 0 : i32
      %scan3A_66 = arith.constant 0 : i32
      %scan3A_67 = arith.constant 5 : i32
      %scan3A_68 = arith.addi %scan3A_66, %scan3A_67 : i32
      %scan3A_69 = arith.constant 1 : i32
      %scan3A_70 = scf.for %scan3A_73 = %scan3A_66 to %scan3A_68 step %scan3A_69 iter_args(%scan3A_74 = %scan3A_65) -> (i32)  : i32 {
        %mul3A_75 = arith.constant 8 : i32
        %mul3A_76 = arith.muli %scan3A_73, %mul3A_75 : i32
        %add3A_77 = arith.constant 0 : i32
        %add3A_78 = arith.addi %mul3A_76, %add3A_77 : i32
        %dma_wait3A = arith.constant 0 : i32
        %dma_wait3A_79 = tpu.memref_slice %arg6[%add3A_78, %dma_wait3A] : memref<40x64xi32, #tpu.memory_space<vmem>> -> memref<1x64xi32, #tpu.memory_space<vmem>>
        %dma_wait3A_80 = tpu.memref_squeeze %dma_wait3A_79 : memref<1x64xi32, #tpu.memory_space<vmem>> -> memref<64xi32, #tpu.memory_space<vmem>>
        %dma_wait3A_81 = arith.constant 0 : i32
        %dma_wait3A_82 = arith.constant 0 : i32
        %dma_wait3A_83 = tpu.memref_slice %arg2[%dma_wait3A_81, %dma_wait3A_82] : memref<10240x128xf32, #tpu.memory_space<hbm>> -> memref<10240x128xf32, #tpu.memory_space<hbm>>
        tpu.wait_indirect_dma semaphore(%arg13 : memref<!tpu.dma_semaphore, #tpu.memory_space<semaphore_mem>>) src(%dma_wait3A_83 : memref<10240x128xf32, #tpu.memory_space<hbm>>) dst(%arg8 : memref<64x128xf32, #tpu.memory_space<vmem>>)
        "tpu.region"() ({
          %run_scoped3A = tpu.sem_alloc : memref<!tpu.dma_semaphore, #tpu.memory_space<semaphore_mem>>
          %dma_start3A_204 = arith.constant 0 : i32
          %dma_start3A_205 = tpu.memref_slice %arg7[%add3A_78, %dma_start3A_204] : memref<40x64xi32, #tpu.memory_space<vmem>> -> memref<1x64xi32, #tpu.memory_space<vmem>>
          %dma_start3A_206 = tpu.memref_squeeze %dma_start3A_205 : memref<1x64xi32, #tpu.memory_space<vmem>> -> memref<64xi32, #tpu.memory_space<vmem>>
          %dma_start3A_207 = arith.constant 0 : i32
          %dma_start3A_208 = arith.constant 0 : i32
          %dma_start3A_209 = tpu.memref_slice %arg12[%dma_start3A_207, %dma_start3A_208] : memref<10240x128xf32, #tpu.memory_space<vmem_shared>> -> memref<10240x128xf32, #tpu.memory_space<vmem_shared>>
          tpu.enqueue_indirect_dma source(%arg8 : memref<64x128xf32, #tpu.memory_space<vmem>>) target(%dma_start3A_209 : memref<10240x128xf32, #tpu.memory_space<vmem_shared>>) offsets(%dma_start3A_206 : memref<64xi32, #tpu.memory_space<vmem>>) semaphore(%run_scoped3A : memref<!tpu.dma_semaphore, #tpu.memory_space<semaphore_mem>>) {add = true}
          %dma_wait3A_210 = arith.constant 0 : i32
          %dma_wait3A_211 = tpu.memref_slice %arg7[%add3A_78, %dma_wait3A_210] : memref<40x64xi32, #tpu.memory_space<vmem>> -> memref<1x64xi32, #tpu.memory_space<vmem>>
          %dma_wait3A_212 = tpu.memref_squeeze %dma_wait3A_211 : memref<1x64xi32, #tpu.memory_space<vmem>> -> memref<64xi32, #tpu.memory_space<vmem>>
          %dma_wait3A_213 = arith.constant 0 : i32
          %dma_wait3A_214 = arith.constant 0 : i32
          %dma_wait3A_215 = tpu.memref_slice %arg12[%dma_wait3A_213, %dma_wait3A_214] : memref<10240x128xf32, #tpu.memory_space<vmem_shared>> -> memref<10240x128xf32, #tpu.memory_space<vmem_shared>>
          tpu.wait_indirect_dma semaphore(%run_scoped3A : memref<!tpu.dma_semaphore, #tpu.memory_space<semaphore_mem>>) src(%arg8 : memref<64x128xf32, #tpu.memory_space<vmem>>) dst(%dma_wait3A_215 : memref<10240x128xf32, #tpu.memory_space<vmem_shared>>)
          tpu.yield
        }) : () -> ()
        %add3A_84 = arith.constant 4 : i32
        %add3A_85 = arith.addi %add3A_78, %add3A_84 : i32
        %dma_start3A_86 = arith.constant 0 : i32
        %dma_start3A_87 = tpu.memref_slice %arg6[%add3A_85, %dma_start3A_86] : memref<40x64xi32, #tpu.memory_space<vmem>> -> memref<1x64xi32, #tpu.memory_space<vmem>>
        %dma_start3A_88 = tpu.memref_squeeze %dma_start3A_87 : memref<1x64xi32, #tpu.memory_space<vmem>> -> memref<64xi32, #tpu.memory_space<vmem>>
        %dma_start3A_89 = arith.constant 0 : i32
        %dma_start3A_90 = arith.constant 0 : i32
        %dma_start3A_91 = tpu.memref_slice %arg2[%dma_start3A_89, %dma_start3A_90] : memref<10240x128xf32, #tpu.memory_space<hbm>> -> memref<10240x128xf32, #tpu.memory_space<hbm>>
        tpu.enqueue_indirect_dma source(%dma_start3A_91 : memref<10240x128xf32, #tpu.memory_space<hbm>>) target(%arg8 : memref<64x128xf32, #tpu.memory_space<vmem>>) offsets(%dma_start3A_88 : memref<64xi32, #tpu.memory_space<vmem>>) semaphore(%arg13 : memref<!tpu.dma_semaphore, #tpu.memory_space<semaphore_mem>>)
        %mul3A_92 = arith.constant 8 : i32
        %mul3A_93 = arith.muli %scan3A_73, %mul3A_92 : i32
        %add3A_94 = arith.constant 1 : i32
        %add3A_95 = arith.addi %mul3A_93, %add3A_94 : i32
        %dma_wait3A_96 = arith.constant 0 : i32
        %dma_wait3A_97 = tpu.memref_slice %arg6[%add3A_95, %dma_wait3A_96] : memref<40x64xi32, #tpu.memory_space<vmem>> -> memref<1x64xi32, #tpu.memory_space<vmem>>
        %dma_wait3A_98 = tpu.memref_squeeze %dma_wait3A_97 : memref<1x64xi32, #tpu.memory_space<vmem>> -> memref<64xi32, #tpu.memory_space<vmem>>
        %dma_wait3A_99 = arith.constant 0 : i32
        %dma_wait3A_100 = arith.constant 0 : i32
        %dma_wait3A_101 = tpu.memref_slice %arg2[%dma_wait3A_99, %dma_wait3A_100] : memref<10240x128xf32, #tpu.memory_space<hbm>> -> memref<10240x128xf32, #tpu.memory_space<hbm>>
        tpu.wait_indirect_dma semaphore(%arg14 : memref<!tpu.dma_semaphore, #tpu.memory_space<semaphore_mem>>) src(%dma_wait3A_101 : memref<10240x128xf32, #tpu.memory_space<hbm>>) dst(%arg9 : memref<64x128xf32, #tpu.memory_space<vmem>>)
        "tpu.region"() ({
          %run_scoped3A = tpu.sem_alloc : memref<!tpu.dma_semaphore, #tpu.memory_space<semaphore_mem>>
          %dma_start3A_204 = arith.constant 0 : i32
          %dma_start3A_205 = tpu.memref_slice %arg7[%add3A_95, %dma_start3A_204] : memref<40x64xi32, #tpu.memory_space<vmem>> -> memref<1x64xi32, #tpu.memory_space<vmem>>
          %dma_start3A_206 = tpu.memref_squeeze %dma_start3A_205 : memref<1x64xi32, #tpu.memory_space<vmem>> -> memref<64xi32, #tpu.memory_space<vmem>>
          %dma_start3A_207 = arith.constant 0 : i32
          %dma_start3A_208 = arith.constant 0 : i32
          %dma_start3A_209 = tpu.memref_slice %arg12[%dma_start3A_207, %dma_start3A_208] : memref<10240x128xf32, #tpu.memory_space<vmem_shared>> -> memref<10240x128xf32, #tpu.memory_space<vmem_shared>>
          tpu.enqueue_indirect_dma source(%arg9 : memref<64x128xf32, #tpu.memory_space<vmem>>) target(%dma_start3A_209 : memref<10240x128xf32, #tpu.memory_space<vmem_shared>>) offsets(%dma_start3A_206 : memref<64xi32, #tpu.memory_space<vmem>>) semaphore(%run_scoped3A : memref<!tpu.dma_semaphore, #tpu.memory_space<semaphore_mem>>) {add = true}
          %dma_wait3A_210 = arith.constant 0 : i32
          %dma_wait3A_211 = tpu.memref_slice %arg7[%add3A_95, %dma_wait3A_210] : memref<40x64xi32, #tpu.memory_space<vmem>> -> memref<1x64xi32, #tpu.memory_space<vmem>>
          %dma_wait3A_212 = tpu.memref_squeeze %dma_wait3A_211 : memref<1x64xi32, #tpu.memory_space<vmem>> -> memref<64xi32, #tpu.memory_space<vmem>>
          %dma_wait3A_213 = arith.constant 0 : i32
          %dma_wait3A_214 = arith.constant 0 : i32
          %dma_wait3A_215 = tpu.memref_slice %arg12[%dma_wait3A_213, %dma_wait3A_214] : memref<10240x128xf32, #tpu.memory_space<vmem_shared>> -> memref<10240x128xf32, #tpu.memory_space<vmem_shared>>
          tpu.wait_indirect_dma semaphore(%run_scoped3A : memref<!tpu.dma_semaphore, #tpu.memory_space<semaphore_mem>>) src(%arg9 : memref<64x128xf32, #tpu.memory_space<vmem>>) dst(%dma_wait3A_215 : memref<10240x128xf32, #tpu.memory_space<vmem_shared>>)
          tpu.yield
        }) : () -> ()
        %add3A_102 = arith.constant 4 : i32
        %add3A_103 = arith.addi %add3A_95, %add3A_102 : i32
        %dma_start3A_104 = arith.constant 0 : i32
        %dma_start3A_105 = tpu.memref_slice %arg6[%add3A_103, %dma_start3A_104] : memref<40x64xi32, #tpu.memory_space<vmem>> -> memref<1x64xi32, #tpu.memory_space<vmem>>
        %dma_start3A_106 = tpu.memref_squeeze %dma_start3A_105 : memref<1x64xi32, #tpu.memory_space<vmem>> -> memref<64xi32, #tpu.memory_space<vmem>>
        %dma_start3A_107 = arith.constant 0 : i32
        %dma_start3A_108 = arith.constant 0 : i32
        %dma_start3A_109 = tpu.memref_slice %arg2[%dma_start3A_107, %dma_start3A_108] : memref<10240x128xf32, #tpu.memory_space<hbm>> -> memref<10240x128xf32, #tpu.memory_space<hbm>>
        tpu.enqueue_indirect_dma source(%dma_start3A_109 : memref<10240x128xf32, #tpu.memory_space<hbm>>) target(%arg9 : memref<64x128xf32, #tpu.memory_space<vmem>>) offsets(%dma_start3A_106 : memref<64xi32, #tpu.memory_space<vmem>>) semaphore(%arg14 : memref<!tpu.dma_semaphore, #tpu.memory_space<semaphore_mem>>)
        %mul3A_110 = arith.constant 8 : i32
        %mul3A_111 = arith.muli %scan3A_73, %mul3A_110 : i32
        %add3A_112 = arith.constant 2 : i32
        %add3A_113 = arith.addi %mul3A_111, %add3A_112 : i32
        %dma_wait3A_114 = arith.constant 0 : i32
        %dma_wait3A_115 = tpu.memref_slice %arg6[%add3A_113, %dma_wait3A_114] : memref<40x64xi32, #tpu.memory_space<vmem>> -> memref<1x64xi32, #tpu.memory_space<vmem>>
        %dma_wait3A_116 = tpu.memref_squeeze %dma_wait3A_115 : memref<1x64xi32, #tpu.memory_space<vmem>> -> memref<64xi32, #tpu.memory_space<vmem>>
        %dma_wait3A_117 = arith.constant 0 : i32
        %dma_wait3A_118 = arith.constant 0 : i32
        %dma_wait3A_119 = tpu.memref_slice %arg2[%dma_wait3A_117, %dma_wait3A_118] : memref<10240x128xf32, #tpu.memory_space<hbm>> -> memref<10240x128xf32, #tpu.memory_space<hbm>>
        tpu.wait_indirect_dma semaphore(%arg15 : memref<!tpu.dma_semaphore, #tpu.memory_space<semaphore_mem>>) src(%dma_wait3A_119 : memref<10240x128xf32, #tpu.memory_space<hbm>>) dst(%arg10 : memref<64x128xf32, #tpu.memory_space<vmem>>)
        "tpu.region"() ({
          %run_scoped3A = tpu.sem_alloc : memref<!tpu.dma_semaphore, #tpu.memory_space<semaphore_mem>>
          %dma_start3A_204 = arith.constant 0 : i32
          %dma_start3A_205 = tpu.memref_slice %arg7[%add3A_113, %dma_start3A_204] : memref<40x64xi32, #tpu.memory_space<vmem>> -> memref<1x64xi32, #tpu.memory_space<vmem>>
          %dma_start3A_206 = tpu.memref_squeeze %dma_start3A_205 : memref<1x64xi32, #tpu.memory_space<vmem>> -> memref<64xi32, #tpu.memory_space<vmem>>
          %dma_start3A_207 = arith.constant 0 : i32
          %dma_start3A_208 = arith.constant 0 : i32
          %dma_start3A_209 = tpu.memref_slice %arg12[%dma_start3A_207, %dma_start3A_208] : memref<10240x128xf32, #tpu.memory_space<vmem_shared>> -> memref<10240x128xf32, #tpu.memory_space<vmem_shared>>
          tpu.enqueue_indirect_dma source(%arg10 : memref<64x128xf32, #tpu.memory_space<vmem>>) target(%dma_start3A_209 : memref<10240x128xf32, #tpu.memory_space<vmem_shared>>) offsets(%dma_start3A_206 : memref<64xi32, #tpu.memory_space<vmem>>) semaphore(%run_scoped3A : memref<!tpu.dma_semaphore, #tpu.memory_space<semaphore_mem>>) {add = true}
          %dma_wait3A_210 = arith.constant 0 : i32
          %dma_wait3A_211 = tpu.memref_slice %arg7[%add3A_113, %dma_wait3A_210] : memref<40x64xi32, #tpu.memory_space<vmem>> -> memref<1x64xi32, #tpu.memory_space<vmem>>
          %dma_wait3A_212 = tpu.memref_squeeze %dma_wait3A_211 : memref<1x64xi32, #tpu.memory_space<vmem>> -> memref<64xi32, #tpu.memory_space<vmem>>
          %dma_wait3A_213 = arith.constant 0 : i32
          %dma_wait3A_214 = arith.constant 0 : i32
          %dma_wait3A_215 = tpu.memref_slice %arg12[%dma_wait3A_213, %dma_wait3A_214] : memref<10240x128xf32, #tpu.memory_space<vmem_shared>> -> memref<10240x128xf32, #tpu.memory_space<vmem_shared>>
          tpu.wait_indirect_dma semaphore(%run_scoped3A : memref<!tpu.dma_semaphore, #tpu.memory_space<semaphore_mem>>) src(%arg10 : memref<64x128xf32, #tpu.memory_space<vmem>>) dst(%dma_wait3A_215 : memref<10240x128xf32, #tpu.memory_space<vmem_shared>>)
          tpu.yield
        }) : () -> ()
        %add3A_120 = arith.constant 4 : i32
        %add3A_121 = arith.addi %add3A_113, %add3A_120 : i32
        %dma_start3A_122 = arith.constant 0 : i32
        %dma_start3A_123 = tpu.memref_slice %arg6[%add3A_121, %dma_start3A_122] : memref<40x64xi32, #tpu.memory_space<vmem>> -> memref<1x64xi32, #tpu.memory_space<vmem>>
        %dma_start3A_124 = tpu.memref_squeeze %dma_start3A_123 : memref<1x64xi32, #tpu.memory_space<vmem>> -> memref<64xi32, #tpu.memory_space<vmem>>
        %dma_start3A_125 = arith.constant 0 : i32
        %dma_start3A_126 = arith.constant 0 : i32
        %dma_start3A_127 = tpu.memref_slice %arg2[%dma_start3A_125, %dma_start3A_126] : memref<10240x128xf32, #tpu.memory_space<hbm>> -> memref<10240x128xf32, #tpu.memory_space<hbm>>
        tpu.enqueue_indirect_dma source(%dma_start3A_127 : memref<10240x128xf32, #tpu.memory_space<hbm>>) target(%arg10 : memref<64x128xf32, #tpu.memory_space<vmem>>) offsets(%dma_start3A_124 : memref<64xi32, #tpu.memory_space<vmem>>) semaphore(%arg15 : memref<!tpu.dma_semaphore, #tpu.memory_space<semaphore_mem>>)
        %mul3A_128 = arith.constant 8 : i32
        %mul3A_129 = arith.muli %scan3A_73, %mul3A_128 : i32
        %add3A_130 = arith.constant 3 : i32
        %add3A_131 = arith.addi %mul3A_129, %add3A_130 : i32
        %dma_wait3A_132 = arith.constant 0 : i32
        %dma_wait3A_133 = tpu.memref_slice %arg6[%add3A_131, %dma_wait3A_132] : memref<40x64xi32, #tpu.memory_space<vmem>> -> memref<1x64xi32, #tpu.memory_space<vmem>>
        %dma_wait3A_134 = tpu.memref_squeeze %dma_wait3A_133 : memref<1x64xi32, #tpu.memory_space<vmem>> -> memref<64xi32, #tpu.memory_space<vmem>>
        %dma_wait3A_135 = arith.constant 0 : i32
        %dma_wait3A_136 = arith.constant 0 : i32
        %dma_wait3A_137 = tpu.memref_slice %arg2[%dma_wait3A_135, %dma_wait3A_136] : memref<10240x128xf32, #tpu.memory_space<hbm>> -> memref<10240x128xf32, #tpu.memory_space<hbm>>
        tpu.wait_indirect_dma semaphore(%arg16 : memref<!tpu.dma_semaphore, #tpu.memory_space<semaphore_mem>>) src(%dma_wait3A_137 : memref<10240x128xf32, #tpu.memory_space<hbm>>) dst(%arg11 : memref<64x128xf32, #tpu.memory_space<vmem>>)
        "tpu.region"() ({
          %run_scoped3A = tpu.sem_alloc : memref<!tpu.dma_semaphore, #tpu.memory_space<semaphore_mem>>
          %dma_start3A_204 = arith.constant 0 : i32
          %dma_start3A_205 = tpu.memref_slice %arg7[%add3A_131, %dma_start3A_204] : memref<40x64xi32, #tpu.memory_space<vmem>> -> memref<1x64xi32, #tpu.memory_space<vmem>>
          %dma_start3A_206 = tpu.memref_squeeze %dma_start3A_205 : memref<1x64xi32, #tpu.memory_space<vmem>> -> memref<64xi32, #tpu.memory_space<vmem>>
          %dma_start3A_207 = arith.constant 0 : i32
          %dma_start3A_208 = arith.constant 0 : i32
          %dma_start3A_209 = tpu.memref_slice %arg12[%dma_start3A_207, %dma_start3A_208] : memref<10240x128xf32, #tpu.memory_space<vmem_shared>> -> memref<10240x128xf32, #tpu.memory_space<vmem_shared>>
          tpu.enqueue_indirect_dma source(%arg11 : memref<64x128xf32, #tpu.memory_space<vmem>>) target(%dma_start3A_209 : memref<10240x128xf32, #tpu.memory_space<vmem_shared>>) offsets(%dma_start3A_206 : memref<64xi32, #tpu.memory_space<vmem>>) semaphore(%run_scoped3A : memref<!tpu.dma_semaphore, #tpu.memory_space<semaphore_mem>>) {add = true}
          %dma_wait3A_210 = arith.constant 0 : i32
          %dma_wait3A_211 = tpu.memref_slice %arg7[%add3A_131, %dma_wait3A_210] : memref<40x64xi32, #tpu.memory_space<vmem>> -> memref<1x64xi32, #tpu.memory_space<vmem>>
          %dma_wait3A_212 = tpu.memref_squeeze %dma_wait3A_211 : memref<1x64xi32, #tpu.memory_space<vmem>> -> memref<64xi32, #tpu.memory_space<vmem>>
          %dma_wait3A_213 = arith.constant 0 : i32
          %dma_wait3A_214 = arith.constant 0 : i32
          %dma_wait3A_215 = tpu.memref_slice %arg12[%dma_wait3A_213, %dma_wait3A_214] : memref<10240x128xf32, #tpu.memory_space<vmem_shared>> -> memref<10240x128xf32, #tpu.memory_space<vmem_shared>>
          tpu.wait_indirect_dma semaphore(%run_scoped3A : memref<!tpu.dma_semaphore, #tpu.memory_space<semaphore_mem>>) src(%arg11 : memref<64x128xf32, #tpu.memory_space<vmem>>) dst(%dma_wait3A_215 : memref<10240x128xf32, #tpu.memory_space<vmem_shared>>)
          tpu.yield
        }) : () -> ()
        %add3A_138 = arith.constant 4 : i32
        %add3A_139 = arith.addi %add3A_131, %add3A_138 : i32
        %dma_start3A_140 = arith.constant 0 : i32
        %dma_start3A_141 = tpu.memref_slice %arg6[%add3A_139, %dma_start3A_140] : memref<40x64xi32, #tpu.memory_space<vmem>> -> memref<1x64xi32, #tpu.memory_space<vmem>>
        %dma_start3A_142 = tpu.memref_squeeze %dma_start3A_141 : memref<1x64xi32, #tpu.memory_space<vmem>> -> memref<64xi32, #tpu.memory_space<vmem>>
        %dma_start3A_143 = arith.constant 0 : i32
        %dma_start3A_144 = arith.constant 0 : i32
        %dma_start3A_145 = tpu.memref_slice %arg2[%dma_start3A_143, %dma_start3A_144] : memref<10240x128xf32, #tpu.memory_space<hbm>> -> memref<10240x128xf32, #tpu.memory_space<hbm>>
        tpu.enqueue_indirect_dma source(%dma_start3A_145 : memref<10240x128xf32, #tpu.memory_space<hbm>>) target(%arg11 : memref<64x128xf32, #tpu.memory_space<vmem>>) offsets(%dma_start3A_142 : memref<64xi32, #tpu.memory_space<vmem>>) semaphore(%arg16 : memref<!tpu.dma_semaphore, #tpu.memory_space<semaphore_mem>>)
        %mul3A_146 = arith.constant 8 : i32
        %mul3A_147 = arith.muli %scan3A_73, %mul3A_146 : i32
        %add3A_148 = arith.constant 4 : i32
        %add3A_149 = arith.addi %mul3A_147, %add3A_148 : i32
        %dma_wait3A_150 = arith.constant 0 : i32
        %dma_wait3A_151 = tpu.memref_slice %arg6[%add3A_149, %dma_wait3A_150] : memref<40x64xi32, #tpu.memory_space<vmem>> -> memref<1x64xi32, #tpu.memory_space<vmem>>
        %dma_wait3A_152 = tpu.memref_squeeze %dma_wait3A_151 : memref<1x64xi32, #tpu.memory_space<vmem>> -> memref<64xi32, #tpu.memory_space<vmem>>
        %dma_wait3A_153 = arith.constant 0 : i32
        %dma_wait3A_154 = arith.constant 0 : i32
        %dma_wait3A_155 = tpu.memref_slice %arg2[%dma_wait3A_153, %dma_wait3A_154] : memref<10240x128xf32, #tpu.memory_space<hbm>> -> memref<10240x128xf32, #tpu.memory_space<hbm>>
        tpu.wait_indirect_dma semaphore(%arg13 : memref<!tpu.dma_semaphore, #tpu.memory_space<semaphore_mem>>) src(%dma_wait3A_155 : memref<10240x128xf32, #tpu.memory_space<hbm>>) dst(%arg8 : memref<64x128xf32, #tpu.memory_space<vmem>>)
        "tpu.region"() ({
          %run_scoped3A = tpu.sem_alloc : memref<!tpu.dma_semaphore, #tpu.memory_space<semaphore_mem>>
          %dma_start3A_204 = arith.constant 0 : i32
          %dma_start3A_205 = tpu.memref_slice %arg7[%add3A_149, %dma_start3A_204] : memref<40x64xi32, #tpu.memory_space<vmem>> -> memref<1x64xi32, #tpu.memory_space<vmem>>
          %dma_start3A_206 = tpu.memref_squeeze %dma_start3A_205 : memref<1x64xi32, #tpu.memory_space<vmem>> -> memref<64xi32, #tpu.memory_space<vmem>>
          %dma_start3A_207 = arith.constant 0 : i32
          %dma_start3A_208 = arith.constant 0 : i32
          %dma_start3A_209 = tpu.memref_slice %arg12[%dma_start3A_207, %dma_start3A_208] : memref<10240x128xf32, #tpu.memory_space<vmem_shared>> -> memref<10240x128xf32, #tpu.memory_space<vmem_shared>>
          tpu.enqueue_indirect_dma source(%arg8 : memref<64x128xf32, #tpu.memory_space<vmem>>) target(%dma_start3A_209 : memref<10240x128xf32, #tpu.memory_space<vmem_shared>>) offsets(%dma_start3A_206 : memref<64xi32, #tpu.memory_space<vmem>>) semaphore(%run_scoped3A : memref<!tpu.dma_semaphore, #tpu.memory_space<semaphore_mem>>) {add = true}
          %dma_wait3A_210 = arith.constant 0 : i32
          %dma_wait3A_211 = tpu.memref_slice %arg7[%add3A_149, %dma_wait3A_210] : memref<40x64xi32, #tpu.memory_space<vmem>> -> memref<1x64xi32, #tpu.memory_space<vmem>>
          %dma_wait3A_212 = tpu.memref_squeeze %dma_wait3A_211 : memref<1x64xi32, #tpu.memory_space<vmem>> -> memref<64xi32, #tpu.memory_space<vmem>>
          %dma_wait3A_213 = arith.constant 0 : i32
          %dma_wait3A_214 = arith.constant 0 : i32
          %dma_wait3A_215 = tpu.memref_slice %arg12[%dma_wait3A_213, %dma_wait3A_214] : memref<10240x128xf32, #tpu.memory_space<vmem_shared>> -> memref<10240x128xf32, #tpu.memory_space<vmem_shared>>
          tpu.wait_indirect_dma semaphore(%run_scoped3A : memref<!tpu.dma_semaphore, #tpu.memory_space<semaphore_mem>>) src(%arg8 : memref<64x128xf32, #tpu.memory_space<vmem>>) dst(%dma_wait3A_215 : memref<10240x128xf32, #tpu.memory_space<vmem_shared>>)
          tpu.yield
        }) : () -> ()
        %lt3A = arith.constant 4 : i32
        %lt3A_156 = arith.cmpi slt, %scan3A_73, %lt3A : i32
        %convert_element_type3A = arith.extui %lt3A_156 : i1 to i32
        %cond3A = arith.constant 0 : i32
        %cond3A_157 = arith.cmpi ne, %convert_element_type3A, %cond3A : i32
        scf.if %cond3A_157 {
          %add3A_204 = arith.constant 4 : i32
          %add3A_205 = arith.addi %add3A_149, %add3A_204 : i32
          %dma_start3A_206 = arith.constant 0 : i32
          %dma_start3A_207 = tpu.memref_slice %arg6[%add3A_205, %dma_start3A_206] : memref<40x64xi32, #tpu.memory_space<vmem>> -> memref<1x64xi32, #tpu.memory_space<vmem>>
          %dma_start3A_208 = tpu.memref_squeeze %dma_start3A_207 : memref<1x64xi32, #tpu.memory_space<vmem>> -> memref<64xi32, #tpu.memory_space<vmem>>
          %dma_start3A_209 = arith.constant 0 : i32
          %dma_start3A_210 = arith.constant 0 : i32
          %dma_start3A_211 = tpu.memref_slice %arg2[%dma_start3A_209, %dma_start3A_210] : memref<10240x128xf32, #tpu.memory_space<hbm>> -> memref<10240x128xf32, #tpu.memory_space<hbm>>
          tpu.enqueue_indirect_dma source(%dma_start3A_211 : memref<10240x128xf32, #tpu.memory_space<hbm>>) target(%arg8 : memref<64x128xf32, #tpu.memory_space<vmem>>) offsets(%dma_start3A_208 : memref<64xi32, #tpu.memory_space<vmem>>) semaphore(%arg13 : memref<!tpu.dma_semaphore, #tpu.memory_space<semaphore_mem>>)
        } else {
        }
        %mul3A_158 = arith.constant 8 : i32
        %mul3A_159 = arith.muli %scan3A_73, %mul3A_158 : i32
        %add3A_160 = arith.constant 5 : i32
        %add3A_161 = arith.addi %mul3A_159, %add3A_160 : i32
        %dma_wait3A_162 = arith.constant 0 : i32
        %dma_wait3A_163 = tpu.memref_slice %arg6[%add3A_161, %dma_wait3A_162] : memref<40x64xi32, #tpu.memory_space<vmem>> -> memref<1x64xi32, #tpu.memory_space<vmem>>
        %dma_wait3A_164 = tpu.memref_squeeze %dma_wait3A_163 : memref<1x64xi32, #tpu.memory_space<vmem>> -> memref<64xi32, #tpu.memory_space<vmem>>
        %dma_wait3A_165 = arith.constant 0 : i32
        %dma_wait3A_166 = arith.constant 0 : i32
        %dma_wait3A_167 = tpu.memref_slice %arg2[%dma_wait3A_165, %dma_wait3A_166] : memref<10240x128xf32, #tpu.memory_space<hbm>> -> memref<10240x128xf32, #tpu.memory_space<hbm>>
        tpu.wait_indirect_dma semaphore(%arg14 : memref<!tpu.dma_semaphore, #tpu.memory_space<semaphore_mem>>) src(%dma_wait3A_167 : memref<10240x128xf32, #tpu.memory_space<hbm>>) dst(%arg9 : memref<64x128xf32, #tpu.memory_space<vmem>>)
        "tpu.region"() ({
          %run_scoped3A = tpu.sem_alloc : memref<!tpu.dma_semaphore, #tpu.memory_space<semaphore_mem>>
          %dma_start3A_204 = arith.constant 0 : i32
          %dma_start3A_205 = tpu.memref_slice %arg7[%add3A_161, %dma_start3A_204] : memref<40x64xi32, #tpu.memory_space<vmem>> -> memref<1x64xi32, #tpu.memory_space<vmem>>
          %dma_start3A_206 = tpu.memref_squeeze %dma_start3A_205 : memref<1x64xi32, #tpu.memory_space<vmem>> -> memref<64xi32, #tpu.memory_space<vmem>>
          %dma_start3A_207 = arith.constant 0 : i32
          %dma_start3A_208 = arith.constant 0 : i32
          %dma_start3A_209 = tpu.memref_slice %arg12[%dma_start3A_207, %dma_start3A_208] : memref<10240x128xf32, #tpu.memory_space<vmem_shared>> -> memref<10240x128xf32, #tpu.memory_space<vmem_shared>>
          tpu.enqueue_indirect_dma source(%arg9 : memref<64x128xf32, #tpu.memory_space<vmem>>) target(%dma_start3A_209 : memref<10240x128xf32, #tpu.memory_space<vmem_shared>>) offsets(%dma_start3A_206 : memref<64xi32, #tpu.memory_space<vmem>>) semaphore(%run_scoped3A : memref<!tpu.dma_semaphore, #tpu.memory_space<semaphore_mem>>) {add = true}
          %dma_wait3A_210 = arith.constant 0 : i32
          %dma_wait3A_211 = tpu.memref_slice %arg7[%add3A_161, %dma_wait3A_210] : memref<40x64xi32, #tpu.memory_space<vmem>> -> memref<1x64xi32, #tpu.memory_space<vmem>>
          %dma_wait3A_212 = tpu.memref_squeeze %dma_wait3A_211 : memref<1x64xi32, #tpu.memory_space<vmem>> -> memref<64xi32, #tpu.memory_space<vmem>>
          %dma_wait3A_213 = arith.constant 0 : i32
          %dma_wait3A_214 = arith.constant 0 : i32
          %dma_wait3A_215 = tpu.memref_slice %arg12[%dma_wait3A_213, %dma_wait3A_214] : memref<10240x128xf32, #tpu.memory_space<vmem_shared>> -> memref<10240x128xf32, #tpu.memory_space<vmem_shared>>
          tpu.wait_indirect_dma semaphore(%run_scoped3A : memref<!tpu.dma_semaphore, #tpu.memory_space<semaphore_mem>>) src(%arg9 : memref<64x128xf32, #tpu.memory_space<vmem>>) dst(%dma_wait3A_215 : memref<10240x128xf32, #tpu.memory_space<vmem_shared>>)
          tpu.yield
        }) : () -> ()
        %lt3A_168 = arith.constant 4 : i32
        %lt3A_169 = arith.cmpi slt, %scan3A_73, %lt3A_168 : i32
        %convert_element_type3A_170 = arith.extui %lt3A_169 : i1 to i32
        %cond3A_171 = arith.constant 0 : i32
        %cond3A_172 = arith.cmpi ne, %convert_element_type3A_170, %cond3A_171 : i32
        scf.if %cond3A_172 {
          %add3A_204 = arith.constant 4 : i32
          %add3A_205 = arith.addi %add3A_161, %add3A_204 : i32
          %dma_start3A_206 = arith.constant 0 : i32
          %dma_start3A_207 = tpu.memref_slice %arg6[%add3A_205, %dma_start3A_206] : memref<40x64xi32, #tpu.memory_space<vmem>> -> memref<1x64xi32, #tpu.memory_space<vmem>>
          %dma_start3A_208 = tpu.memref_squeeze %dma_start3A_207 : memref<1x64xi32, #tpu.memory_space<vmem>> -> memref<64xi32, #tpu.memory_space<vmem>>
          %dma_start3A_209 = arith.constant 0 : i32
          %dma_start3A_210 = arith.constant 0 : i32
          %dma_start3A_211 = tpu.memref_slice %arg2[%dma_start3A_209, %dma_start3A_210] : memref<10240x128xf32, #tpu.memory_space<hbm>> -> memref<10240x128xf32, #tpu.memory_space<hbm>>
          tpu.enqueue_indirect_dma source(%dma_start3A_211 : memref<10240x128xf32, #tpu.memory_space<hbm>>) target(%arg9 : memref<64x128xf32, #tpu.memory_space<vmem>>) offsets(%dma_start3A_208 : memref<64xi32, #tpu.memory_space<vmem>>) semaphore(%arg14 : memref<!tpu.dma_semaphore, #tpu.memory_space<semaphore_mem>>)
        } else {
        }
        %mul3A_173 = arith.constant 8 : i32
        %mul3A_174 = arith.muli %scan3A_73, %mul3A_173 : i32
        %add3A_175 = arith.constant 6 : i32
        %add3A_176 = arith.addi %mul3A_174, %add3A_175 : i32
        %dma_wait3A_177 = arith.constant 0 : i32
        %dma_wait3A_178 = tpu.memref_slice %arg6[%add3A_176, %dma_wait3A_177] : memref<40x64xi32, #tpu.memory_space<vmem>> -> memref<1x64xi32, #tpu.memory_space<vmem>>
        %dma_wait3A_179 = tpu.memref_squeeze %dma_wait3A_178 : memref<1x64xi32, #tpu.memory_space<vmem>> -> memref<64xi32, #tpu.memory_space<vmem>>
        %dma_wait3A_180 = arith.constant 0 : i32
        %dma_wait3A_181 = arith.constant 0 : i32
        %dma_wait3A_182 = tpu.memref_slice %arg2[%dma_wait3A_180, %dma_wait3A_181] : memref<10240x128xf32, #tpu.memory_space<hbm>> -> memref<10240x128xf32, #tpu.memory_space<hbm>>
        tpu.wait_indirect_dma semaphore(%arg15 : memref<!tpu.dma_semaphore, #tpu.memory_space<semaphore_mem>>) src(%dma_wait3A_182 : memref<10240x128xf32, #tpu.memory_space<hbm>>) dst(%arg10 : memref<64x128xf32, #tpu.memory_space<vmem>>)
        "tpu.region"() ({
          %run_scoped3A = tpu.sem_alloc : memref<!tpu.dma_semaphore, #tpu.memory_space<semaphore_mem>>
          %dma_start3A_204 = arith.constant 0 : i32
          %dma_start3A_205 = tpu.memref_slice %arg7[%add3A_176, %dma_start3A_204] : memref<40x64xi32, #tpu.memory_space<vmem>> -> memref<1x64xi32, #tpu.memory_space<vmem>>
          %dma_start3A_206 = tpu.memref_squeeze %dma_start3A_205 : memref<1x64xi32, #tpu.memory_space<vmem>> -> memref<64xi32, #tpu.memory_space<vmem>>
          %dma_start3A_207 = arith.constant 0 : i32
          %dma_start3A_208 = arith.constant 0 : i32
          %dma_start3A_209 = tpu.memref_slice %arg12[%dma_start3A_207, %dma_start3A_208] : memref<10240x128xf32, #tpu.memory_space<vmem_shared>> -> memref<10240x128xf32, #tpu.memory_space<vmem_shared>>
          tpu.enqueue_indirect_dma source(%arg10 : memref<64x128xf32, #tpu.memory_space<vmem>>) target(%dma_start3A_209 : memref<10240x128xf32, #tpu.memory_space<vmem_shared>>) offsets(%dma_start3A_206 : memref<64xi32, #tpu.memory_space<vmem>>) semaphore(%run_scoped3A : memref<!tpu.dma_semaphore, #tpu.memory_space<semaphore_mem>>) {add = true}
          %dma_wait3A_210 = arith.constant 0 : i32
          %dma_wait3A_211 = tpu.memref_slice %arg7[%add3A_176, %dma_wait3A_210] : memref<40x64xi32, #tpu.memory_space<vmem>> -> memref<1x64xi32, #tpu.memory_space<vmem>>
          %dma_wait3A_212 = tpu.memref_squeeze %dma_wait3A_211 : memref<1x64xi32, #tpu.memory_space<vmem>> -> memref<64xi32, #tpu.memory_space<vmem>>
          %dma_wait3A_213 = arith.constant 0 : i32
          %dma_wait3A_214 = arith.constant 0 : i32
          %dma_wait3A_215 = tpu.memref_slice %arg12[%dma_wait3A_213, %dma_wait3A_214] : memref<10240x128xf32, #tpu.memory_space<vmem_shared>> -> memref<10240x128xf32, #tpu.memory_space<vmem_shared>>
          tpu.wait_indirect_dma semaphore(%run_scoped3A : memref<!tpu.dma_semaphore, #tpu.memory_space<semaphore_mem>>) src(%arg10 : memref<64x128xf32, #tpu.memory_space<vmem>>) dst(%dma_wait3A_215 : memref<10240x128xf32, #tpu.memory_space<vmem_shared>>)
          tpu.yield
        }) : () -> ()
        %lt3A_183 = arith.constant 4 : i32
        %lt3A_184 = arith.cmpi slt, %scan3A_73, %lt3A_183 : i32
        %convert_element_type3A_185 = arith.extui %lt3A_184 : i1 to i32
        %cond3A_186 = arith.constant 0 : i32
        %cond3A_187 = arith.cmpi ne, %convert_element_type3A_185, %cond3A_186 : i32
        scf.if %cond3A_187 {
          %add3A_204 = arith.constant 4 : i32
          %add3A_205 = arith.addi %add3A_176, %add3A_204 : i32
          %dma_start3A_206 = arith.constant 0 : i32
          %dma_start3A_207 = tpu.memref_slice %arg6[%add3A_205, %dma_start3A_206] : memref<40x64xi32, #tpu.memory_space<vmem>> -> memref<1x64xi32, #tpu.memory_space<vmem>>
          %dma_start3A_208 = tpu.memref_squeeze %dma_start3A_207 : memref<1x64xi32, #tpu.memory_space<vmem>> -> memref<64xi32, #tpu.memory_space<vmem>>
          %dma_start3A_209 = arith.constant 0 : i32
          %dma_start3A_210 = arith.constant 0 : i32
          %dma_start3A_211 = tpu.memref_slice %arg2[%dma_start3A_209, %dma_start3A_210] : memref<10240x128xf32, #tpu.memory_space<hbm>> -> memref<10240x128xf32, #tpu.memory_space<hbm>>
          tpu.enqueue_indirect_dma source(%dma_start3A_211 : memref<10240x128xf32, #tpu.memory_space<hbm>>) target(%arg10 : memref<64x128xf32, #tpu.memory_space<vmem>>) offsets(%dma_start3A_208 : memref<64xi32, #tpu.memory_space<vmem>>) semaphore(%arg15 : memref<!tpu.dma_semaphore, #tpu.memory_space<semaphore_mem>>)
        } else {
        }
        %mul3A_188 = arith.constant 8 : i32
        %mul3A_189 = arith.muli %scan3A_73, %mul3A_188 : i32
        %add3A_190 = arith.constant 7 : i32
        %add3A_191 = arith.addi %mul3A_189, %add3A_190 : i32
        %dma_wait3A_192 = arith.constant 0 : i32
        %dma_wait3A_193 = tpu.memref_slice %arg6[%add3A_191, %dma_wait3A_192] : memref<40x64xi32, #tpu.memory_space<vmem>> -> memref<1x64xi32, #tpu.memory_space<vmem>>
        %dma_wait3A_194 = tpu.memref_squeeze %dma_wait3A_193 : memref<1x64xi32, #tpu.memory_space<vmem>> -> memref<64xi32, #tpu.memory_space<vmem>>
        %dma_wait3A_195 = arith.constant 0 : i32
        %dma_wait3A_196 = arith.constant 0 : i32
        %dma_wait3A_197 = tpu.memref_slice %arg2[%dma_wait3A_195, %dma_wait3A_196] : memref<10240x128xf32, #tpu.memory_space<hbm>> -> memref<10240x128xf32, #tpu.memory_space<hbm>>
        tpu.wait_indirect_dma semaphore(%arg16 : memref<!tpu.dma_semaphore, #tpu.memory_space<semaphore_mem>>) src(%dma_wait3A_197 : memref<10240x128xf32, #tpu.memory_space<hbm>>) dst(%arg11 : memref<64x128xf32, #tpu.memory_space<vmem>>)
        "tpu.region"() ({
          %run_scoped3A = tpu.sem_alloc : memref<!tpu.dma_semaphore, #tpu.memory_space<semaphore_mem>>
          %dma_start3A_204 = arith.constant 0 : i32
          %dma_start3A_205 = tpu.memref_slice %arg7[%add3A_191, %dma_start3A_204] : memref<40x64xi32, #tpu.memory_space<vmem>> -> memref<1x64xi32, #tpu.memory_space<vmem>>
          %dma_start3A_206 = tpu.memref_squeeze %dma_start3A_205 : memref<1x64xi32, #tpu.memory_space<vmem>> -> memref<64xi32, #tpu.memory_space<vmem>>
          %dma_start3A_207 = arith.constant 0 : i32
          %dma_start3A_208 = arith.constant 0 : i32
          %dma_start3A_209 = tpu.memref_slice %arg12[%dma_start3A_207, %dma_start3A_208] : memref<10240x128xf32, #tpu.memory_space<vmem_shared>> -> memref<10240x128xf32, #tpu.memory_space<vmem_shared>>
          tpu.enqueue_indirect_dma source(%arg11 : memref<64x128xf32, #tpu.memory_space<vmem>>) target(%dma_start3A_209 : memref<10240x128xf32, #tpu.memory_space<vmem_shared>>) offsets(%dma_start3A_206 : memref<64xi32, #tpu.memory_space<vmem>>) semaphore(%run_scoped3A : memref<!tpu.dma_semaphore, #tpu.memory_space<semaphore_mem>>) {add = true}
          %dma_wait3A_210 = arith.constant 0 : i32
          %dma_wait3A_211 = tpu.memref_slice %arg7[%add3A_191, %dma_wait3A_210] : memref<40x64xi32, #tpu.memory_space<vmem>> -> memref<1x64xi32, #tpu.memory_space<vmem>>
          %dma_wait3A_212 = tpu.memref_squeeze %dma_wait3A_211 : memref<1x64xi32, #tpu.memory_space<vmem>> -> memref<64xi32, #tpu.memory_space<vmem>>
          %dma_wait3A_213 = arith.constant 0 : i32
          %dma_wait3A_214 = arith.constant 0 : i32
          %dma_wait3A_215 = tpu.memref_slice %arg12[%dma_wait3A_213, %dma_wait3A_214] : memref<10240x128xf32, #tpu.memory_space<vmem_shared>> -> memref<10240x128xf32, #tpu.memory_space<vmem_shared>>
          tpu.wait_indirect_dma semaphore(%run_scoped3A : memref<!tpu.dma_semaphore, #tpu.memory_space<semaphore_mem>>) src(%arg11 : memref<64x128xf32, #tpu.memory_space<vmem>>) dst(%dma_wait3A_215 : memref<10240x128xf32, #tpu.memory_space<vmem_shared>>)
          tpu.yield
        }) : () -> ()
        %lt3A_198 = arith.constant 4 : i32
        %lt3A_199 = arith.cmpi slt, %scan3A_73, %lt3A_198 : i32
        %convert_element_type3A_200 = arith.extui %lt3A_199 : i1 to i32
        %cond3A_201 = arith.constant 0 : i32
        %cond3A_202 = arith.cmpi ne, %convert_element_type3A_200, %cond3A_201 : i32
        scf.if %cond3A_202 {
          %add3A_204 = arith.constant 4 : i32
          %add3A_205 = arith.addi %add3A_191, %add3A_204 : i32
          %dma_start3A_206 = arith.constant 0 : i32
          %dma_start3A_207 = tpu.memref_slice %arg6[%add3A_205, %dma_start3A_206] : memref<40x64xi32, #tpu.memory_space<vmem>> -> memref<1x64xi32, #tpu.memory_space<vmem>>
          %dma_start3A_208 = tpu.memref_squeeze %dma_start3A_207 : memref<1x64xi32, #tpu.memory_space<vmem>> -> memref<64xi32, #tpu.memory_space<vmem>>
          %dma_start3A_209 = arith.constant 0 : i32
          %dma_start3A_210 = arith.constant 0 : i32
          %dma_start3A_211 = tpu.memref_slice %arg2[%dma_start3A_209, %dma_start3A_210] : memref<10240x128xf32, #tpu.memory_space<hbm>> -> memref<10240x128xf32, #tpu.memory_space<hbm>>
          tpu.enqueue_indirect_dma source(%dma_start3A_211 : memref<10240x128xf32, #tpu.memory_space<hbm>>) target(%arg11 : memref<64x128xf32, #tpu.memory_space<vmem>>) offsets(%dma_start3A_208 : memref<64xi32, #tpu.memory_space<vmem>>) semaphore(%arg16 : memref<!tpu.dma_semaphore, #tpu.memory_space<semaphore_mem>>)
        } else {
        }
        %scan3A_203 = arith.constant 0 : i32
        scf.yield %scan3A_203 : i32
      }
      %scan3A_71 = arith.constant 5 : i32
      %scan3A_72 = arith.constant 0 : i32
      scf.yield %scan3A_72 : i32
    }
    %scan3A_22 = arith.constant 4 : i32
    %barrier3A_23 = arith.constant 0 : index
    tpu.barrier barrier_id(%barrier3A_23)
    %scan3A_24 = arith.constant 0 : i32
    %scan3A_25 = arith.constant 0 : i32
    %scan3A_26 = arith.constant 10 : i32
    %scan3A_27 = arith.addi %scan3A_25, %scan3A_26 : i32
    %scan3A_28 = arith.constant 1 : i32
    %scan3A_29 = scf.for %scan3A_31 = %scan3A_25 to %scan3A_27 step %scan3A_28 iter_args(%scan3A_32 = %scan3A_24) -> (i32)  : i32 {
      %mul3A_33 = arith.constant 64 : i32
      %mul3A_34 = arith.muli %scan3A_31, %mul3A_33 : i32
      %add3A_35 = arith.addi %mul3A_2, %mul3A_34 : i32
      "tpu.region"() ({
        %run_scoped3A = tpu.sem_alloc : memref<!tpu.dma_semaphore, #tpu.memory_space<semaphore_mem>>
        %dma_start3A = arith.constant 0 : i32
        %dma_start3A_37 = tpu.memref_slice %arg12[%add3A_35, %dma_start3A] : memref<10240x128xf32, #tpu.memory_space<vmem_shared>> -> memref<64x128xf32, #tpu.memory_space<vmem_shared>>
        %dma_start3A_38 = arith.constant 0 : i32
        %dma_start3A_39 = tpu.memref_slice %arg12[%add3A_35, %dma_start3A_38] : memref<10240x128xf32, #tpu.memory_space<vmem_shared>> -> memref<64x128xf32, #tpu.memory_space<vmem_shared>>
        tpu.enqueue_dma source(%dma_start3A_39 : memref<64x128xf32, #tpu.memory_space<vmem_shared>>) target(%arg8 : memref<64x128xf32, #tpu.memory_space<vmem>>) target_semaphore(%run_scoped3A : memref<!tpu.dma_semaphore, #tpu.memory_space<semaphore_mem>>)
        %dma_wait3A = arith.constant 0 : i32
        %dma_wait3A_40 = tpu.memref_slice %arg12[%add3A_35, %dma_wait3A] : memref<10240x128xf32, #tpu.memory_space<vmem_shared>> -> memref<64x128xf32, #tpu.memory_space<vmem_shared>>
        %dma_wait3A_41 = arith.constant 0 : i32
        %dma_wait3A_42 = tpu.memref_slice %arg12[%add3A_35, %dma_wait3A_41] : memref<10240x128xf32, #tpu.memory_space<vmem_shared>> -> memref<64x128xf32, #tpu.memory_space<vmem_shared>>
        tpu.wait_dma2 semaphore(%run_scoped3A : memref<!tpu.dma_semaphore, #tpu.memory_space<semaphore_mem>>) src(%dma_wait3A_42 : memref<64x128xf32, #tpu.memory_space<vmem_shared>>) dst(%arg8 : memref<64x128xf32, #tpu.memory_space<vmem>>)
        tpu.yield
      }) : () -> ()
      "tpu.region"() ({
        %run_scoped3A = tpu.sem_alloc : memref<!tpu.dma_semaphore, #tpu.memory_space<semaphore_mem>>
        %dma_start3A = arith.constant 0 : i32
        %dma_start3A_37 = tpu.memref_slice %arg5[%arg0, %add3A_35, %dma_start3A] : memref<2x10240x128xf32, #tpu.memory_space<hbm>> -> memref<1x64x128xf32, #tpu.memory_space<hbm>>
        %dma_start3A_38 = tpu.memref_squeeze %dma_start3A_37 : memref<1x64x128xf32, #tpu.memory_space<hbm>> -> memref<64x128xf32, #tpu.memory_space<hbm>>
        %dma_start3A_39 = arith.constant 0 : i32
        %dma_start3A_40 = tpu.memref_slice %arg5[%arg0, %add3A_35, %dma_start3A_39] : memref<2x10240x128xf32, #tpu.memory_space<hbm>> -> memref<1x64x128xf32, #tpu.memory_space<hbm>>
        %dma_start3A_41 = tpu.memref_squeeze %dma_start3A_40 : memref<1x64x128xf32, #tpu.memory_space<hbm>> -> memref<64x128xf32, #tpu.memory_space<hbm>>
        tpu.enqueue_dma source(%arg8 : memref<64x128xf32, #tpu.memory_space<vmem>>) target(%dma_start3A_41 : memref<64x128xf32, #tpu.memory_space<hbm>>) target_semaphore(%run_scoped3A : memref<!tpu.dma_semaphore, #tpu.memory_space<semaphore_mem>>)
        %dma_wait3A = arith.constant 0 : i32
        %dma_wait3A_42 = tpu.memref_slice %arg5[%arg0, %add3A_35, %dma_wait3A] : memref<2x10240x128xf32, #tpu.memory_space<hbm>> -> memref<1x64x128xf32, #tpu.memory_space<hbm>>
        %dma_wait3A_43 = tpu.memref_squeeze %dma_wait3A_42 : memref<1x64x128xf32, #tpu.memory_space<hbm>> -> memref<64x128xf32, #tpu.memory_space<hbm>>
        %dma_wait3A_44 = arith.constant 0 : i32
        %dma_wait3A_45 = tpu.memref_slice %arg5[%arg0, %add3A_35, %dma_wait3A_44] : memref<2x10240x128xf32, #tpu.memory_space<hbm>> -> memref<1x64x128xf32, #tpu.memory_space<hbm>>
        %dma_wait3A_46 = tpu.memref_squeeze %dma_wait3A_45 : memref<1x64x128xf32, #tpu.memory_space<hbm>> -> memref<64x128xf32, #tpu.memory_space<hbm>>
        tpu.wait_dma2 semaphore(%run_scoped3A : memref<!tpu.dma_semaphore, #tpu.memory_space<semaphore_mem>>) src(%arg8 : memref<64x128xf32, #tpu.memory_space<vmem>>) dst(%dma_wait3A_46 : memref<64x128xf32, #tpu.memory_space<hbm>>)
        tpu.yield
      }) : () -> ()
      %scan3A_36 = arith.constant 0 : i32
      scf.yield %scan3A_36 : i32
    }
    %scan3A_30 = arith.constant 10 : i32
    return
  }
}

module attributes {stable_mosaic.version = 14 : i64} {
  func.func @_scale0_body(%arg0: i32, %arg1: memref<2560x128xf32, #tpu.memory_space<vmem>>, %arg2: memref<32x2560xf32, #tpu.memory_space<vmem>>, %arg3: memref<2560x128xf32, #tpu.memory_space<vmem>>) attributes {dimension_semantics = [#tpu.dimension_semantics<arbitrary>], iteration_bounds = array<i64: 4>, scalar_prefetch = 0 : i64, scratch_operands = 0 : i64, tpu.core_type = #tpu.core_type<tc>, window_params = [{transform_indices = @transform_0, window_bounds = array<i64: 2560, 128>}, {transform_indices = @transform_1, window_bounds = array<i64: 32, 2560>}, {transform_indices = @transform_2, window_bounds = array<i64: 2560, 128>}]} {
    %get3A = arith.constant 0 : index
    %get3A_0 = arith.constant 0 : index
    %get3A_1 = vector.load %arg2[%get3A, %get3A_0] : memref<32x2560xf32, #tpu.memory_space<vmem>>, vector<32x2560xf32>
    %reduce_sum3A = arith.constant dense<0.000000e+00> : vector<2560xf32>
    %reduce_sum3A_2 = vector.multi_reduction <add>, %get3A_1, %reduce_sum3A [0] : vector<32x2560xf32> to vector<2560xf32>
    %add3A = arith.constant 1.000000e+00 : f32
    %add3A_3 = vector.broadcast %add3A : f32 to vector<2560xf32>
    %add3A_4 = arith.addf %add3A_3, %reduce_sum3A_2 : vector<2560xf32>
    %rsqrt3A = math.rsqrt %add3A_4 : vector<2560xf32>
    %broadcast_in_dim3A = vector.shape_cast %rsqrt3A : vector<2560xf32> to vector<2560x1xf32>
    %get3A_5 = arith.constant 0 : index
    %get3A_6 = arith.constant 0 : index
    %get3A_7 = vector.load %arg1[%get3A_5, %get3A_6] : memref<2560x128xf32, #tpu.memory_space<vmem>>, vector<2560x128xf32>
    %mul3A = vector.broadcast %broadcast_in_dim3A : vector<2560x1xf32> to vector<2560x128xf32>
    %mul3A_8 = arith.mulf %mul3A, %get3A_7 : vector<2560x128xf32>
    %swap3A = arith.constant 0 : index
    %swap3A_9 = arith.constant 0 : index
    %swap3A_10 = vector.load %arg3[%swap3A, %swap3A_9] : memref<2560x128xf32, #tpu.memory_space<vmem>>, vector<2560x128xf32>
    tpu.vector_store %arg3[%swap3A, %swap3A_9], %mul3A_8 {strides = array<i32>} : memref<2560x128xf32, #tpu.memory_space<vmem>>, vector<2560x128xf32>,
    return
  }
  func.func @transform_0(%arg0: i32) -> (i32, i32) {
    %c0_i32 = arith.constant 0 : i32
    %c0_i32_0 = arith.constant 0 : i32
    return %arg0, %c0_i32 : i32, i32
  }
  func.func @transform_1(%arg0: i32) -> (i32, i32) {
    %c0_i32 = arith.constant 0 : i32
    %c0_i32_0 = arith.constant 0 : i32
    return %c0_i32, %arg0 : i32, i32
  }
  func.func @transform_2(%arg0: i32) -> (i32, i32) {
    %c0_i32 = arith.constant 0 : i32
    %c0_i32_0 = arith.constant 0 : i32
    return %arg0, %c0_i32 : i32, i32
  }
}

module attributes {stable_mosaic.version = 14 : i64} {
  func.func @_reduce_body(%arg0: i32, %arg1: memref<2x2560x128xf32, #tpu.memory_space<vmem>>, %arg2: memref<2560x128xf32, #tpu.memory_space<vmem>>, %arg3: memref<32x2560xf32, #tpu.memory_space<vmem>>, %arg4: memref<2560x128xf32, #tpu.memory_space<vmem>>) attributes {dimension_semantics = [#tpu.dimension_semantics<arbitrary>], iteration_bounds = array<i64: 4>, scalar_prefetch = 0 : i64, scratch_operands = 0 : i64, tpu.core_type = #tpu.core_type<tc>, window_params = [{transform_indices = @transform_0, window_bounds = array<i64: 2, 2560, 128>}, {transform_indices = @transform_1, window_bounds = array<i64: 2560, 128>}, {transform_indices = @transform_2, window_bounds = array<i64: 32, 2560>}, {transform_indices = @transform_3, window_bounds = array<i64: 2560, 128>}]} {
    %get3A = arith.constant 0 : index
    %get3A_0 = arith.constant 0 : index
    %get3A_1 = vector.load %arg3[%get3A, %get3A_0] : memref<32x2560xf32, #tpu.memory_space<vmem>>, vector<32x2560xf32>
    %reduce_sum3A = arith.constant dense<0.000000e+00> : vector<2560xf32>
    %reduce_sum3A_2 = vector.multi_reduction <add>, %get3A_1, %reduce_sum3A [0] : vector<32x2560xf32> to vector<2560xf32>
    %add3A = arith.constant 1.000000e+00 : f32
    %add3A_3 = vector.broadcast %add3A : f32 to vector<2560xf32>
    %add3A_4 = arith.addf %add3A_3, %reduce_sum3A_2 : vector<2560xf32>
    %get3A_5 = arith.constant 0 : index
    %get3A_6 = arith.constant 0 : index
    %get3A_7 = arith.constant 0 : index
    %get3A_8 = vector.load %arg1[%get3A_5, %get3A_6, %get3A_7] : memref<2x2560x128xf32, #tpu.memory_space<vmem>>, vector<1x2560x128xf32>
    %get3A_9 = vector.shape_cast %get3A_8 : vector<1x2560x128xf32> to vector<2560x128xf32>
    %get3A_10 = arith.constant 1 : index
    %get3A_11 = arith.constant 0 : index
    %get3A_12 = arith.constant 0 : index
    %get3A_13 = vector.load %arg1[%get3A_10, %get3A_11, %get3A_12] : memref<2x2560x128xf32, #tpu.memory_space<vmem>>, vector<1x2560x128xf32>
    %get3A_14 = vector.shape_cast %get3A_13 : vector<1x2560x128xf32> to vector<2560x128xf32>
    %add3A_15 = arith.addf %get3A_9, %get3A_14 : vector<2560x128xf32>
    %get3A_16 = arith.constant 0 : index
    %get3A_17 = arith.constant 0 : index
    %get3A_18 = vector.load %arg2[%get3A_16, %get3A_17] : memref<2560x128xf32, #tpu.memory_space<vmem>>, vector<2560x128xf32>
    %add3A_19 = arith.addf %add3A_15, %get3A_18 : vector<2560x128xf32>
    %broadcast_in_dim3A = vector.shape_cast %add3A_4 : vector<2560xf32> to vector<2560x1xf32>
    %div3A = vector.broadcast %broadcast_in_dim3A : vector<2560x1xf32> to vector<2560x128xf32>
    %div3A_20 = arith.divf %add3A_19, %div3A : vector<2560x128xf32>
    %swap3A = arith.constant 0 : index
    %swap3A_21 = arith.constant 0 : index
    %swap3A_22 = vector.load %arg4[%swap3A, %swap3A_21] : memref<2560x128xf32, #tpu.memory_space<vmem>>, vector<2560x128xf32>
    tpu.vector_store %arg4[%swap3A, %swap3A_21], %div3A_20 {strides = array<i32>} : memref<2560x128xf32, #tpu.memory_space<vmem>>, vector<2560x128xf32>,
    return
  }
  func.func @transform_0(%arg0: i32) -> (i32, i32, i32) {
    %c0_i32 = arith.constant 0 : i32
    %c0_i32_0 = arith.constant 0 : i32
    %c0_i32_1 = arith.constant 0 : i32
    return %c0_i32, %arg0, %c0_i32_0 : i32, i32, i32
  }
  func.func @transform_1(%arg0: i32) -> (i32, i32) {
    %c0_i32 = arith.constant 0 : i32
    %c0_i32_0 = arith.constant 0 : i32
    return %arg0, %c0_i32 : i32, i32
  }
  func.func @transform_2(%arg0: i32) -> (i32, i32) {
    %c0_i32 = arith.constant 0 : i32
    %c0_i32_0 = arith.constant 0 : i32
    return %c0_i32, %arg0 : i32, i32
  }
  func.func @transform_3(%arg0: i32) -> (i32, i32) {
    %c0_i32 = arith.constant 0 : i32
    %c0_i32_0 = arith.constant 0 : i32
    return %arg0, %c0_i32 : i32, i32
  }
}

module attributes {stable_mosaic.version = 14 : i64} {
  func.func @_final_body(%arg0: i32, %arg1: memref<2x2560x128xf32, #tpu.memory_space<vmem>>, %arg2: memref<2560x128xf32, #tpu.memory_space<vmem>>, %arg3: memref<32x2560xf32, #tpu.memory_space<vmem>>, %arg4: memref<128x128xf32, #tpu.memory_space<vmem>>, %arg5: memref<128xf32, #tpu.memory_space<vmem>>, %arg6: memref<2560x128xf32, #tpu.memory_space<vmem>>) attributes {dimension_semantics = [#tpu.dimension_semantics<arbitrary>], iteration_bounds = array<i64: 4>, scalar_prefetch = 0 : i64, scratch_operands = 0 : i64, tpu.core_type = #tpu.core_type<tc>, window_params = [{transform_indices = @transform_0, window_bounds = array<i64: 2, 2560, 128>}, {transform_indices = @transform_1, window_bounds = array<i64: 2560, 128>}, {transform_indices = @transform_2, window_bounds = array<i64: 32, 2560>}, {pipeline_mode = #tpu.pipeline_mode<synchronous>, transform_indices = @transform_3, window_bounds = array<i64: 128, 128>}, {pipeline_mode = #tpu.pipeline_mode<synchronous>, transform_indices = @transform_4, window_bounds = array<i64: 128>}, {transform_indices = @transform_5, window_bounds = array<i64: 2560, 128>}]} {
    %get3A = arith.constant 0 : index
    %get3A_0 = arith.constant 0 : index
    %get3A_1 = vector.load %arg3[%get3A, %get3A_0] : memref<32x2560xf32, #tpu.memory_space<vmem>>, vector<32x2560xf32>
    %reduce_sum3A = arith.constant dense<0.000000e+00> : vector<2560xf32>
    %reduce_sum3A_2 = vector.multi_reduction <add>, %get3A_1, %reduce_sum3A [0] : vector<32x2560xf32> to vector<2560xf32>
    %add3A = arith.constant 1.000000e+00 : f32
    %add3A_3 = vector.broadcast %add3A : f32 to vector<2560xf32>
    %add3A_4 = arith.addf %add3A_3, %reduce_sum3A_2 : vector<2560xf32>
    %rsqrt3A = math.rsqrt %add3A_4 : vector<2560xf32>
    %broadcast_in_dim3A = vector.shape_cast %rsqrt3A : vector<2560xf32> to vector<2560x1xf32>
    %get3A_5 = arith.constant 0 : index
    %get3A_6 = arith.constant 0 : index
    %get3A_7 = arith.constant 0 : index
    %get3A_8 = vector.load %arg1[%get3A_5, %get3A_6, %get3A_7] : memref<2x2560x128xf32, #tpu.memory_space<vmem>>, vector<1x2560x128xf32>
    %get3A_9 = vector.shape_cast %get3A_8 : vector<1x2560x128xf32> to vector<2560x128xf32>
    %get3A_10 = arith.constant 1 : index
    %get3A_11 = arith.constant 0 : index
    %get3A_12 = arith.constant 0 : index
    %get3A_13 = vector.load %arg1[%get3A_10, %get3A_11, %get3A_12] : memref<2x2560x128xf32, #tpu.memory_space<vmem>>, vector<1x2560x128xf32>
    %get3A_14 = vector.shape_cast %get3A_13 : vector<1x2560x128xf32> to vector<2560x128xf32>
    %add3A_15 = arith.addf %get3A_9, %get3A_14 : vector<2560x128xf32>
    %get3A_16 = arith.constant 0 : index
    %get3A_17 = arith.constant 0 : index
    %get3A_18 = vector.load %arg2[%get3A_16, %get3A_17] : memref<2560x128xf32, #tpu.memory_space<vmem>>, vector<2560x128xf32>
    %add3A_19 = arith.addf %add3A_15, %get3A_18 : vector<2560x128xf32>
    %mul3A = vector.broadcast %broadcast_in_dim3A : vector<2560x1xf32> to vector<2560x128xf32>
    %mul3A_20 = arith.mulf %mul3A, %add3A_19 : vector<2560x128xf32>
    %get3A_21 = arith.constant 0 : index
    %get3A_22 = arith.constant 0 : index
    %get3A_23 = vector.load %arg4[%get3A_21, %get3A_22] : memref<128x128xf32, #tpu.memory_space<vmem>>, vector<128x128xf32>
    %dot_general3A = arith.constant dense<0.000000e+00> : vector<2560x128xf32>
    %dot_general3A_24 = tpu.matmul %mul3A_20, %get3A_23, %dot_general3A {dimension_numbers = #tpu.dot_dimension_numbers<[1], [1], [0], [0], [0, 0, 1, 0], [], []>, precision = #tpu.contract_precision<fp32>, transpose_lhs_hint = false} : vector<2560x128xf32>, vector<128x128xf32>, vector<2560x128xf32> -> vector<2560x128xf32>
    %get3A_25 = arith.constant 0 : index
    %get3A_26 = vector.load %arg5[%get3A_25] : memref<128xf32, #tpu.memory_space<vmem>>, vector<128xf32>
    %broadcast_in_dim3A_27 = vector.shape_cast %get3A_26 : vector<128xf32> to vector<1x128xf32>
    %add3A_28 = vector.broadcast %broadcast_in_dim3A_27 : vector<1x128xf32> to vector<2560x128xf32>
    %add3A_29 = arith.addf %dot_general3A_24, %add3A_28 : vector<2560x128xf32>
    %swap3A = arith.constant 0 : index
    %swap3A_30 = arith.constant 0 : index
    %swap3A_31 = vector.load %arg6[%swap3A, %swap3A_30] : memref<2560x128xf32, #tpu.memory_space<vmem>>, vector<2560x128xf32>
    tpu.vector_store %arg6[%swap3A, %swap3A_30], %add3A_29 {strides = array<i32>} : memref<2560x128xf32, #tpu.memory_space<vmem>>, vector<2560x128xf32>,
    return
  }
  func.func @transform_0(%arg0: i32) -> (i32, i32, i32) {
    %c0_i32 = arith.constant 0 : i32
    %c0_i32_0 = arith.constant 0 : i32
    %c0_i32_1 = arith.constant 0 : i32
    return %c0_i32, %arg0, %c0_i32_0 : i32, i32, i32
  }
  func.func @transform_1(%arg0: i32) -> (i32, i32) {
    %c0_i32 = arith.constant 0 : i32
    %c0_i32_0 = arith.constant 0 : i32
    return %arg0, %c0_i32 : i32, i32
  }
  func.func @transform_2(%arg0: i32) -> (i32, i32) {
    %c0_i32 = arith.constant 0 : i32
    %c0_i32_0 = arith.constant 0 : i32
    return %c0_i32, %arg0 : i32, i32
  }
  func.func @transform_3(%arg0: i32) -> (i32, i32) {
    %c0_i32 = arith.constant 0 : i32
    %c0_i32_0 = arith.constant 0 : i32
    %c0_i32_1 = arith.constant 0 : i32
    return %c0_i32, %c0_i32_0 : i32, i32
  }
  func.func @transform_4(%arg0: i32) -> i32 {
    %c0_i32 = arith.constant 0 : i32
    %c0_i32_0 = arith.constant 0 : i32
    return %c0_i32 : i32
  }
  func.func @transform_5(%arg0: i32) -> (i32, i32) {
    %c0_i32 = arith.constant 0 : i32
    %c0_i32_0 = arith.constant 0 : i32
    return %arg0, %c0_i32 : i32, i32
  }
}

</mosaic_0001>

<sc_bundles>
// kernel: kernel.10.cloned.1.call-start
scs
__scs_entry_jumppad:
0x0: {  	(pc) =	sbr.rel $0x88, $3  }
0x1: {  	(tag) =	ssettag $0x0;
	lr =	simm.s32 $0x1  }
0x2: {  	[smem:$0x3F9D] =	sst lr;
	_ =	strace $0xD0000000  }
0x3: {  	_ = 	snop  }
0x4: {  	_ = 	snop  }
0x5: {  	_ = 	snop  }
0x6: {  	_ = 	snop  }
0x7: {  	_ = 	snop  }
__scs_overlays_trampoline_lowered:
0x8: {  	[smem:$0x3FAC] =	sst s0  }
0x9: {  	[smem:$0x3FAD] =	sst s1  }
0xa: {  	[smem:$0x3FAE] =	sst s2  }
0xb: {  	[smem:$0x3FAF] =	sst s3  }
0xc: {  	[smem:$0x3FB0] =	sst s4  }
0xd: {  	[smem:$0x3FB1] =	sst s5  }
0xe: {  	[smem:$0x3FB2] =	sst s6  }
0xf: {  	[smem:$0x3FB3] =	sst s7  }
0x10: {  	[smem:$0x3FB4] =	sst s8  }
0x11: {  	[smem:$0x3FB5] =	sst s9;
	s0 =	simm.s32 @!p0 $0x0  }
0x12: {  	s1 =	sld [smem:$0x3F9B];
	s0 =	simm.s32 @p0 $0x1  }
0x13: {  	[smem:$0x3FB6] =	sst s0;
	s0 =	simm.s32 @!p1 $0x0  }
0x14: {  	s2 =	sld [smem:$0x3F9A];
	s0 =	simm.s32 @p1 $0x1  }
0x15: {  	[smem:$0x3FB7] =	sst s0;
	s0 =	simm.s32 @!p2 $0x0  }
0x16: {  	s3 =	sld [smem:$0x3FDB];
	s0 =	simm.s32 @p2 $0x1  }
0x17: {  	s4 =	simm.s32 $0x1BF5;
	[smem:$0x3FB9] =	sst s0  }
0x18: {  	s0 =	sld [smem:$0x3F9C];
	_ =	swait.ge [sflag:s4], $0x0  }
0x19: {  	s7 =	sld [smem:$0x3F9D]  }
0x1a: {  	s8 =	sadd.s32 $0xFFFFE003, lr  }
0x1b: {  	s9 =	sadd.s32 $0xFFFFFEF7, lr;
	s5 =	simm.s32 $0xFFFFFFFF;
	p2 =	slt.u32 s8, $0xFFFFF086  }
0x1c: {  	p1 =	slt.u32 s9, $0xF7A;
	s5 =	simm.s32 @!p2 $0x0  }
0x1d: {  	s5 =	simm.s32 @p1 $0x1;
	p0 =	seq.s32 s7, s2  }
0x1e: {  	s7 =	smul.u32 @!p0 $0xF7A, s2;
	p2 =	seq.s32 @!p0 s5, $0x0  }
0x1f: {  	s9 =	smul.u32 $0xF7A, s1;
	s8 =	simm.s32 @!p0 $0x1BF5;
	p2 =	por !p2, p0  }
0x20: {  	[sflag:s8] =	ssyncset.s32 @!p0 $0xFFFFF086;
	s6 =	sadd.s32 @!p0 s3, s7;
	s7 =	simm.s32 @!p0 $0x108  }
0x21: {  	s3 =	sadd.s32 s3, s9;
	s6 =	sadd.s32 @!p0 $0x88, s6;
	s7 =	simm.s32 @p2 $0x1082  }
0x22: {  	[simem:s7], [sflag:s8] =	dma.local @!p0 [hbm:s6], $0xF7A  }
0x23: {  	s9 =	sor.u32 $0xD0000000, s2;
	s6 =	simm.s32 $0x108;
	_ =	swait.ge @!p0 [sflag:s8], $0x0  }
0x24: {  	s3 =	sadd.s32 $0x88, s3;
	s6 =	simm.s32 @!p1 $0x1082;
	[sflag:s4] =	ssyncset.s32 $0xFFFFF086  }
0x25: {  	[simem:s6], [sflag:s4] =	dma.local [hbm:s3], $0xF7A  }
0x26: {  	[smem:$0x3F9D] =	sst s1;
	(tag) =	ssettag s2;
	_ =	strace s9  }
0x27: {  	s1 =	sld [smem:$0x3FAD]  }
0x28: {  	s2 =	sld [smem:$0x3FAE]  }
0x29: {  	s4 =	sld [smem:$0x3FB0]  }
0x2a: {  	p0 =	seq.s32 s5, $0x0;
	s5 =	sld [smem:$0x3FB1]  }
0x2b: {  	s6 =	sld [smem:$0x3FB2]  }
0x2c: {  	s7 =	sld [smem:$0x3FB3]  }
0x2d: {  	s3 =	simm.s32 $0x108;
	s8 =	sld [smem:$0x3FB4]  }
0x2e: {  	s3 =	simm.s32 @!p0 $0x1082;
	s9 =	sld [smem:$0x3FB5]  }
0x2f: {  	lr =	sadd.s32 s0, s3;
	s0 =	sld [smem:$0x3FAC]  }
0x30: {  	s3 =	sld [smem:$0x3FAF]  }
0x31: {  	[smem:$0x3FB8] =	sst s10  }
0x32: {  	s10 =	sld [smem:$0x3FB6];
	_ =	sdelay $0x3  }
0x33: {  	p0 =	seq.s32 s10, $0x1;
	s10 =	sld [smem:$0x3FB8];
	_ =	sdelay $0x3  }
0x34: {  	[smem:$0x3FB8] =	sst s10  }
0x35: {  	s10 =	sld [smem:$0x3FB7];
	_ =	sdelay $0x3  }
0x36: {  	p1 =	seq.s32 s10, $0x1;
	s10 =	sld [smem:$0x3FB8];
	_ =	sdelay $0x3  }
0x37: {  	[smem:$0x3FB8] =	sst s10  }
0x38: {  	s10 =	sld [smem:$0x3FB9]  }
0x39: {  	_ = 	snop;
	(pc) =	sbr.ind lr, $3  }
0x3a: {  	_ = 	snop  }
0x3b: {  	_ = 	snop  }
0x3c: {  	p2 =	seq.s32 s10, $0x1;
	s10 =	sld [smem:$0x3FB8]  }
0x3d: {  	_ =	shalt  }
0x3e: {  	_ =	shalt  }
0x3f: {  	_ =	shalt  }
0x40: {  	_ =	shalt  }
0x41: {  	_ =	shalt  }
0x42: {  	_ =	shalt  }
0x43: {  	_ =	shalt  }
0x44: {  	_ =	shalt  }
0x45: {  	_ =	shalt  }
0x46: {  	_ =	shalt  }
0x47: {  	_ =	shalt  }
0x48: {  	_ =	shalt  }
0x49: {  	_ =	shalt  }
0x4a: {  	_ =	shalt  }
0x4b: {  	_ =	shalt  }
0x4c: {  	_ =	shalt  }
0x4d: {  	_ =	shalt  }
0x4e: {  	_ =	shalt  }
0x4f: {  	_ =	shalt  }
0x50: {  	_ =	shalt  }
0x51: {  	_ =	shalt  }
0x52: {  	_ =	shalt  }
0x53: {  	_ =	shalt  }
0x54: {  	_ =	shalt  }
0x55: {  	_ =	shalt  }
0x56: {  	_ =	shalt  }
0x57: {  	_ =	shalt  }
0x58: {  	_ =	shalt  }
0x59: {  	_ =	shalt  }
0x5a: {  	_ =	shalt  }
0x5b: {  	_ =	shalt  }
0x5c: {  	_ =	shalt  }
0x5d: {  	_ =	shalt  }
0x5e: {  	_ =	shalt  }
0x5f: {  	_ =	shalt  }
0x60: {  	_ =	shalt  }
0x61: {  	_ =	shalt  }
0x62: {  	_ =	shalt  }
0x63: {  	_ =	shalt  }
0x64: {  	_ =	shalt  }
0x65: {  	_ =	shalt  }
0x66: {  	_ =	shalt  }
0x67: {  	_ =	shalt  }
0x68: {  	_ =	shalt  }
0x69: {  	_ =	shalt  }
0x6a: {  	_ =	shalt  }
0x6b: {  	_ =	shalt  }
0x6c: {  	_ =	shalt  }
0x6d: {  	_ =	shalt  }
0x6e: {  	_ =	shalt  }
0x6f: {  	_ =	shalt  }
0x70: {  	_ =	shalt  }
0x71: {  	_ =	shalt  }
0x72: {  	_ =	shalt  }
0x73: {  	_ =	shalt  }
0x74: {  	_ =	shalt  }
0x75: {  	_ =	shalt  }
0x76: {  	_ =	shalt  }
0x77: {  	_ =	shalt  }
0x78: {  	_ =	shalt  }
0x79: {  	_ =	shalt  }
0x7a: {  	_ =	shalt  }
0x7b: {  	_ =	shalt  }
0x7c: {  	_ =	shalt  }
0x7d: {  	_ =	shalt  }
0x7e: {  	_ =	shalt  }
0x7f: {  	_ =	shalt  }
0x80: {  	_ =	shalt  }
0x81: {  	_ =	shalt  }
0x82: {  	_ =	shalt  }
0x83: {  	_ =	shalt  }
0x84: {  	_ =	shalt  }
0x85: {  	_ =	shalt  }
0x86: {  	_ =	shalt  }
0x87: {  	_ =	shalt  }
.Lfunc_end0:
.L_simem_size_0:
called_computation_lowered:
.L_overlay_start_0:
0x88: {  	s2 =	sld [smem:$0x3FD9]  }
0x89: {  	s3 =	sld [smem:$0x3FFE];
	_ =	sdelay $0x1  }
0x8a: {  	s1 =	srdreg.scid  }
0x8b: {  	s0 =	sand.u32 $0x1, s1  }
0x8c: {  	s17 =	sshll.u32 s0, $0xA;
	s2 =	sadd.s32 s3, s2  }
0x8d: {  	s2 =	sadd.s32 s2, s17  }
0x8e: {  	[smem:$0x3FC4] =	sst s2  }
0x8f: {  	_ = 	snop  }
0x90: {  	s2 =	sld [smem:$0x3FD0];
	(tm) =	ssettm $0x1  }
0x91: {  	s18 =	sld [smem:$0x3FFB];
	_ =	sdelay $0x3  }
0x92: {  	_ =	strace s18  }
0x93: {  	s3 =	sld [smem:$0x3FFC];
	_ =	sdelay $0x3  }
0x94: {  	_ =	strace s3  }
0x95: {  	s3 =	sld [smem:$0x3FFD];
	_ =	sdelay $0x3  }
0x96: {  	_ =	strace s3  }
0x97: {  	_ =	strace $0x8FFFFFFF  }
0x98: {  	s19 =	sld [smem:$0x3FDB];
	_ =	sdelay $0x1  }
0x99: {  	s4 =	simm.s32 $_scs_section_size  }
0x9a: {  	s5 =	simm.s32 $_size__tile_overlayer_lowered;
	s6 =	simm.s32 $_tile_overlayer_lowered  }
0x9b: {  	s22 =	simm.s32 $0x1BFF;
	s21 =	sshll.u32 s6, $0x1;
	s3 =	sadd.s32 s4, s19  }
0x9c: {  	s7 =	simm.s32 $0x0;
	s20 =	sshll.u32 s5, $0x1;
	s5 =	sadd.s32 s21, s3  }
0x9d: {  	[timem:s7], [sflag:s22] =	dma.local [hbm:s5], s20  }
0x9e: {  	_ =	swait.ge [sflag:s22], s20  }
0x9f: {  	s4 =	ssub.s32 $0x0, s20;
	[sflag:s22] =	ssyncset.done $0x0  }
0xa0: {  	[sflag:s22] =	ssyncadd.s32 s4;
	_ =	sdelay $0x1  }
0xa1: {  	s23 =	simm.s32 $0x1B8B  }
0xa2: {  	_ =	swait.ge [sflag:s23], $0x1  }
0xa3: {  	[sflag:s23] =	ssyncset.done $0x0  }
0xa4: {  	s25 =	simm.s32 $0x1B8E;
	s24 =	sld [smem:$0x3FFE];
	[sflag:s23] =	ssyncadd.s32 $0xFFFFFFFF  }
0xa5: {  	s26 =	simm.s32 $execute0_lowered;
	[smem:$0x3FD2] =	sst s25  }
0xa6: {  	s5 =	sshll.u32 s26, $0x1;
	_ =	strace $0x80000046;
	[dreg:$0x1] =	wrdreg $0xFFFFFFFF  }
0xa7: {  	s28 =	simm.s32 $_size_execute0_lowered;
	s3 =	sadd.s32 s3, s5;
	[dreg:$0x0] =	wrdreg $0x0  }
0xa8: {  	s5 =	sshll.u32 s28, $0x1;
	[dreg:$0x2] =	wrdreg s3  }
0xa9: {  	[dreg:$0x3] =	wrdreg s5  }
0xaa: {  	[dreg:$0x4] =	wrdreg $0xC0  }
0xab: {  	_ =	task [dreg:s7], $0x5FFFF  }
0xac: {  	[dreg:$0x1] =	wrdreg $0xFFFFFFFF  }
0xad: {  	[dreg:$0x0] =	wrdreg $0x60  }
0xae: {  	[dreg:$0x2] =	wrdreg s2  }
0xaf: {  	[dreg:$0x3] =	wrdreg s24  }
0xb0: {  	[dreg:$0x4] =	wrdreg $0x9  }
0xb1: {  	_ =	task.clear_ibuf [dreg:s7], $0x5FFFF;
	_ =	strace $0x90000046  }
0xb2: {  	s29 =	simm.s32 $0x9;
	_ =	strace $0x80000048  }
0xb3: {  	_ =	swait.ge [sflag:s29], $0x1  }
0xb4: {  	[sflag:s29] =	ssyncadd.s32 $0xFFFFFFFF  }
0xb5: {  	_ =	strace $0x90000048  }
0xb6: {  	_ =	sfence  }
0xb7: {  	s30 =	sld [smem:$0x0];
	_ =	sdelay $0x2  }
0xb8: {  	s31 =	sshll.u32 s1, $0xD;
	s1 =	sshrl.u32 s1, $0x2  }
0xb9: {  	s3 =	sand.u32 $0x4000, s31;
	s1 =	sadd.s32 s1, s30  }
0xba: {  	s0 =	sor.u32 s3, s0;
	s1 =	sshll.u32 s1, $0x11  }
0xbb: {  	s0 =	sor.u32 s1, s0  }
0xbc: {  	s0 =	sadd.s32 $0x8F2B, s0  }
0xbd: {  	[sflag:s0] =	ssyncadd.remote.s32 $0x1  }
0xbe: {  	_ =	sfence.sel $0xFFFF  }
0xbf: {  	[dreg:$0x0] =	wrdreg $0xFFFFFFFF;
	(pc) =	sbr.abs _section_cstart, $3  }
0xc0: {  	[dreg:$0x1] =	wrdreg $0xFFFFFFFF  }
0xc1: {  	_ =	task.clear_ibuf [dreg:s7], $0x2FFFF;
	_ =	strace $0x9FFFFFFF  }
0xc2: {  	(tm) =	ssettm $0x7FFFFFFF  }
0xc3: {  	_ =	shalt  }
tec
execute0_lowered:
.L_overlay_start_1:
0x0: {  	(tag) =	ssettag $0x1  }
0x1: {  	s0 =	srdreg.scid  }
0x2: {  	s3 =	rddreg [dreg:$0x0];
	s4 =	sand.u32 $0x1, s0  }
0x3: {  	s5 =	rddreg [dreg:$0x1];
	s1 =	stileid.u32;
	s2 =	sshll.u32 s4, $0x4  }
0x4: {  	s0 =	rddreg [dreg:$0x2];
	s6 =	sor.u32 s1, s2  }
0x5: {  	s4 =	ssub.s32 $0x2, s4;
	s2 =	simm.s32 $0x0;
	s7 =	smul.u32 $0x500, s6  }
0x6: {  	s8 =	sshrl.u32 s4, $0x1;
	[smem:$0x7FF] =	sst s2;
	s6 =	smul.u32 $0xA00, s6  }
0x7: {  	s31 =	ssub.s32 s4, s8;
	s8 =	simm.s32 $0x0;
	_ =	strace $0x80000047  }
0x8: {  	s5 =	sadd.s32 s7, s5;
	s3 =	sadd.s32 s3, s6;
	s6 =	simm.s32 $0x1  }
0x9: {  	v0 =	vimm.f32 $0.0e+00;
	v1 =	vimm.f32 $1.000000000e+00;
	s7 =	simm.s32 $0x5000;
	s4 =	sadd.s32 $0x2600, s5;
	s5 =	smax.u32 s31, $0x1  }
.LBB2_1:
0xa: {  	[tilespmem:s2], [sflag:$0x1] =	stream.linear.gather [hbm4b:s3+s2], $0x5000, $0x38;
	[tilespmem:$0x7800] =	vst v63  }
0xb: {  	_ =	swait.ge [sflag:s6], $0x5000  }
0xc: {  	[sflag:s6] =	ssyncset.done $0x0  }
0xd: {  	s9 =	simm.s32 $0x0;
	[sflag:s6] =	ssyncadd.s32 $0xFFFFB000  }
.LBB2_2:
0xe: {  	p0 =	sne.s32 s9, $0x9FC0  }
.Ltmp0:
0xf: {  	_ = 	snop;
	(pc) =	sbr.rel @p0 .LBB2_2-.Ltmp0, $3  }
0x10: {  	_ =	sdelay $0x1  }
0x11: {  	s10 =	sshra.s32 s9, $0x2  }
0x12: {  	s9 =	sadd.s32 $0x40, s9;
	[tilespmem:s10+$0x5000] =	vst v0  }
0x13: {  	s9 =	simm.s32 $0x0  }
.LBB2_4:
0x14: {  	s10 =	sshra.s32 s9, $0x2  }
0x15: {  	v2 =	vld [tilespmem:s10+$0x0];
	_ =	sdelay $0x7  }
0x16: {  	[tilespmem:v2+s7+$0x0] =	vst.idx.add.f32.msk $0xffff, v1  }
0x17: {  	v2 =	vld [tilespmem:s10+$0x10];
	_ =	sdelay $0x7  }
0x18: {  	[tilespmem:v2+s7+$0x0] =	vst.idx.add.f32.msk $0xffff, v1  }
0x19: {  	v2 =	vld [tilespmem:s10+$0x20];
	_ =	sdelay $0x7  }
0x1a: {  	[tilespmem:v2+s7+$0x0] =	vst.idx.add.f32.msk $0xffff, v1  }
0x1b: {  	v2 =	vld [tilespmem:s10+$0x30];
	_ =	sdelay $0x2  }
0x1c: {  	p0 =	sne.s32 s9, $0x13E00  }
.Ltmp1:
0x1d: {  	_ = 	snop;
	(pc) =	sbr.rel @p0 .LBB2_4-.Ltmp1, $2  }
0x1e: {  	_ =	sdelay $0x2  }
0x1f: {  	s9 =	sadd.s32 $0x200, s9;
	[tilespmem:v2+s7+$0x0] =	vst.idx.add.f32.msk $0xffff, v1  }
0x20: {  	s8 =	sadd.s32 $0x1, s8  }
0x21: {  	p0 =	sne.s32 s8, s5  }
.Ltmp2:
0x22: {  	_ = 	snop;
	(pc) =	sbr.rel @p0 .LBB2_1-.Ltmp2, $4  }
0x23: {  	[hbm4b:s4+s2] =	stream.linear.scatter [tilespmem:s7], [sflag:$0x1], $0x2800, $0x38;
	[tilespmem:$0x7800] =	vst v63  }
0x24: {  	_ =	swait.ge [sflag:s6], $0x2800  }
0x25: {  	[sflag:s6] =	ssyncset.done $0x0  }
0x26: {  	[sflag:s6] =	ssyncadd.s32 $0xFFFFD800  }
0x27: {  	_ =	sfence.sel $0x180000  }
0x28: {  	[bflag:$0x0] =	sbarrier.arrive $0xFFFF  }
0x29: {  	p0 =	sne.s32 s1, $0x0;
	_ =	strace $0x90000047  }
0x2a: {  	s0 =	sadd.s32 @!p0 $0x100000, s0;
	[bflag:$0x2] =	sbarrier.arrive $0xFFFF  }
0x2b: {  	[sflag:s0] =	ssyncadd.tile.s32 @!p0 $0x1;
	_ =	shalt  }
.Lfunc_end2:
_tile_overlayer_lowered:
.L_overlay_start_2:
0x2c: {  	(tag) =	ssettag $0x2  }
0x2d: {  	s0 =	rddreg [dreg:$0x0];
	s2 =	stileid.u32  }
0x2e: {  	s1 =	rddreg [dreg:$0x1];
	p0 =	sne.s32 s2, $0x0  }
0x2f: {  	s3 =	rddreg [dreg:$0x2];
	[bflag:$0x3] =	sbarrier.arrive $0xFFFF;
	s2 =	simm.s32 @!p0 $0x1C01  }
0x30: {  	[timem:s3], [sflag:s2] =	dma.local @!p0 [hbm:s0], s1  }
0x31: {  	s0 =	simm.s32 @!p0 $0x1  }
0x32: {  	_ =	swait.ge @!p0 [sflag:s0], s1  }
0x33: {  	s1 =	ssub.s32 @!p0 $0x0, s1;
	[sflag:s0] =	ssyncset.done @!p0 $0x0  }
0x34: {  	[sflag:s0] =	ssyncadd.s32 @!p0 s1  }
0x35: {  	[bflag:$0x3] =	sbarrier.arrive $0xFFFF  }
0x36: {  	_ =	shalt  }

// kernel: kernel.13.cloned.1.call-start
scs
__scs_entry_jumppad:
0x0: {  	(pc) =	sbr.rel $0x88, $3  }
0x1: {  	(tag) =	ssettag $0x0;
	lr =	simm.s32 $0x1  }
0x2: {  	[smem:$0x3F9D] =	sst lr;
	_ =	strace $0xD0000000  }
0x3: {  	_ = 	snop  }
0x4: {  	_ = 	snop  }
0x5: {  	_ = 	snop  }
0x6: {  	_ = 	snop  }
0x7: {  	_ = 	snop  }
__scs_overlays_trampoline_lowered:
0x8: {  	[smem:$0x3FAC] =	sst s0  }
0x9: {  	[smem:$0x3FAD] =	sst s1  }
0xa: {  	[smem:$0x3FAE] =	sst s2  }
0xb: {  	[smem:$0x3FAF] =	sst s3  }
0xc: {  	[smem:$0x3FB0] =	sst s4  }
0xd: {  	[smem:$0x3FB1] =	sst s5  }
0xe: {  	[smem:$0x3FB2] =	sst s6  }
0xf: {  	[smem:$0x3FB3] =	sst s7  }
0x10: {  	[smem:$0x3FB4] =	sst s8  }
0x11: {  	[smem:$0x3FB5] =	sst s9;
	s0 =	simm.s32 @!p0 $0x0  }
0x12: {  	s1 =	sld [smem:$0x3F9B];
	s0 =	simm.s32 @p0 $0x1  }
0x13: {  	[smem:$0x3FB6] =	sst s0;
	s0 =	simm.s32 @!p1 $0x0  }
0x14: {  	s2 =	sld [smem:$0x3F9A];
	s0 =	simm.s32 @p1 $0x1  }
0x15: {  	[smem:$0x3FB7] =	sst s0;
	s0 =	simm.s32 @!p2 $0x0  }
0x16: {  	s3 =	sld [smem:$0x3FDB];
	s0 =	simm.s32 @p2 $0x1  }
0x17: {  	s4 =	simm.s32 $0x1BF5;
	[smem:$0x3FB9] =	sst s0  }
0x18: {  	s0 =	sld [smem:$0x3F9C];
	_ =	swait.ge [sflag:s4], $0x0  }
0x19: {  	s7 =	sld [smem:$0x3F9D]  }
0x1a: {  	s8 =	sadd.s32 $0xFFFFE003, lr  }
0x1b: {  	s9 =	sadd.s32 $0xFFFFFEF7, lr;
	s5 =	simm.s32 $0xFFFFFFFF;
	p2 =	slt.u32 s8, $0xFFFFF086  }
0x1c: {  	p1 =	slt.u32 s9, $0xF7A;
	s5 =	simm.s32 @!p2 $0x0  }
0x1d: {  	s5 =	simm.s32 @p1 $0x1;
	p0 =	seq.s32 s7, s2  }
0x1e: {  	s7 =	smul.u32 @!p0 $0xF7A, s2;
	p2 =	seq.s32 @!p0 s5, $0x0  }
0x1f: {  	s9 =	smul.u32 $0xF7A, s1;
	s8 =	simm.s32 @!p0 $0x1BF5;
	p2 =	por !p2, p0  }
0x20: {  	[sflag:s8] =	ssyncset.s32 @!p0 $0xFFFFF086;
	s6 =	sadd.s32 @!p0 s3, s7;
	s7 =	simm.s32 @!p0 $0x108  }
0x21: {  	s3 =	sadd.s32 s3, s9;
	s6 =	sadd.s32 @!p0 $0x88, s6;
	s7 =	simm.s32 @p2 $0x1082  }
0x22: {  	[simem:s7], [sflag:s8] =	dma.local @!p0 [hbm:s6], $0xF7A  }
0x23: {  	s9 =	sor.u32 $0xD0000000, s2;
	s6 =	simm.s32 $0x108;
	_ =	swait.ge @!p0 [sflag:s8], $0x0  }
0x24: {  	s3 =	sadd.s32 $0x88, s3;
	s6 =	simm.s32 @!p1 $0x1082;
	[sflag:s4] =	ssyncset.s32 $0xFFFFF086  }
0x25: {  	[simem:s6], [sflag:s4] =	dma.local [hbm:s3], $0xF7A  }
0x26: {  	[smem:$0x3F9D] =	sst s1;
	(tag) =	ssettag s2;
	_ =	strace s9  }
0x27: {  	s1 =	sld [smem:$0x3FAD]  }
0x28: {  	s2 =	sld [smem:$0x3FAE]  }
0x29: {  	s4 =	sld [smem:$0x3FB0]  }
0x2a: {  	p0 =	seq.s32 s5, $0x0;
	s5 =	sld [smem:$0x3FB1]  }
0x2b: {  	s6 =	sld [smem:$0x3FB2]  }
0x2c: {  	s7 =	sld [smem:$0x3FB3]  }
0x2d: {  	s3 =	simm.s32 $0x108;
	s8 =	sld [smem:$0x3FB4]  }
0x2e: {  	s3 =	simm.s32 @!p0 $0x1082;
	s9 =	sld [smem:$0x3FB5]  }
0x2f: {  	lr =	sadd.s32 s0, s3;
	s0 =	sld [smem:$0x3FAC]  }
0x30: {  	s3 =	sld [smem:$0x3FAF]  }
0x31: {  	[smem:$0x3FB8] =	sst s10  }
0x32: {  	s10 =	sld [smem:$0x3FB6];
	_ =	sdelay $0x3  }
0x33: {  	p0 =	seq.s32 s10, $0x1;
	s10 =	sld [smem:$0x3FB8];
	_ =	sdelay $0x3  }
0x34: {  	[smem:$0x3FB8] =	sst s10  }
0x35: {  	s10 =	sld [smem:$0x3FB7];
	_ =	sdelay $0x3  }
0x36: {  	p1 =	seq.s32 s10, $0x1;
	s10 =	sld [smem:$0x3FB8];
	_ =	sdelay $0x3  }
0x37: {  	[smem:$0x3FB8] =	sst s10  }
0x38: {  	s10 =	sld [smem:$0x3FB9]  }
0x39: {  	_ = 	snop;
	(pc) =	sbr.ind lr, $3  }
0x3a: {  	_ = 	snop  }
0x3b: {  	_ = 	snop  }
0x3c: {  	p2 =	seq.s32 s10, $0x1;
	s10 =	sld [smem:$0x3FB8]  }
0x3d: {  	_ =	shalt  }
0x3e: {  	_ =	shalt  }
0x3f: {  	_ =	shalt  }
0x40: {  	_ =	shalt  }
0x41: {  	_ =	shalt  }
0x42: {  	_ =	shalt  }
0x43: {  	_ =	shalt  }
0x44: {  	_ =	shalt  }
0x45: {  	_ =	shalt  }
0x46: {  	_ =	shalt  }
0x47: {  	_ =	shalt  }
0x48: {  	_ =	shalt  }
0x49: {  	_ =	shalt  }
0x4a: {  	_ =	shalt  }
0x4b: {  	_ =	shalt  }
0x4c: {  	_ =	shalt  }
0x4d: {  	_ =	shalt  }
0x4e: {  	_ =	shalt  }
0x4f: {  	_ =	shalt  }
0x50: {  	_ =	shalt  }
0x51: {  	_ =	shalt  }
0x52: {  	_ =	shalt  }
0x53: {  	_ =	shalt  }
0x54: {  	_ =	shalt  }
0x55: {  	_ =	shalt  }
0x56: {  	_ =	shalt  }
0x57: {  	_ =	shalt  }
0x58: {  	_ =	shalt  }
0x59: {  	_ =	shalt  }
0x5a: {  	_ =	shalt  }
0x5b: {  	_ =	shalt  }
0x5c: {  	_ =	shalt  }
0x5d: {  	_ =	shalt  }
0x5e: {  	_ =	shalt  }
0x5f: {  	_ =	shalt  }
0x60: {  	_ =	shalt  }
0x61: {  	_ =	shalt  }
0x62: {  	_ =	shalt  }
0x63: {  	_ =	shalt  }
0x64: {  	_ =	shalt  }
0x65: {  	_ =	shalt  }
0x66: {  	_ =	shalt  }
0x67: {  	_ =	shalt  }
0x68: {  	_ =	shalt  }
0x69: {  	_ =	shalt  }
0x6a: {  	_ =	shalt  }
0x6b: {  	_ =	shalt  }
0x6c: {  	_ =	shalt  }
0x6d: {  	_ =	shalt  }
0x6e: {  	_ =	shalt  }
0x6f: {  	_ =	shalt  }
0x70: {  	_ =	shalt  }
0x71: {  	_ =	shalt  }
0x72: {  	_ =	shalt  }
0x73: {  	_ =	shalt  }
0x74: {  	_ =	shalt  }
0x75: {  	_ =	shalt  }
0x76: {  	_ =	shalt  }
0x77: {  	_ =	shalt  }
0x78: {  	_ =	shalt  }
0x79: {  	_ =	shalt  }
0x7a: {  	_ =	shalt  }
0x7b: {  	_ =	shalt  }
0x7c: {  	_ =	shalt  }
0x7d: {  	_ =	shalt  }
0x7e: {  	_ =	shalt  }
0x7f: {  	_ =	shalt  }
0x80: {  	_ =	shalt  }
0x81: {  	_ =	shalt  }
0x82: {  	_ =	shalt  }
0x83: {  	_ =	shalt  }
0x84: {  	_ =	shalt  }
0x85: {  	_ =	shalt  }
0x86: {  	_ =	shalt  }
0x87: {  	_ =	shalt  }
.Lfunc_end0:
.L_simem_size_0:
called_computation.1_lowered:
.L_overlay_start_0:
0x88: {  	s2 =	sld [smem:$0x3FD9]  }
0x89: {  	s3 =	sld [smem:$0x3FFE];
	_ =	sdelay $0x1  }
0x8a: {  	s1 =	srdreg.scid  }
0x8b: {  	s0 =	sand.u32 $0x1, s1  }
0x8c: {  	s17 =	sshll.u32 s0, $0xA;
	s2 =	sadd.s32 s3, s2  }
0x8d: {  	s2 =	sadd.s32 s2, s17  }
0x8e: {  	[smem:$0x3FC4] =	sst s2  }
0x8f: {  	_ = 	snop  }
0x90: {  	s2 =	sld [smem:$0x3FD0];
	(tm) =	ssettm $0x1  }
0x91: {  	s18 =	sld [smem:$0x3FFB];
	_ =	sdelay $0x3  }
0x92: {  	_ =	strace s18  }
0x93: {  	s3 =	sld [smem:$0x3FFC];
	_ =	sdelay $0x3  }
0x94: {  	_ =	strace s3  }
0x95: {  	s3 =	sld [smem:$0x3FFD];
	_ =	sdelay $0x3  }
0x96: {  	_ =	strace s3  }
0x97: {  	_ =	strace $0x8FFFFFFF  }
0x98: {  	s19 =	sld [smem:$0x3FDB];
	_ =	sdelay $0x1  }
0x99: {  	s4 =	simm.s32 $_scs_section_size  }
0x9a: {  	s5 =	simm.s32 $_size__tile_overlayer_lowered;
	s6 =	simm.s32 $_tile_overlayer_lowered  }
0x9b: {  	s22 =	simm.s32 $0x1BFF;
	s21 =	sshll.u32 s6, $0x1;
	s3 =	sadd.s32 s4, s19  }
0x9c: {  	s7 =	simm.s32 $0x0;
	s20 =	sshll.u32 s5, $0x1;
	s5 =	sadd.s32 s21, s3  }
0x9d: {  	[timem:s7], [sflag:s22] =	dma.local [hbm:s5], s20  }
0x9e: {  	_ =	swait.ge [sflag:s22], s20  }
0x9f: {  	s4 =	ssub.s32 $0x0, s20;
	[sflag:s22] =	ssyncset.done $0x0  }
0xa0: {  	[sflag:s22] =	ssyncadd.s32 s4;
	_ =	sdelay $0x1  }
0xa1: {  	s23 =	simm.s32 $0x1B8B  }
0xa2: {  	_ =	swait.ge [sflag:s23], $0x1  }
0xa3: {  	[sflag:s23] =	ssyncset.done $0x0  }
0xa4: {  	s25 =	simm.s32 $0x1B8E;
	s24 =	sld [smem:$0x3FFE];
	[sflag:s23] =	ssyncadd.s32 $0xFFFFFFFF  }
0xa5: {  	s26 =	simm.s32 $execute0_lowered;
	[smem:$0x3FD2] =	sst s25  }
0xa6: {  	s5 =	sshll.u32 s26, $0x1;
	_ =	strace $0x80000049;
	[dreg:$0x1] =	wrdreg $0xFFFFFFFF  }
0xa7: {  	s28 =	simm.s32 $_size_execute0_lowered;
	s3 =	sadd.s32 s3, s5;
	[dreg:$0x0] =	wrdreg $0x0  }
0xa8: {  	s5 =	sshll.u32 s28, $0x1;
	[dreg:$0x2] =	wrdreg s3  }
0xa9: {  	[dreg:$0x3] =	wrdreg s5  }
0xaa: {  	[dreg:$0x4] =	wrdreg $0xC0  }
0xab: {  	_ =	task [dreg:s7], $0x5FFFF  }
0xac: {  	[dreg:$0x1] =	wrdreg $0xFFFFFFFF  }
0xad: {  	[dreg:$0x0] =	wrdreg $0x60  }
0xae: {  	[dreg:$0x2] =	wrdreg s24  }
0xaf: {  	[dreg:$0x3] =	wrdreg s2  }
0xb0: {  	[dreg:$0x4] =	wrdreg $0xA8000  }
0xb1: {  	[dreg:$0x5] =	wrdreg $0x9  }
0xb2: {  	_ =	task.clear_ibuf [dreg:s7], $0x6FFFF;
	_ =	strace $0x90000049  }
0xb3: {  	s29 =	simm.s32 $0x9;
	_ =	strace $0x8000004B  }
0xb4: {  	_ =	swait.ge [sflag:s29], $0x1  }
0xb5: {  	[sflag:s29] =	ssyncadd.s32 $0xFFFFFFFF  }
0xb6: {  	_ =	strace $0x9000004B  }
0xb7: {  	_ =	sfence  }
0xb8: {  	s30 =	sld [smem:$0x0];
	_ =	sdelay $0x2  }
0xb9: {  	s31 =	sshll.u32 s1, $0xD;
	s1 =	sshrl.u32 s1, $0x2  }
0xba: {  	s3 =	sand.u32 $0x4000, s31;
	s1 =	sadd.s32 s1, s30  }
0xbb: {  	s0 =	sor.u32 s3, s0;
	s1 =	sshll.u32 s1, $0x11  }
0xbc: {  	s0 =	sor.u32 s1, s0  }
0xbd: {  	s0 =	sadd.s32 $0x8F2B, s0  }
0xbe: {  	[sflag:s0] =	ssyncadd.remote.s32 $0x1  }
0xbf: {  	_ =	sfence.sel $0xFFFF  }
0xc0: {  	[dreg:$0x0] =	wrdreg $0xFFFFFFFF;
	(pc) =	sbr.abs _section_cstart, $3  }
0xc1: {  	[dreg:$0x1] =	wrdreg $0xFFFFFFFF  }
0xc2: {  	_ =	task.clear_ibuf [dreg:s7], $0x2FFFF;
	_ =	strace $0x9FFFFFFF  }
0xc3: {  	(tm) =	ssettm $0x7FFFFFFF  }
tec
execute0_lowered:
.L_overlay_start_1:
0x0: {  	(tag) =	ssettag $0x1  }
0x1: {  	s0 =	srdreg.scid  }
0x2: {  	s3 =	rddreg [dreg:$0x0];
	s17 =	stileid.u32  }
0x3: {  	s1 =	rddreg [dreg:$0x1];
	s0 =	sand.u32 $0x1, s0;
	s5 =	smul.u32 $0x14000, s17  }
0x4: {  	s2 =	simm.s32 $0x0;
	s4 =	smul.u32 $0x140000, s0;
	s6 =	ssub.s32 $0x2, s0  }
0x5: {  	[smem:$0x7FF] =	sst s2;
	s7 =	sadd.s32 $0x48600, s3;
	s8 =	sshrl.u32 s6, $0x1  }
0x6: {  	s10 =	sadd.s32 $0x4000, s5;
	s12 =	sadd.s32 $0x6000, s5;
	s9 =	sadd.s32 s4, s5  }
0x7: {  	s6 =	ssub.s32 s6, s8;
	s13 =	sshrl.u32 s9, $0x3;
	s9 =	sor.u32 $0x2000, s5  }
0x8: {  	s11 =	sadd.s32 s4, s10;
	s8 =	sadd.s32 s7, s13;
	s14 =	sadd.s32 s4, s9  }
0x9: {  	s16 =	sadd.s32 s4, s12;
	[dreg:$0x4] =	wrdreg s8;
	s8 =	sshrl.u32 s14, $0x3  }
0xa: {  	s15 =	sshrl.u32 s11, $0x3;
	s18 =	sshrl.u32 s16, $0x3;
	s8 =	sadd.s32 s7, s8  }
0xb: {  	s11 =	sadd.s32 $0x8000, s5;
	[dreg:$0x5] =	wrdreg s8;
	s8 =	sadd.s32 s7, s15  }
0xc: {  	s19 =	sadd.s32 s4, s11;
	[dreg:$0x6] =	wrdreg s8;
	s8 =	sadd.s32 s7, s18  }
0xd: {  	s14 =	sadd.s32 $0xA000, s5;
	[dreg:$0x7] =	wrdreg s8;
	s8 =	sshrl.u32 s19, $0x3  }
0xe: {  	s13 =	sadd.s32 s4, s14;
	s19 =	sadd.s32 $0xC000, s5;
	s8 =	sadd.s32 s7, s8  }
0xf: {  	s20 =	sshrl.u32 s13, $0x3;
	s21 =	sadd.s32 s4, s19;
	[dreg:$0x8] =	wrdreg s8  }
0x10: {  	s8 =	sadd.s32 s7, s20;
	s22 =	sshrl.u32 s21, $0x3;
	s20 =	sadd.s32 $0xE000, s5  }
0x11: {  	s21 =	sadd.s32 $0x10000, s5;
	s5 =	sadd.s32 $0x12000, s5;
	[dreg:$0x9] =	wrdreg s8  }
0x12: {  	s8 =	sadd.s32 s7, s22;
	s23 =	sadd.s32 s4, s20;
	s24 =	sadd.s32 s4, s21  }
0x13: {  	s4 =	sadd.s32 s4, s5;
	[dreg:$0xa] =	wrdreg s8;
	s8 =	sshrl.u32 s23, $0x3  }
0x14: {  	s13 =	rddreg [dreg:$0x2];
	s4 =	sshrl.u32 s4, $0x3;
	s8 =	sadd.s32 s7, s8  }
0x15: {  	s25 =	sshrl.u32 s24, $0x3;
	s4 =	sadd.s32 s7, s4;
	[dreg:$0xb] =	wrdreg s8  }
0x16: {  	s8 =	sadd.s32 s7, s25;
	[dreg:$0xd] =	wrdreg s4  }
0x17: {  	s4 =	smax.u32 s6, $0x1;
	[dreg:$0xc] =	wrdreg s8  }
0x18: {  	s6 =	sadd.s32 s9, s13;
	_ =	strace $0x8000004A;
	[dreg:$0xe] =	wrdreg s4  }
0x19: {  	s7 =	sadd.s32 s10, s13;
	[dreg:$0xf] =	wrdreg s6  }
0x1a: {  	s8 =	sadd.s32 s12, s13;
	[dreg:$0x10] =	wrdreg s7  }
0x1b: {  	s9 =	sadd.s32 s11, s13;
	[dreg:$0x11] =	wrdreg s8  }
0x1c: {  	s26 =	smul.u32 $0x50000, s17;
	s10 =	sadd.s32 s14, s13;
	[dreg:$0x12] =	wrdreg s9  }
0x1d: {  	s0 =	sshll.u32 s0, $0x4;
	s11 =	sadd.s32 s19, s13;
	[dreg:$0x13] =	wrdreg s10  }
0x1e: {  	s0 =	sor.u32 s17, s0;
	s12 =	sadd.s32 s20, s13;
	[dreg:$0x14] =	wrdreg s11  }
0x1f: {  	s31 =	sshrl.u32 s26, $0x2;
	s14 =	sadd.s32 s21, s13;
	[dreg:$0x15] =	wrdreg s12  }
0x20: {  	s17 =	sadd.s32 s31, s13;
	s19 =	sadd.s32 s5, s13;
	[dreg:$0x16] =	wrdreg s14  }
0x21: {  	s20 =	sadd.s32 $0x2000, s17;
	[dreg:$0x17] =	wrdreg s19  }
0x22: {  	s21 =	sadd.s32 $0x4000, s17;
	[dreg:$0x18] =	wrdreg s20  }
0x23: {  	s22 =	sadd.s32 $0x6000, s17;
	[dreg:$0x19] =	wrdreg s21  }
0x24: {  	s23 =	sadd.s32 $0x8000, s17;
	[dreg:$0x1a] =	wrdreg s22  }
0x25: {  	s28 =	simm.s32 $0x4;
	s24 =	sadd.s32 $0xA000, s17;
	[dreg:$0x1b] =	wrdreg s23  }
0x26: {  	s29 =	simm.s32 $0x0;
	s25 =	sadd.s32 $0xC000, s17;
	[dreg:$0x1c] =	wrdreg s24  }
0x27: {  	s30 =	simm.s32 $0x0;
	s26 =	sadd.s32 $0xE000, s17;
	[dreg:$0x1d] =	wrdreg s25  }
0x28: {  	s16 =	sadd.s32 $0xC600, s3;
	s31 =	sadd.s32 $0x10000, s17;
	[dreg:$0x1e] =	wrdreg s26  }
0x29: {  	s15 =	sadd.s32 $0x20600, s3;
	s18 =	smul.u32 $0xA0, s0;
	[dreg:$0x1f] =	wrdreg s31  }
.Ltmp0:
0x2a: {  	s7 =	sadd.s32 $0x12000, s17;
	s8 =	simm.s32 $0x2800;
	(pc) =	sbr.rel .LBB2_1-.Ltmp0, $4  }
0x2b: {  	s9 =	simm.s32 $0x5;
	s10 =	simm.s32 $0x1400;
	s12 =	simm.s32 $0x40  }
0x2c: {  	s14 =	simm.s32 $0x80;
	s19 =	simm.s32 $0x4800;
	s20 =	simm.s32 $0x100  }
0x2d: {  	s21 =	simm.s32 $0x6800;
	s22 =	simm.s32 $0x180;
	s23 =	simm.s32 $0x8800  }
0x2e: {  	v0 =	vimm.f32 $0.0e+00;
	s24 =	simm.s32 $0x1;
	s25 =	simm.s32 $0x2;
	s26 =	simm.s32 $0x3  }
.LBB2_8:
0x2f: {  	[bflag:$0x0] =	sbarrier.arrive $0xFFFF  }
0x30: {  	[tilespmem:s8], [sflag:$0x5] =	stream.linear.gather [spmem:s17], $0x2000, $0x38;
	[tilespmem:$0x1E800] =	vst v63  }
0x31: {  	_ =	swait.ge [sflag:s9], $0x2000  }
0x32: {  	[sflag:s9] =	ssyncset.done $0x0  }
0x33: {  	s0 =	rddreg [dreg:$0x4];
	[sflag:s9] =	ssyncadd.s32 $0xFFFFE000  }
0x34: {  	[hbm4b:s0+s2] =	stream.linear.scatter [tilespmem:s8], [sflag:$0x5], $0x2000, $0x38;
	[tilespmem:$0x1E800] =	vst v63  }
0x35: {  	_ =	swait.ge [sflag:s9], $0x2000  }
0x36: {  	[sflag:s9] =	ssyncset.done $0x0  }
0x37: {  	s31 =	rddreg [dreg:$0xf];
	[sflag:s9] =	ssyncadd.s32 $0xFFFFE000  }
0x38: {  	[tilespmem:s8], [sflag:$0x5] =	stream.linear.gather [spmem:s31], $0x2000, $0x38;
	[tilespmem:$0x1E800] =	vst v63  }
0x39: {  	_ =	swait.ge [sflag:s9], $0x2000  }
0x3a: {  	[sflag:s9] =	ssyncset.done $0x0  }
0x3b: {  	s3 =	rddreg [dreg:$0x5];
	[sflag:s9] =	ssyncadd.s32 $0xFFFFE000  }
0x3c: {  	[hbm4b:s3+s2] =	stream.linear.scatter [tilespmem:s8], [sflag:$0x5], $0x2000, $0x38;
	[tilespmem:$0x1E800] =	vst v63  }
0x3d: {  	_ =	swait.ge [sflag:s9], $0x2000  }
0x3e: {  	[sflag:s9] =	ssyncset.done $0x0  }
0x3f: {  	s4 =	rddreg [dreg:$0x10];
	[sflag:s9] =	ssyncadd.s32 $0xFFFFE000  }
0x40: {  	[tilespmem:s8], [sflag:$0x5] =	stream.linear.gather [spmem:s4], $0x2000, $0x38;
	[tilespmem:$0x1E800] =	vst v63  }
0x41: {  	_ =	swait.ge [sflag:s9], $0x2000  }
0x42: {  	[sflag:s9] =	ssyncset.done $0x0  }
0x43: {  	s5 =	rddreg [dreg:$0x6];
	[sflag:s9] =	ssyncadd.s32 $0xFFFFE000  }
0x44: {  	[hbm4b:s5+s2] =	stream.linear.scatter [tilespmem:s8], [sflag:$0x5], $0x2000, $0x38;
	[tilespmem:$0x1E800] =	vst v63  }
0x45: {  	_ =	swait.ge [sflag:s9], $0x2000  }
0x46: {  	[sflag:s9] =	ssyncset.done $0x0  }
0x47: {  	s6 =	rddreg [dreg:$0x11];
	[sflag:s9] =	ssyncadd.s32 $0xFFFFE000  }
0x48: {  	[tilespmem:s8], [sflag:$0x5] =	stream.linear.gather [spmem:s6], $0x2000, $0x38;
	[tilespmem:$0x1E800] =	vst v63  }
0x49: {  	_ =	swait.ge [sflag:s9], $0x2000  }
0x4a: {  	[sflag:s9] =	ssyncset.done $0x0  }
0x4b: {  	s11 =	rddreg [dreg:$0x7];
	[sflag:s9] =	ssyncadd.s32 $0xFFFFE000  }
0x4c: {  	[hbm4b:s11+s2] =	stream.linear.scatter [tilespmem:s8], [sflag:$0x5], $0x2000, $0x38;
	[tilespmem:$0x1E800] =	vst v63  }
0x4d: {  	_ =	swait.ge [sflag:s9], $0x2000  }
0x4e: {  	[sflag:s9] =	ssyncset.done $0x0  }
0x4f: {  	s31 =	rddreg [dreg:$0x12];
	[sflag:s9] =	ssyncadd.s32 $0xFFFFE000  }
0x50: {  	[tilespmem:s8], [sflag:$0x5] =	stream.linear.gather [spmem:s31], $0x2000, $0x38;
	[tilespmem:$0x1E800] =	vst v63  }
0x51: {  	_ =	swait.ge [sflag:s9], $0x2000  }
0x52: {  	[sflag:s9] =	ssyncset.done $0x0  }
0x53: {  	s3 =	rddreg [dreg:$0x8];
	[sflag:s9] =	ssyncadd.s32 $0xFFFFE000  }
0x54: {  	[hbm4b:s3+s2] =	stream.linear.scatter [tilespmem:s8], [sflag:$0x5], $0x2000, $0x38;
	[tilespmem:$0x1E800] =	vst v63  }
0x55: {  	_ =	swait.ge [sflag:s9], $0x2000  }
0x56: {  	[sflag:s9] =	ssyncset.done $0x0  }
0x57: {  	s4 =	rddreg [dreg:$0x13];
	[sflag:s9] =	ssyncadd.s32 $0xFFFFE000  }
0x58: {  	[tilespmem:s8], [sflag:$0x5] =	stream.linear.gather [spmem:s4], $0x2000, $0x38;
	[tilespmem:$0x1E800] =	vst v63  }
0x59: {  	_ =	swait.ge [sflag:s9], $0x2000  }
0x5a: {  	[sflag:s9] =	ssyncset.done $0x0  }
0x5b: {  	s5 =	rddreg [dreg:$0x9];
	[sflag:s9] =	ssyncadd.s32 $0xFFFFE000  }
0x5c: {  	[hbm4b:s5+s2] =	stream.linear.scatter [tilespmem:s8], [sflag:$0x5], $0x2000, $0x38;
	[tilespmem:$0x1E800] =	vst v63  }
0x5d: {  	_ =	swait.ge [sflag:s9], $0x2000  }
0x5e: {  	[sflag:s9] =	ssyncset.done $0x0  }
0x5f: {  	s6 =	rddreg [dreg:$0x14];
	[sflag:s9] =	ssyncadd.s32 $0xFFFFE000  }
0x60: {  	[tilespmem:s8], [sflag:$0x5] =	stream.linear.gather [spmem:s6], $0x2000, $0x38;
	[tilespmem:$0x1E800] =	vst v63  }
0x61: {  	_ =	swait.ge [sflag:s9], $0x2000  }
0x62: {  	[sflag:s9] =	ssyncset.done $0x0  }
0x63: {  	s11 =	rddreg [dreg:$0xa];
	[sflag:s9] =	ssyncadd.s32 $0xFFFFE000  }
0x64: {  	[hbm4b:s11+s2] =	stream.linear.scatter [tilespmem:s8], [sflag:$0x5], $0x2000, $0x38;
	[tilespmem:$0x1E800] =	vst v63  }
0x65: {  	_ =	swait.ge [sflag:s9], $0x2000  }
0x66: {  	[sflag:s9] =	ssyncset.done $0x0  }
0x67: {  	s31 =	rddreg [dreg:$0x15];
	[sflag:s9] =	ssyncadd.s32 $0xFFFFE000  }
0x68: {  	[tilespmem:s8], [sflag:$0x5] =	stream.linear.gather [spmem:s31], $0x2000, $0x38;
	[tilespmem:$0x1E800] =	vst v63  }
0x69: {  	_ =	swait.ge [sflag:s9], $0x2000  }
0x6a: {  	[sflag:s9] =	ssyncset.done $0x0  }
0x6b: {  	s3 =	rddreg [dreg:$0xb];
	[sflag:s9] =	ssyncadd.s32 $0xFFFFE000  }
0x6c: {  	[hbm4b:s3+s2] =	stream.linear.scatter [tilespmem:s8], [sflag:$0x5], $0x2000, $0x38;
	[tilespmem:$0x1E800] =	vst v63  }
0x6d: {  	_ =	swait.ge [sflag:s9], $0x2000  }
0x6e: {  	[sflag:s9] =	ssyncset.done $0x0  }
0x6f: {  	s4 =	rddreg [dreg:$0x16];
	[sflag:s9] =	ssyncadd.s32 $0xFFFFE000  }
0x70: {  	[tilespmem:s8], [sflag:$0x5] =	stream.linear.gather [spmem:s4], $0x2000, $0x38;
	[tilespmem:$0x1E800] =	vst v63  }
0x71: {  	_ =	swait.ge [sflag:s9], $0x2000  }
0x72: {  	[sflag:s9] =	ssyncset.done $0x0  }
0x73: {  	s5 =	rddreg [dreg:$0xc];
	[sflag:s9] =	ssyncadd.s32 $0xFFFFE000  }
0x74: {  	[hbm4b:s5+s2] =	stream.linear.scatter [tilespmem:s8], [sflag:$0x5], $0x2000, $0x38;
	[tilespmem:$0x1E800] =	vst v63  }
0x75: {  	_ =	swait.ge [sflag:s9], $0x2000  }
0x76: {  	[sflag:s9] =	ssyncset.done $0x0  }
0x77: {  	s6 =	rddreg [dreg:$0x17];
	[sflag:s9] =	ssyncadd.s32 $0xFFFFE000  }
0x78: {  	[tilespmem:s8], [sflag:$0x5] =	stream.linear.gather [spmem:s6], $0x2000, $0x38;
	[tilespmem:$0x1E800] =	vst v63  }
0x79: {  	_ =	swait.ge [sflag:s9], $0x2000  }
0x7a: {  	[sflag:s9] =	ssyncset.done $0x0  }
0x7b: {  	s11 =	rddreg [dreg:$0xd];
	[sflag:s9] =	ssyncadd.s32 $0xFFFFE000  }
0x7c: {  	[hbm4b:s11+s2] =	stream.linear.scatter [tilespmem:s8], [sflag:$0x5], $0x2000, $0x38;
	[tilespmem:$0x1E800] =	vst v63  }
0x7d: {  	_ =	swait.ge [sflag:s9], $0x2000  }
0x7e: {  	s29 =	sadd.s32 $0x1, s29;
	s31 =	rddreg [dreg:$0xe]  }
0x7f: {  	p0 =	sne.s32 s29, s31  }
.Ltmp1:
0x80: {  	_ = 	snop;
	(pc) =	sbr.rel @!p0 .LBB2_9-.Ltmp1, $3  }
0x81: {  	_ =	sdelay $0x1  }
0x82: {  	[sflag:s9] =	ssyncset.done $0x0  }
0x83: {  	[sflag:s9] =	ssyncadd.s32 $0xFFFFE000  }
.LBB2_1:
0x84: {  	s0 =	simm.s32 $0x0;
	s11 =	simm.s32 $0x200  }
.LBB2_2:
0x85: {  	p0 =	sne.s32 s11, $0x7E00;
	[tilespmem:s0+$0x2870] =	vst v0  }
0x86: {  	[tilespmem:s0+$0x2800] =	vst v0  }
0x87: {  	[tilespmem:s0+$0x2810] =	vst v0  }
.Ltmp2:
0x88: {  	[tilespmem:s0+$0x2820] =	vst v0;
	(pc) =	sbr.rel @p0 .LBB2_2-.Ltmp2, $4  }
0x89: {  	[tilespmem:s0+$0x2830] =	vst v0  }
0x8a: {  	[tilespmem:s0+$0x2840] =	vst v0  }
0x8b: {  	[tilespmem:s0+$0x2850] =	vst v0  }
0x8c: {  	[tilespmem:s0+$0x2860] =	vst v0;
	s0 =	sshra.s32 s11, $0x2;
	s11 =	sadd.s32 $0x200, s11  }
0x8d: {  	[tilespmem:s0+$0x2870] =	vst v0  }
0x8e: {  	[tilespmem:s0+$0x2800] =	vst v0  }
0x8f: {  	[tilespmem:s0+$0x2810] =	vst v0  }
0x90: {  	[tilespmem:s0+$0x2820] =	vst v0  }
0x91: {  	[tilespmem:s0+$0x2830] =	vst v0  }
0x92: {  	[tilespmem:s0+$0x2840] =	vst v0  }
0x93: {  	[tilespmem:s0+$0x2850] =	vst v0  }
0x94: {  	[tilespmem:s0+$0x2860] =	vst v0  }
0x95: {  	[spmem:s17] =	stream.linear.scatter [tilespmem:s8], [sflag:$0x5], $0x2000, $0x38;
	[tilespmem:$0x1E800] =	vst v63  }
0x96: {  	_ =	swait.ge [sflag:s9], $0x2000  }
0x97: {  	[sflag:s9] =	ssyncset.done $0x0  }
0x98: {  	s5 =	rddreg [dreg:$0x18];
	[sflag:s9] =	ssyncadd.s32 $0xFFFFE000  }
0x99: {  	[spmem:s5] =	stream.linear.scatter [tilespmem:s8], [sflag:$0x5], $0x2000, $0x38;
	[tilespmem:$0x1E800] =	vst v63  }
0x9a: {  	_ =	swait.ge [sflag:s9], $0x2000  }
0x9b: {  	[sflag:s9] =	ssyncset.done $0x0  }
0x9c: {  	s6 =	rddreg [dreg:$0x19];
	[sflag:s9] =	ssyncadd.s32 $0xFFFFE000  }
0x9d: {  	[spmem:s6] =	stream.linear.scatter [tilespmem:s8], [sflag:$0x5], $0x2000, $0x38;
	[tilespmem:$0x1E800] =	vst v63  }
0x9e: {  	_ =	swait.ge [sflag:s9], $0x2000  }
0x9f: {  	[sflag:s9] =	ssyncset.done $0x0  }
0xa0: {  	s11 =	rddreg [dreg:$0x1a];
	[sflag:s9] =	ssyncadd.s32 $0xFFFFE000  }
0xa1: {  	[spmem:s11] =	stream.linear.scatter [tilespmem:s8], [sflag:$0x5], $0x2000, $0x38;
	[tilespmem:$0x1E800] =	vst v63  }
0xa2: {  	_ =	swait.ge [sflag:s9], $0x2000  }
0xa3: {  	[sflag:s9] =	ssyncset.done $0x0  }
0xa4: {  	s3 =	rddreg [dreg:$0x1b];
	[sflag:s9] =	ssyncadd.s32 $0xFFFFE000  }
0xa5: {  	[spmem:s3] =	stream.linear.scatter [tilespmem:s8], [sflag:$0x5], $0x2000, $0x38;
	[tilespmem:$0x1E800] =	vst v63  }
0xa6: {  	_ =	swait.ge [sflag:s9], $0x2000  }
0xa7: {  	[sflag:s9] =	ssyncset.done $0x0  }
0xa8: {  	s4 =	rddreg [dreg:$0x1c];
	[sflag:s9] =	ssyncadd.s32 $0xFFFFE000  }
0xa9: {  	[spmem:s4] =	stream.linear.scatter [tilespmem:s8], [sflag:$0x5], $0x2000, $0x38;
	[tilespmem:$0x1E800] =	vst v63  }
0xaa: {  	_ =	swait.ge [sflag:s9], $0x2000  }
0xab: {  	[sflag:s9] =	ssyncset.done $0x0  }
0xac: {  	s5 =	rddreg [dreg:$0x1d];
	[sflag:s9] =	ssyncadd.s32 $0xFFFFE000  }
0xad: {  	[spmem:s5] =	stream.linear.scatter [tilespmem:s8], [sflag:$0x5], $0x2000, $0x38;
	[tilespmem:$0x1E800] =	vst v63  }
0xae: {  	_ =	swait.ge [sflag:s9], $0x2000  }
0xaf: {  	[sflag:s9] =	ssyncset.done $0x0  }
0xb0: {  	s6 =	rddreg [dreg:$0x1e];
	[sflag:s9] =	ssyncadd.s32 $0xFFFFE000  }
0xb1: {  	[spmem:s6] =	stream.linear.scatter [tilespmem:s8], [sflag:$0x5], $0x2000, $0x38;
	[tilespmem:$0x1E800] =	vst v63  }
0xb2: {  	_ =	swait.ge [sflag:s9], $0x2000  }
0xb3: {  	[sflag:s9] =	ssyncset.done $0x0  }
0xb4: {  	s11 =	rddreg [dreg:$0x1f];
	[sflag:s9] =	ssyncadd.s32 $0xFFFFE000  }
0xb5: {  	[spmem:s11] =	stream.linear.scatter [tilespmem:s8], [sflag:$0x5], $0x2000, $0x38;
	[tilespmem:$0x1E800] =	vst v63  }
0xb6: {  	_ =	swait.ge [sflag:s9], $0x2000  }
0xb7: {  	[sflag:s9] =	ssyncset.done $0x0  }
0xb8: {  	[sflag:s9] =	ssyncadd.s32 $0xFFFFE000  }
0xb9: {  	[spmem:s7] =	stream.linear.scatter [tilespmem:s8], [sflag:$0x5], $0x2000, $0x38;
	[tilespmem:$0x1E800] =	vst v63  }
.Ltmp3:
0xba: {  	_ =	swait.ge [sflag:s9], $0x2000;
	(pc) =	sbr.rel .LBB2_4-.Ltmp3, $4  }
0xbb: {  	[sflag:s9] =	ssyncset.done $0x0  }
0xbc: {  	[sflag:s9] =	ssyncadd.s32 $0xFFFFE000  }
0xbd: {  	[bflag:$0x0] =	sbarrier.arrive $0xFFFF  }
0xbe: {  	s31 =	simm.s32 $0x0  }
.LBB2_7:
0xbf: {  	_ =	swait.ge [sflag:s28], $0x2000;
	s31 =	sadd.s32 $0x1, s31  }
0xc0: {  	[sflag:s28] =	ssyncset.done $0x0;
	p0 =	sne.s32 s31, $0x4  }
.Ltmp4:
0xc1: {  	[sflag:s28] =	ssyncadd.s32 $0xFFFFE000;
	(pc) =	sbr.rel @!p0 .LBB2_8-.Ltmp4, $4  }
0xc2: {  	[spmem:s13] =	stream.indirect.scatter.add.f32 [tilespmem:s23], [sflag:$0x5], $0x80, s3, s12, $0xb8;
	[tilespmem:$0x1E800] =	vst v63  }
0xc3: {  	_ =	swait.ge [sflag:s9], $0x2000  }
0xc4: {  	[sflag:s9] =	ssyncset.done $0x0  }
0xc5: {  	[sflag:s9] =	ssyncadd.s32 $0xFFFFE000  }
.LBB2_4:
0xc6: {  	s0 =	smul.u32 $0x28, s31;
	_ =	sdelay $0x1  }
0xc7: {  	s0 =	sadd.s32 s18, s0  }
0xc8: {  	s0 =	sshll.u32 s0, $0x4  }
0xc9: {  	s3 =	sadd.s32 s16, s0  }
0xca: {  	[tilespmem:s30], [sflag:$0x5] =	stream.linear.gather [hbm4b:s3+s30], $0x1400, $0x38;
	[tilespmem:$0x1E800] =	vst v63  }
0xcb: {  	_ =	swait.ge [sflag:s9], $0x1400  }
0xcc: {  	[sflag:s9] =	ssyncset.done $0x0  }
0xcd: {  	s0 =	sadd.s32 s1, s0;
	[sflag:s9] =	ssyncadd.s32 $0xFFFFEC00  }
0xce: {  	[tilespmem:s10], [sflag:$0x5] =	stream.linear.gather [hbm4b:s0+s30], $0x1400, $0x38;
	[tilespmem:$0x1E800] =	vst v63  }
0xcf: {  	_ =	swait.ge [sflag:s9], $0x1400  }
0xd0: {  	[sflag:s9] =	ssyncset.done $0x0  }
0xd1: {  	[sflag:s9] =	ssyncadd.s32 $0xFFFFEC00  }
0xd2: {  	[tilespmem:s8], [sflag:$0x1] =	stream.indirect.gather [hbm4b:s15+s12], $0x80, s30, s12, $0xb8;
	[tilespmem:$0x1E800] =	vst v63  }
0xd3: {  	_ = 	snop  }
0xd4: {  	[tilespmem:s19], [sflag:$0x2] =	stream.indirect.gather [hbm4b:s15+s12], $0x80, s14, s12, $0xb8;
	[tilespmem:$0x1E800] =	vst v63  }
0xd5: {  	_ = 	snop  }
0xd6: {  	[tilespmem:s21], [sflag:$0x3] =	stream.indirect.gather [hbm4b:s15+s12], $0x80, s20, s12, $0xb8;
	[tilespmem:$0x1E800] =	vst v63  }
0xd7: {  	s11 =	simm.s32 $0x0  }
0xd8: {  	[tilespmem:s23], [sflag:$0x4] =	stream.indirect.gather [hbm4b:s15+s12], $0x80, s22, s12, $0xb8;
	[tilespmem:$0x1E800] =	vst v63  }
.LBB2_5:
0xd9: {  	_ =	swait.ge [sflag:s24], $0x2000  }
0xda: {  	s0 =	sshra.s32 s11, $0x2;
	[sflag:s24] =	ssyncset.done $0x0  }
0xdb: {  	s3 =	sadd.s32 $0x1400, s0;
	[sflag:s24] =	ssyncadd.s32 $0xFFFFE000  }
0xdc: {  	[spmem:s13] =	stream.indirect.scatter.add.f32 [tilespmem:s8], [sflag:$0x5], $0x80, s3, s12, $0xb8;
	[tilespmem:$0x1E800] =	vst v63  }
0xdd: {  	_ =	swait.ge [sflag:s9], $0x2000  }
0xde: {  	[sflag:s9] =	ssyncset.done $0x0  }
0xdf: {  	s4 =	sadd.s32 $0x200, s0;
	[sflag:s9] =	ssyncadd.s32 $0xFFFFE000  }
0xe0: {  	[tilespmem:s8], [sflag:$0x1] =	stream.indirect.gather [hbm4b:s15+s12], $0x80, s4, s12, $0xb8;
	[tilespmem:$0x1E800] =	vst v63  }
0xe1: {  	_ =	swait.ge [sflag:s25], $0x2000  }
0xe2: {  	[sflag:s25] =	ssyncset.done $0x0  }
0xe3: {  	s5 =	sadd.s32 $0x1480, s0;
	[sflag:s25] =	ssyncadd.s32 $0xFFFFE000  }
0xe4: {  	[spmem:s13] =	stream.indirect.scatter.add.f32 [tilespmem:s19], [sflag:$0x5], $0x80, s5, s12, $0xb8;
	[tilespmem:$0x1E800] =	vst v63  }
0xe5: {  	_ =	swait.ge [sflag:s9], $0x2000  }
0xe6: {  	[sflag:s9] =	ssyncset.done $0x0  }
0xe7: {  	s6 =	sadd.s32 $0x280, s0;
	[sflag:s9] =	ssyncadd.s32 $0xFFFFE000  }
0xe8: {  	[tilespmem:s19], [sflag:$0x2] =	stream.indirect.gather [hbm4b:s15+s12], $0x80, s6, s12, $0xb8;
	[tilespmem:$0x1E800] =	vst v63  }
0xe9: {  	_ =	swait.ge [sflag:s26], $0x2000  }
0xea: {  	[sflag:s26] =	ssyncset.done $0x0  }
0xeb: {  	s4 =	sadd.s32 $0x1500, s0;
	[sflag:s26] =	ssyncadd.s32 $0xFFFFE000  }
0xec: {  	[spmem:s13] =	stream.indirect.scatter.add.f32 [tilespmem:s21], [sflag:$0x5], $0x80, s4, s12, $0xb8;
	[tilespmem:$0x1E800] =	vst v63  }
0xed: {  	_ =	swait.ge [sflag:s9], $0x2000  }
0xee: {  	[sflag:s9] =	ssyncset.done $0x0  }
0xef: {  	s5 =	sadd.s32 $0x300, s0;
	[sflag:s9] =	ssyncadd.s32 $0xFFFFE000  }
0xf0: {  	[tilespmem:s21], [sflag:$0x3] =	stream.indirect.gather [hbm4b:s15+s12], $0x80, s5, s12, $0xb8;
	[tilespmem:$0x1E800] =	vst v63  }
0xf1: {  	_ =	swait.ge [sflag:s28], $0x2000  }
0xf2: {  	[sflag:s28] =	ssyncset.done $0x0  }
0xf3: {  	s6 =	sadd.s32 $0x1580, s0;
	[sflag:s28] =	ssyncadd.s32 $0xFFFFE000  }
0xf4: {  	[spmem:s13] =	stream.indirect.scatter.add.f32 [tilespmem:s23], [sflag:$0x5], $0x80, s6, s12, $0xb8;
	[tilespmem:$0x1E800] =	vst v63  }
0xf5: {  	_ =	swait.ge [sflag:s9], $0x2000  }
0xf6: {  	[sflag:s9] =	ssyncset.done $0x0  }
0xf7: {  	s4 =	sadd.s32 $0x380, s0;
	[sflag:s9] =	ssyncadd.s32 $0xFFFFE000  }
0xf8: {  	[tilespmem:s23], [sflag:$0x4] =	stream.indirect.gather [hbm4b:s15+s12], $0x80, s4, s12, $0xb8;
	[tilespmem:$0x1E800] =	vst v63  }
0xf9: {  	_ =	swait.ge [sflag:s24], $0x2000  }
0xfa: {  	[sflag:s24] =	ssyncset.done $0x0  }
0xfb: {  	s5 =	sadd.s32 $0x1600, s0;
	[sflag:s24] =	ssyncadd.s32 $0xFFFFE000  }
0xfc: {  	[spmem:s13] =	stream.indirect.scatter.add.f32 [tilespmem:s8], [sflag:$0x5], $0x80, s5, s12, $0xb8;
	[tilespmem:$0x1E800] =	vst v63  }
0xfd: {  	_ =	swait.ge [sflag:s9], $0x2000  }
0xfe: {  	p0 =	seq.s32 s11, $0x4000;
	[sflag:s9] =	ssyncset.done $0x0  }
0xff: {  	s3 =	simm.s32 @p0 $0x2;
	[sflag:s9] =	ssyncadd.s32 $0xFFFFE000  }
0x100: {  	_ =	swait.ge @p0 [sflag:s3], $0x2000  }
0x101: {  	[sflag:s3] =	ssyncset.done @p0 $0x0  }
0x102: {  	[sflag:s3] =	ssyncadd.s32 @p0 $0xFFFFE000;
	s3 =	sshra.s32 @p0 s11, $0x2  }
0x103: {  	s4 =	simm.s32 @p0 $0x40;
	s5 =	simm.s32 @p0 $0x4800;
	s3 =	sadd.s32 @p0 $0x1680, s3  }
0x104: {  	[spmem:s13] =	stream.indirect.scatter.add.f32 @p0 [tilespmem:s5], [sflag:$0x5], $0x80, s3, s4, $0xb8;
	[tilespmem:$0x1E800] =	vst v63  }
0x105: {  	s3 =	simm.s32 @p0 $0x5  }
0x106: {  	_ =	swait.ge @p0 [sflag:s3], $0x2000  }
0x107: {  	[sflag:s3] =	ssyncset.done @p0 $0x0  }
0x108: {  	[sflag:s3] =	ssyncadd.s32 @p0 $0xFFFFE000;
	s3 =	sshra.s32 @!p0 s11, $0x2  }
0x109: {  	s6 =	simm.s32 @!p0 $0x2800;
	s5 =	simm.s32 @!p0 $0x40;
	s4 =	sadd.s32 @!p0 $0x400, s3  }
0x10a: {  	[tilespmem:s6], [sflag:$0x1] =	stream.indirect.gather @!p0 [hbm4b:s15+s5], $0x80, s4, s5, $0xb8;
	[tilespmem:$0x1E800] =	vst v63  }
0x10b: {  	s4 =	simm.s32 @!p0 $0x2  }
0x10c: {  	_ =	swait.ge @!p0 [sflag:s4], $0x2000  }
0x10d: {  	[sflag:s4] =	ssyncset.done @!p0 $0x0  }
0x10e: {  	s6 =	simm.s32 @!p0 $0x4800;
	[sflag:s4] =	ssyncadd.s32 @!p0 $0xFFFFE000;
	s4 =	sadd.s32 @!p0 $0x1680, s3  }
0x10f: {  	[spmem:s13] =	stream.indirect.scatter.add.f32 @!p0 [tilespmem:s6], [sflag:$0x5], $0x80, s4, s5, $0xb8;
	[tilespmem:$0x1E800] =	vst v63  }
0x110: {  	s4 =	simm.s32 @!p0 $0x5  }
0x111: {  	_ =	swait.ge @!p0 [sflag:s4], $0x2000  }
0x112: {  	[sflag:s4] =	ssyncset.done @!p0 $0x0  }
0x113: {  	s3 =	sadd.s32 @!p0 $0x480, s3;
	[sflag:s4] =	ssyncadd.s32 @!p0 $0xFFFFE000  }
0x114: {  	[tilespmem:s6], [sflag:$0x2] =	stream.indirect.gather @!p0 [hbm4b:s15+s5], $0x80, s3, s5, $0xb8;
	[tilespmem:$0x1E800] =	vst v63  }
0x115: {  	_ =	swait.ge [sflag:s26], $0x2000  }
0x116: {  	[sflag:s26] =	ssyncset.done $0x0  }
.Ltmp5:
0x117: {  	s6 =	sadd.s32 $0x1700, s0;
	[sflag:s26] =	ssyncadd.s32 $0xFFFFE000;
	(pc) =	sbr.rel @p0 .LBB2_7-.Ltmp5, $4  }
0x118: {  	[spmem:s13] =	stream.indirect.scatter.add.f32 [tilespmem:s21], [sflag:$0x5], $0x80, s6, s12, $0xb8;
	[tilespmem:$0x1E800] =	vst v63  }
0x119: {  	_ =	swait.ge [sflag:s9], $0x2000  }
0x11a: {  	[sflag:s9] =	ssyncset.done $0x0  }
0x11b: {  	s3 =	sadd.s32 $0x1780, s0;
	[sflag:s9] =	ssyncadd.s32 $0xFFFFE000  }
0x11c: {  	s4 =	sadd.s32 $0x500, s0  }
0x11d: {  	[tilespmem:s21], [sflag:$0x3] =	stream.indirect.gather [hbm4b:s15+s12], $0x80, s4, s12, $0xb8;
	[tilespmem:$0x1E800] =	vst v63  }
0x11e: {  	_ =	swait.ge [sflag:s28], $0x2000  }
0x11f: {  	[sflag:s28] =	ssyncset.done $0x0  }
0x120: {  	[sflag:s28] =	ssyncadd.s32 $0xFFFFE000  }
0x121: {  	[spmem:s13] =	stream.indirect.scatter.add.f32 [tilespmem:s23], [sflag:$0x5], $0x80, s3, s12, $0xb8;
	[tilespmem:$0x1E800] =	vst v63  }
.Ltmp6:
0x122: {  	_ = 	snop;
	(pc) =	sbr.rel .LBB2_5-.Ltmp6, $4  }
0x123: {  	_ =	swait.ge [sflag:s9], $0x2000  }
0x124: {  	[sflag:s9] =	ssyncset.done $0x0  }
0x125: {  	s6 =	sadd.s32 $0x580, s0;
	s11 =	sadd.s32 $0x1000, s11;
	[sflag:s9] =	ssyncadd.s32 $0xFFFFE000  }
0x126: {  	[tilespmem:s23], [sflag:$0x4] =	stream.indirect.gather [hbm4b:s15+s12], $0x80, s6, s12, $0xb8;
	[tilespmem:$0x1E800] =	vst v63  }
.LBB2_9:
0x127: {  	_ =	sfence.sel $0x180000  }
0x128: {  	[bflag:$0x0] =	sbarrier.arrive $0xFFFF  }
0x129: {  	_ =	strace $0x9000004A  }
0x12a: {  	s0 =	stileid.u32;
	[bflag:$0x2] =	sbarrier.arrive $0xFFFF  }
0x12b: {  	p0 =	sne.s32 s0, $0x0;
	s0 =	rddreg [dreg:$0x3]  }
0x12c: {  	s0 =	sadd.s32 @!p0 $0x100000, s0  }
0x12d: {  	[sflag:s0] =	ssyncadd.tile.s32 @!p0 $0x1;
	_ =	shalt  }
.Lfunc_end2:
_tile_overlayer_lowered:
.L_overlay_start_2:
0x12e: {  	(tag) =	ssettag $0x2  }
0x12f: {  	s0 =	rddreg [dreg:$0x0];
	s2 =	stileid.u32  }
0x130: {  	s1 =	rddreg [dreg:$0x1];
	p0 =	sne.s32 s2, $0x0  }
0x131: {  	s3 =	rddreg [dreg:$0x2];
	[bflag:$0x3] =	sbarrier.arrive $0xFFFF;
	s2 =	simm.s32 @!p0 $0x1C05  }
0x132: {  	[timem:s3], [sflag:s2] =	dma.local @!p0 [hbm:s0], s1  }
0x133: {  	s0 =	simm.s32 @!p0 $0x5  }
0x134: {  	_ =	swait.ge @!p0 [sflag:s0], s1  }
0x135: {  	s1 =	ssub.s32 @!p0 $0x0, s1;
	[sflag:s0] =	ssyncset.done @!p0 $0x0  }
0x136: {  	[sflag:s0] =	ssyncadd.s32 @!p0 s1  }
0x137: {  	[bflag:$0x3] =	sbarrier.arrive $0xFFFF  }
0x138: {  	_ =	shalt  }

// kernel: kernel.16.cloned.1.call-start
scs
__scs_entry_jumppad:
0x0: {  	(pc) =	sbr.rel $0x88, $3  }
0x1: {  	(tag) =	ssettag $0x0;
	lr =	simm.s32 $0x1  }
0x2: {  	[smem:$0x3F9D] =	sst lr;
	_ =	strace $0xD0000000  }
0x3: {  	_ = 	snop  }
0x4: {  	_ = 	snop  }
0x5: {  	_ = 	snop  }
0x6: {  	_ = 	snop  }
0x7: {  	_ = 	snop  }
__scs_overlays_trampoline_lowered:
0x8: {  	[smem:$0x3FAC] =	sst s0  }
0x9: {  	[smem:$0x3FAD] =	sst s1  }
0xa: {  	[smem:$0x3FAE] =	sst s2  }
0xb: {  	[smem:$0x3FAF] =	sst s3  }
0xc: {  	[smem:$0x3FB0] =	sst s4  }
0xd: {  	[smem:$0x3FB1] =	sst s5  }
0xe: {  	[smem:$0x3FB2] =	sst s6  }
0xf: {  	[smem:$0x3FB3] =	sst s7  }
0x10: {  	[smem:$0x3FB4] =	sst s8  }
0x11: {  	[smem:$0x3FB5] =	sst s9;
	s0 =	simm.s32 @!p0 $0x0  }
0x12: {  	s1 =	sld [smem:$0x3F9B];
	s0 =	simm.s32 @p0 $0x1  }
0x13: {  	[smem:$0x3FB6] =	sst s0;
	s0 =	simm.s32 @!p1 $0x0  }
0x14: {  	s2 =	sld [smem:$0x3F9A];
	s0 =	simm.s32 @p1 $0x1  }
0x15: {  	[smem:$0x3FB7] =	sst s0;
	s0 =	simm.s32 @!p2 $0x0  }
0x16: {  	s3 =	sld [smem:$0x3FDB];
	s0 =	simm.s32 @p2 $0x1  }
0x17: {  	s4 =	simm.s32 $0x1BF5;
	[smem:$0x3FB9] =	sst s0  }
0x18: {  	s0 =	sld [smem:$0x3F9C];
	_ =	swait.ge [sflag:s4], $0x0  }
0x19: {  	s7 =	sld [smem:$0x3F9D]  }
0x1a: {  	s8 =	sadd.s32 $0xFFFFE003, lr  }
0x1b: {  	s9 =	sadd.s32 $0xFFFFFEF7, lr;
	s5 =	simm.s32 $0xFFFFFFFF;
	p2 =	slt.u32 s8, $0xFFFFF086  }
0x1c: {  	p1 =	slt.u32 s9, $0xF7A;
	s5 =	simm.s32 @!p2 $0x0  }
0x1d: {  	s5 =	simm.s32 @p1 $0x1;
	p0 =	seq.s32 s7, s2  }
0x1e: {  	s7 =	smul.u32 @!p0 $0xF7A, s2;
	p2 =	seq.s32 @!p0 s5, $0x0  }
0x1f: {  	s9 =	smul.u32 $0xF7A, s1;
	s8 =	simm.s32 @!p0 $0x1BF5;
	p2 =	por !p2, p0  }
0x20: {  	[sflag:s8] =	ssyncset.s32 @!p0 $0xFFFFF086;
	s6 =	sadd.s32 @!p0 s3, s7;
	s7 =	simm.s32 @!p0 $0x108  }
0x21: {  	s3 =	sadd.s32 s3, s9;
	s6 =	sadd.s32 @!p0 $0x88, s6;
	s7 =	simm.s32 @p2 $0x1082  }
0x22: {  	[simem:s7], [sflag:s8] =	dma.local @!p0 [hbm:s6], $0xF7A  }
0x23: {  	s9 =	sor.u32 $0xD0000000, s2;
	s6 =	simm.s32 $0x108;
	_ =	swait.ge @!p0 [sflag:s8], $0x0  }
0x24: {  	s3 =	sadd.s32 $0x88, s3;
	s6 =	simm.s32 @!p1 $0x1082;
	[sflag:s4] =	ssyncset.s32 $0xFFFFF086  }
0x25: {  	[simem:s6], [sflag:s4] =	dma.local [hbm:s3], $0xF7A  }
0x26: {  	[smem:$0x3F9D] =	sst s1;
	(tag) =	ssettag s2;
	_ =	strace s9  }
0x27: {  	s1 =	sld [smem:$0x3FAD]  }
0x28: {  	s2 =	sld [smem:$0x3FAE]  }
0x29: {  	s4 =	sld [smem:$0x3FB0]  }
0x2a: {  	p0 =	seq.s32 s5, $0x0;
	s5 =	sld [smem:$0x3FB1]  }
0x2b: {  	s6 =	sld [smem:$0x3FB2]  }
0x2c: {  	s7 =	sld [smem:$0x3FB3]  }
0x2d: {  	s3 =	simm.s32 $0x108;
	s8 =	sld [smem:$0x3FB4]  }
0x2e: {  	s3 =	simm.s32 @!p0 $0x1082;
	s9 =	sld [smem:$0x3FB5]  }
0x2f: {  	lr =	sadd.s32 s0, s3;
	s0 =	sld [smem:$0x3FAC]  }
0x30: {  	s3 =	sld [smem:$0x3FAF]  }
0x31: {  	[smem:$0x3FB8] =	sst s10  }
0x32: {  	s10 =	sld [smem:$0x3FB6];
	_ =	sdelay $0x3  }
0x33: {  	p0 =	seq.s32 s10, $0x1;
	s10 =	sld [smem:$0x3FB8];
	_ =	sdelay $0x3  }
0x34: {  	[smem:$0x3FB8] =	sst s10  }
0x35: {  	s10 =	sld [smem:$0x3FB7];
	_ =	sdelay $0x3  }
0x36: {  	p1 =	seq.s32 s10, $0x1;
	s10 =	sld [smem:$0x3FB8];
	_ =	sdelay $0x3  }
0x37: {  	[smem:$0x3FB8] =	sst s10  }
0x38: {  	s10 =	sld [smem:$0x3FB9]  }
0x39: {  	_ = 	snop;
	(pc) =	sbr.ind lr, $3  }
0x3a: {  	_ = 	snop  }
0x3b: {  	_ = 	snop  }
0x3c: {  	p2 =	seq.s32 s10, $0x1;
	s10 =	sld [smem:$0x3FB8]  }
0x3d: {  	_ =	shalt  }
0x3e: {  	_ =	shalt  }
0x3f: {  	_ =	shalt  }
0x40: {  	_ =	shalt  }
0x41: {  	_ =	shalt  }
0x42: {  	_ =	shalt  }
0x43: {  	_ =	shalt  }
0x44: {  	_ =	shalt  }
0x45: {  	_ =	shalt  }
0x46: {  	_ =	shalt  }
0x47: {  	_ =	shalt  }
0x48: {  	_ =	shalt  }
0x49: {  	_ =	shalt  }
0x4a: {  	_ =	shalt  }
0x4b: {  	_ =	shalt  }
0x4c: {  	_ =	shalt  }
0x4d: {  	_ =	shalt  }
0x4e: {  	_ =	shalt  }
0x4f: {  	_ =	shalt  }
0x50: {  	_ =	shalt  }
0x51: {  	_ =	shalt  }
0x52: {  	_ =	shalt  }
0x53: {  	_ =	shalt  }
0x54: {  	_ =	shalt  }
0x55: {  	_ =	shalt  }
0x56: {  	_ =	shalt  }
0x57: {  	_ =	shalt  }
0x58: {  	_ =	shalt  }
0x59: {  	_ =	shalt  }
0x5a: {  	_ =	shalt  }
0x5b: {  	_ =	shalt  }
0x5c: {  	_ =	shalt  }
0x5d: {  	_ =	shalt  }
0x5e: {  	_ =	shalt  }
0x5f: {  	_ =	shalt  }
0x60: {  	_ =	shalt  }
0x61: {  	_ =	shalt  }
0x62: {  	_ =	shalt  }
0x63: {  	_ =	shalt  }
0x64: {  	_ =	shalt  }
0x65: {  	_ =	shalt  }
0x66: {  	_ =	shalt  }
0x67: {  	_ =	shalt  }
0x68: {  	_ =	shalt  }
0x69: {  	_ =	shalt  }
0x6a: {  	_ =	shalt  }
0x6b: {  	_ =	shalt  }
0x6c: {  	_ =	shalt  }
0x6d: {  	_ =	shalt  }
0x6e: {  	_ =	shalt  }
0x6f: {  	_ =	shalt  }
0x70: {  	_ =	shalt  }
0x71: {  	_ =	shalt  }
0x72: {  	_ =	shalt  }
0x73: {  	_ =	shalt  }
0x74: {  	_ =	shalt  }
0x75: {  	_ =	shalt  }
0x76: {  	_ =	shalt  }
0x77: {  	_ =	shalt  }
0x78: {  	_ =	shalt  }
0x79: {  	_ =	shalt  }
0x7a: {  	_ =	shalt  }
0x7b: {  	_ =	shalt  }
0x7c: {  	_ =	shalt  }
0x7d: {  	_ =	shalt  }
0x7e: {  	_ =	shalt  }
0x7f: {  	_ =	shalt  }
0x80: {  	_ =	shalt  }
0x81: {  	_ =	shalt  }
0x82: {  	_ =	shalt  }
0x83: {  	_ =	shalt  }
0x84: {  	_ =	shalt  }
0x85: {  	_ =	shalt  }
0x86: {  	_ =	shalt  }
0x87: {  	_ =	shalt  }
.Lfunc_end0:
.L_simem_size_0:
called_computation.2_lowered:
.L_overlay_start_0:
0x88: {  	s2 =	sld [smem:$0x3FD9]  }
0x89: {  	s3 =	sld [smem:$0x3FFE];
	_ =	sdelay $0x1  }
0x8a: {  	s1 =	srdreg.scid  }
0x8b: {  	s0 =	sand.u32 $0x1, s1  }
0x8c: {  	s17 =	sshll.u32 s0, $0xA;
	s2 =	sadd.s32 s3, s2  }
0x8d: {  	s2 =	sadd.s32 s2, s17  }
0x8e: {  	[smem:$0x3FC4] =	sst s2  }
0x8f: {  	_ = 	snop  }
0x90: {  	s2 =	sld [smem:$0x3FD0];
	(tm) =	ssettm $0x1  }
0x91: {  	s18 =	sld [smem:$0x3FFB];
	_ =	sdelay $0x3  }
0x92: {  	_ =	strace s18  }
0x93: {  	s3 =	sld [smem:$0x3FFC];
	_ =	sdelay $0x3  }
0x94: {  	_ =	strace s3  }
0x95: {  	s3 =	sld [smem:$0x3FFD];
	_ =	sdelay $0x3  }
0x96: {  	_ =	strace s3  }
0x97: {  	_ =	strace $0x8FFFFFFF  }
0x98: {  	s19 =	sld [smem:$0x3FDB];
	_ =	sdelay $0x1  }
0x99: {  	s4 =	simm.s32 $_scs_section_size  }
0x9a: {  	s5 =	simm.s32 $_size__tile_overlayer_lowered;
	s6 =	simm.s32 $_tile_overlayer_lowered  }
0x9b: {  	s22 =	simm.s32 $0x1BFF;
	s21 =	sshll.u32 s6, $0x1;
	s3 =	sadd.s32 s4, s19  }
0x9c: {  	s7 =	simm.s32 $0x0;
	s20 =	sshll.u32 s5, $0x1;
	s5 =	sadd.s32 s21, s3  }
0x9d: {  	[timem:s7], [sflag:s22] =	dma.local [hbm:s5], s20  }
0x9e: {  	_ =	swait.ge [sflag:s22], s20  }
0x9f: {  	s4 =	ssub.s32 $0x0, s20;
	[sflag:s22] =	ssyncset.done $0x0  }
0xa0: {  	[sflag:s22] =	ssyncadd.s32 s4;
	_ =	sdelay $0x1  }
0xa1: {  	s23 =	simm.s32 $0x1B8B  }
0xa2: {  	_ =	swait.ge [sflag:s23], $0x1  }
0xa3: {  	[sflag:s23] =	ssyncset.done $0x0  }
0xa4: {  	s25 =	simm.s32 $0x1B8E;
	s24 =	sld [smem:$0x3FFE];
	[sflag:s23] =	ssyncadd.s32 $0xFFFFFFFF  }
0xa5: {  	s26 =	simm.s32 $execute0_lowered;
	[smem:$0x3FD2] =	sst s25  }
0xa6: {  	s5 =	sshll.u32 s26, $0x1;
	_ =	strace $0x8000004C;
	[dreg:$0x1] =	wrdreg $0xFFFFFFFF  }
0xa7: {  	s28 =	simm.s32 $_size_execute0_lowered;
	s3 =	sadd.s32 s3, s5;
	[dreg:$0x0] =	wrdreg $0x0  }
0xa8: {  	s5 =	sshll.u32 s28, $0x1;
	[dreg:$0x2] =	wrdreg s3  }
0xa9: {  	[dreg:$0x3] =	wrdreg s5  }
0xaa: {  	[dreg:$0x4] =	wrdreg $0xC0  }
0xab: {  	_ =	task [dreg:s7], $0x5FFFF  }
0xac: {  	[dreg:$0x1] =	wrdreg $0xFFFFFFFF  }
0xad: {  	[dreg:$0x0] =	wrdreg $0x60  }
0xae: {  	[dreg:$0x2] =	wrdreg s24  }
0xaf: {  	[dreg:$0x3] =	wrdreg s2  }
0xb0: {  	[dreg:$0x4] =	wrdreg $0xA8000  }
0xb1: {  	[dreg:$0x5] =	wrdreg $0x9  }
0xb2: {  	_ =	task.clear_ibuf [dreg:s7], $0x6FFFF;
	_ =	strace $0x9000004C  }
0xb3: {  	s29 =	simm.s32 $0x9;
	_ =	strace $0x8000004E  }
0xb4: {  	_ =	swait.ge [sflag:s29], $0x1  }
0xb5: {  	[sflag:s29] =	ssyncadd.s32 $0xFFFFFFFF  }
0xb6: {  	_ =	strace $0x9000004E  }
0xb7: {  	_ =	sfence  }
0xb8: {  	s30 =	sld [smem:$0x0];
	_ =	sdelay $0x2  }
0xb9: {  	s31 =	sshll.u32 s1, $0xD;
	s1 =	sshrl.u32 s1, $0x2  }
0xba: {  	s3 =	sand.u32 $0x4000, s31;
	s1 =	sadd.s32 s1, s30  }
0xbb: {  	s0 =	sor.u32 s3, s0;
	s1 =	sshll.u32 s1, $0x11  }
0xbc: {  	s0 =	sor.u32 s1, s0  }
0xbd: {  	s0 =	sadd.s32 $0x8F2B, s0  }
0xbe: {  	[sflag:s0] =	ssyncadd.remote.s32 $0x1  }
0xbf: {  	_ =	sfence.sel $0xFFFF  }
0xc0: {  	[dreg:$0x0] =	wrdreg $0xFFFFFFFF;
	(pc) =	sbr.abs _section_cstart, $3  }
0xc1: {  	[dreg:$0x1] =	wrdreg $0xFFFFFFFF  }
0xc2: {  	_ =	task.clear_ibuf [dreg:s7], $0x2FFFF;
	_ =	strace $0x9FFFFFFF  }
0xc3: {  	(tm) =	ssettm $0x7FFFFFFF  }
tec
execute0_lowered:
.L_overlay_start_1:
0x0: {  	(tag) =	ssettag $0x1  }
0x1: {  	s0 =	srdreg.scid  }
0x2: {  	s3 =	rddreg [dreg:$0x0];
	s17 =	stileid.u32  }
0x3: {  	s1 =	rddreg [dreg:$0x1];
	s0 =	sand.u32 $0x1, s0;
	s5 =	smul.u32 $0x14000, s17  }
0x4: {  	s2 =	simm.s32 $0x0;
	s4 =	smul.u32 $0x140000, s0;
	s6 =	ssub.s32 $0x2, s0  }
0x5: {  	[smem:$0x7FF] =	sst s2;
	s7 =	sadd.s32 $0x48600, s3;
	s8 =	sshrl.u32 s6, $0x1  }
0x6: {  	s10 =	sadd.s32 $0x4000, s5;
	s12 =	sadd.s32 $0x6000, s5;
	s9 =	sadd.s32 s4, s5  }
0x7: {  	s6 =	ssub.s32 s6, s8;
	s13 =	sshrl.u32 s9, $0x3;
	s9 =	sor.u32 $0x2000, s5  }
0x8: {  	s11 =	sadd.s32 s4, s10;
	s8 =	sadd.s32 s7, s13;
	s14 =	sadd.s32 s4, s9  }
0x9: {  	s16 =	sadd.s32 s4, s12;
	[dreg:$0x4] =	wrdreg s8;
	s8 =	sshrl.u32 s14, $0x3  }
0xa: {  	s15 =	sshrl.u32 s11, $0x3;
	s18 =	sshrl.u32 s16, $0x3;
	s8 =	sadd.s32 s7, s8  }
0xb: {  	s11 =	sadd.s32 $0x8000, s5;
	[dreg:$0x5] =	wrdreg s8;
	s8 =	sadd.s32 s7, s15  }
0xc: {  	s19 =	sadd.s32 s4, s11;
	[dreg:$0x6] =	wrdreg s8;
	s8 =	sadd.s32 s7, s18  }
0xd: {  	s14 =	sadd.s32 $0xA000, s5;
	[dreg:$0x7] =	wrdreg s8;
	s8 =	sshrl.u32 s19, $0x3  }
0xe: {  	s13 =	sadd.s32 s4, s14;
	s19 =	sadd.s32 $0xC000, s5;
	s8 =	sadd.s32 s7, s8  }
0xf: {  	s20 =	sshrl.u32 s13, $0x3;
	s21 =	sadd.s32 s4, s19;
	[dreg:$0x8] =	wrdreg s8  }
0x10: {  	s8 =	sadd.s32 s7, s20;
	s22 =	sshrl.u32 s21, $0x3;
	s20 =	sadd.s32 $0xE000, s5  }
0x11: {  	s21 =	sadd.s32 $0x10000, s5;
	s5 =	sadd.s32 $0x12000, s5;
	[dreg:$0x9] =	wrdreg s8  }
0x12: {  	s8 =	sadd.s32 s7, s22;
	s23 =	sadd.s32 s4, s20;
	s24 =	sadd.s32 s4, s21  }
0x13: {  	s4 =	sadd.s32 s4, s5;
	[dreg:$0xa] =	wrdreg s8;
	s8 =	sshrl.u32 s23, $0x3  }
0x14: {  	s13 =	rddreg [dreg:$0x2];
	s4 =	sshrl.u32 s4, $0x3;
	s8 =	sadd.s32 s7, s8  }
0x15: {  	s25 =	sshrl.u32 s24, $0x3;
	s4 =	sadd.s32 s7, s4;
	[dreg:$0xb] =	wrdreg s8  }
0x16: {  	s8 =	sadd.s32 s7, s25;
	[dreg:$0xd] =	wrdreg s4  }
0x17: {  	s4 =	smax.u32 s6, $0x1;
	[dreg:$0xc] =	wrdreg s8  }
0x18: {  	s6 =	sadd.s32 s9, s13;
	_ =	strace $0x8000004D;
	[dreg:$0xe] =	wrdreg s4  }
0x19: {  	s7 =	sadd.s32 s10, s13;
	[dreg:$0xf] =	wrdreg s6  }
0x1a: {  	s8 =	sadd.s32 s12, s13;
	[dreg:$0x10] =	wrdreg s7  }
0x1b: {  	s9 =	sadd.s32 s11, s13;
	[dreg:$0x11] =	wrdreg s8  }
0x1c: {  	s26 =	smul.u32 $0x50000, s17;
	s10 =	sadd.s32 s14, s13;
	[dreg:$0x12] =	wrdreg s9  }
0x1d: {  	s0 =	sshll.u32 s0, $0x4;
	s11 =	sadd.s32 s19, s13;
	[dreg:$0x13] =	wrdreg s10  }
0x1e: {  	s0 =	sor.u32 s17, s0;
	s12 =	sadd.s32 s20, s13;
	[dreg:$0x14] =	wrdreg s11  }
0x1f: {  	s31 =	sshrl.u32 s26, $0x2;
	s14 =	sadd.s32 s21, s13;
	[dreg:$0x15] =	wrdreg s12  }
0x20: {  	s17 =	sadd.s32 s31, s13;
	s19 =	sadd.s32 s5, s13;
	[dreg:$0x16] =	wrdreg s14  }
0x21: {  	s20 =	sadd.s32 $0x2000, s17;
	[dreg:$0x17] =	wrdreg s19  }
0x22: {  	s21 =	sadd.s32 $0x4000, s17;
	[dreg:$0x18] =	wrdreg s20  }
0x23: {  	s22 =	sadd.s32 $0x6000, s17;
	[dreg:$0x19] =	wrdreg s21  }
0x24: {  	s23 =	sadd.s32 $0x8000, s17;
	[dreg:$0x1a] =	wrdreg s22  }
0x25: {  	s28 =	simm.s32 $0x4;
	s24 =	sadd.s32 $0xA000, s17;
	[dreg:$0x1b] =	wrdreg s23  }
0x26: {  	s29 =	simm.s32 $0x0;
	s25 =	sadd.s32 $0xC000, s17;
	[dreg:$0x1c] =	wrdreg s24  }
0x27: {  	s30 =	simm.s32 $0x0;
	s26 =	sadd.s32 $0xE000, s17;
	[dreg:$0x1d] =	wrdreg s25  }
0x28: {  	s16 =	sadd.s32 $0xC600, s3;
	s31 =	sadd.s32 $0x10000, s17;
	[dreg:$0x1e] =	wrdreg s26  }
0x29: {  	s15 =	sadd.s32 $0x20600, s3;
	s18 =	smul.u32 $0xA0, s0;
	[dreg:$0x1f] =	wrdreg s31  }
.Ltmp0:
0x2a: {  	s7 =	sadd.s32 $0x12000, s17;
	s8 =	simm.s32 $0x2800;
	(pc) =	sbr.rel .LBB2_1-.Ltmp0, $4  }
0x2b: {  	s9 =	simm.s32 $0x5;
	s10 =	simm.s32 $0x1400;
	s12 =	simm.s32 $0x40  }
0x2c: {  	s14 =	simm.s32 $0x80;
	s19 =	simm.s32 $0x4800;
	s20 =	simm.s32 $0x100  }
0x2d: {  	s21 =	simm.s32 $0x6800;
	s22 =	simm.s32 $0x180;
	s23 =	simm.s32 $0x8800  }
0x2e: {  	v0 =	vimm.f32 $0.0e+00;
	s24 =	simm.s32 $0x1;
	s25 =	simm.s32 $0x2;
	s26 =	simm.s32 $0x3  }
.LBB2_8:
0x2f: {  	[bflag:$0x0] =	sbarrier.arrive $0xFFFF  }
0x30: {  	[tilespmem:s8], [sflag:$0x5] =	stream.linear.gather [spmem:s17], $0x2000, $0x38;
	[tilespmem:$0x1E800] =	vst v63  }
0x31: {  	_ =	swait.ge [sflag:s9], $0x2000  }
0x32: {  	[sflag:s9] =	ssyncset.done $0x0  }
0x33: {  	s0 =	rddreg [dreg:$0x4];
	[sflag:s9] =	ssyncadd.s32 $0xFFFFE000  }
0x34: {  	[hbm4b:s0+s2] =	stream.linear.scatter [tilespmem:s8], [sflag:$0x5], $0x2000, $0x38;
	[tilespmem:$0x1E800] =	vst v63  }
0x35: {  	_ =	swait.ge [sflag:s9], $0x2000  }
0x36: {  	[sflag:s9] =	ssyncset.done $0x0  }
0x37: {  	s31 =	rddreg [dreg:$0xf];
	[sflag:s9] =	ssyncadd.s32 $0xFFFFE000  }
0x38: {  	[tilespmem:s8], [sflag:$0x5] =	stream.linear.gather [spmem:s31], $0x2000, $0x38;
	[tilespmem:$0x1E800] =	vst v63  }
0x39: {  	_ =	swait.ge [sflag:s9], $0x2000  }
0x3a: {  	[sflag:s9] =	ssyncset.done $0x0  }
0x3b: {  	s3 =	rddreg [dreg:$0x5];
	[sflag:s9] =	ssyncadd.s32 $0xFFFFE000  }
0x3c: {  	[hbm4b:s3+s2] =	stream.linear.scatter [tilespmem:s8], [sflag:$0x5], $0x2000, $0x38;
	[tilespmem:$0x1E800] =	vst v63  }
0x3d: {  	_ =	swait.ge [sflag:s9], $0x2000  }
0x3e: {  	[sflag:s9] =	ssyncset.done $0x0  }
0x3f: {  	s4 =	rddreg [dreg:$0x10];
	[sflag:s9] =	ssyncadd.s32 $0xFFFFE000  }
0x40: {  	[tilespmem:s8], [sflag:$0x5] =	stream.linear.gather [spmem:s4], $0x2000, $0x38;
	[tilespmem:$0x1E800] =	vst v63  }
0x41: {  	_ =	swait.ge [sflag:s9], $0x2000  }
0x42: {  	[sflag:s9] =	ssyncset.done $0x0  }
0x43: {  	s5 =	rddreg [dreg:$0x6];
	[sflag:s9] =	ssyncadd.s32 $0xFFFFE000  }
0x44: {  	[hbm4b:s5+s2] =	stream.linear.scatter [tilespmem:s8], [sflag:$0x5], $0x2000, $0x38;
	[tilespmem:$0x1E800] =	vst v63  }
0x45: {  	_ =	swait.ge [sflag:s9], $0x2000  }
0x46: {  	[sflag:s9] =	ssyncset.done $0x0  }
0x47: {  	s6 =	rddreg [dreg:$0x11];
	[sflag:s9] =	ssyncadd.s32 $0xFFFFE000  }
0x48: {  	[tilespmem:s8], [sflag:$0x5] =	stream.linear.gather [spmem:s6], $0x2000, $0x38;
	[tilespmem:$0x1E800] =	vst v63  }
0x49: {  	_ =	swait.ge [sflag:s9], $0x2000  }
0x4a: {  	[sflag:s9] =	ssyncset.done $0x0  }
0x4b: {  	s11 =	rddreg [dreg:$0x7];
	[sflag:s9] =	ssyncadd.s32 $0xFFFFE000  }
0x4c: {  	[hbm4b:s11+s2] =	stream.linear.scatter [tilespmem:s8], [sflag:$0x5], $0x2000, $0x38;
	[tilespmem:$0x1E800] =	vst v63  }
0x4d: {  	_ =	swait.ge [sflag:s9], $0x2000  }
0x4e: {  	[sflag:s9] =	ssyncset.done $0x0  }
0x4f: {  	s31 =	rddreg [dreg:$0x12];
	[sflag:s9] =	ssyncadd.s32 $0xFFFFE000  }
0x50: {  	[tilespmem:s8], [sflag:$0x5] =	stream.linear.gather [spmem:s31], $0x2000, $0x38;
	[tilespmem:$0x1E800] =	vst v63  }
0x51: {  	_ =	swait.ge [sflag:s9], $0x2000  }
0x52: {  	[sflag:s9] =	ssyncset.done $0x0  }
0x53: {  	s3 =	rddreg [dreg:$0x8];
	[sflag:s9] =	ssyncadd.s32 $0xFFFFE000  }
0x54: {  	[hbm4b:s3+s2] =	stream.linear.scatter [tilespmem:s8], [sflag:$0x5], $0x2000, $0x38;
	[tilespmem:$0x1E800] =	vst v63  }
0x55: {  	_ =	swait.ge [sflag:s9], $0x2000  }
0x56: {  	[sflag:s9] =	ssyncset.done $0x0  }
0x57: {  	s4 =	rddreg [dreg:$0x13];
	[sflag:s9] =	ssyncadd.s32 $0xFFFFE000  }
0x58: {  	[tilespmem:s8], [sflag:$0x5] =	stream.linear.gather [spmem:s4], $0x2000, $0x38;
	[tilespmem:$0x1E800] =	vst v63  }
0x59: {  	_ =	swait.ge [sflag:s9], $0x2000  }
0x5a: {  	[sflag:s9] =	ssyncset.done $0x0  }
0x5b: {  	s5 =	rddreg [dreg:$0x9];
	[sflag:s9] =	ssyncadd.s32 $0xFFFFE000  }
0x5c: {  	[hbm4b:s5+s2] =	stream.linear.scatter [tilespmem:s8], [sflag:$0x5], $0x2000, $0x38;
	[tilespmem:$0x1E800] =	vst v63  }
0x5d: {  	_ =	swait.ge [sflag:s9], $0x2000  }
0x5e: {  	[sflag:s9] =	ssyncset.done $0x0  }
0x5f: {  	s6 =	rddreg [dreg:$0x14];
	[sflag:s9] =	ssyncadd.s32 $0xFFFFE000  }
0x60: {  	[tilespmem:s8], [sflag:$0x5] =	stream.linear.gather [spmem:s6], $0x2000, $0x38;
	[tilespmem:$0x1E800] =	vst v63  }
0x61: {  	_ =	swait.ge [sflag:s9], $0x2000  }
0x62: {  	[sflag:s9] =	ssyncset.done $0x0  }
0x63: {  	s11 =	rddreg [dreg:$0xa];
	[sflag:s9] =	ssyncadd.s32 $0xFFFFE000  }
0x64: {  	[hbm4b:s11+s2] =	stream.linear.scatter [tilespmem:s8], [sflag:$0x5], $0x2000, $0x38;
	[tilespmem:$0x1E800] =	vst v63  }
0x65: {  	_ =	swait.ge [sflag:s9], $0x2000  }
0x66: {  	[sflag:s9] =	ssyncset.done $0x0  }
0x67: {  	s31 =	rddreg [dreg:$0x15];
	[sflag:s9] =	ssyncadd.s32 $0xFFFFE000  }
0x68: {  	[tilespmem:s8], [sflag:$0x5] =	stream.linear.gather [spmem:s31], $0x2000, $0x38;
	[tilespmem:$0x1E800] =	vst v63  }
0x69: {  	_ =	swait.ge [sflag:s9], $0x2000  }
0x6a: {  	[sflag:s9] =	ssyncset.done $0x0  }
0x6b: {  	s3 =	rddreg [dreg:$0xb];
	[sflag:s9] =	ssyncadd.s32 $0xFFFFE000  }
0x6c: {  	[hbm4b:s3+s2] =	stream.linear.scatter [tilespmem:s8], [sflag:$0x5], $0x2000, $0x38;
	[tilespmem:$0x1E800] =	vst v63  }
0x6d: {  	_ =	swait.ge [sflag:s9], $0x2000  }
0x6e: {  	[sflag:s9] =	ssyncset.done $0x0  }
0x6f: {  	s4 =	rddreg [dreg:$0x16];
	[sflag:s9] =	ssyncadd.s32 $0xFFFFE000  }
0x70: {  	[tilespmem:s8], [sflag:$0x5] =	stream.linear.gather [spmem:s4], $0x2000, $0x38;
	[tilespmem:$0x1E800] =	vst v63  }
0x71: {  	_ =	swait.ge [sflag:s9], $0x2000  }
0x72: {  	[sflag:s9] =	ssyncset.done $0x0  }
0x73: {  	s5 =	rddreg [dreg:$0xc];
	[sflag:s9] =	ssyncadd.s32 $0xFFFFE000  }
0x74: {  	[hbm4b:s5+s2] =	stream.linear.scatter [tilespmem:s8], [sflag:$0x5], $0x2000, $0x38;
	[tilespmem:$0x1E800] =	vst v63  }
0x75: {  	_ =	swait.ge [sflag:s9], $0x2000  }
0x76: {  	[sflag:s9] =	ssyncset.done $0x0  }
0x77: {  	s6 =	rddreg [dreg:$0x17];
	[sflag:s9] =	ssyncadd.s32 $0xFFFFE000  }
0x78: {  	[tilespmem:s8], [sflag:$0x5] =	stream.linear.gather [spmem:s6], $0x2000, $0x38;
	[tilespmem:$0x1E800] =	vst v63  }
0x79: {  	_ =	swait.ge [sflag:s9], $0x2000  }
0x7a: {  	[sflag:s9] =	ssyncset.done $0x0  }
0x7b: {  	s11 =	rddreg [dreg:$0xd];
	[sflag:s9] =	ssyncadd.s32 $0xFFFFE000  }
0x7c: {  	[hbm4b:s11+s2] =	stream.linear.scatter [tilespmem:s8], [sflag:$0x5], $0x2000, $0x38;
	[tilespmem:$0x1E800] =	vst v63  }
0x7d: {  	_ =	swait.ge [sflag:s9], $0x2000  }
0x7e: {  	s29 =	sadd.s32 $0x1, s29;
	s31 =	rddreg [dreg:$0xe]  }
0x7f: {  	p0 =	sne.s32 s29, s31  }
.Ltmp1:
0x80: {  	_ = 	snop;
	(pc) =	sbr.rel @!p0 .LBB2_9-.Ltmp1, $3  }
0x81: {  	_ =	sdelay $0x1  }
0x82: {  	[sflag:s9] =	ssyncset.done $0x0  }
0x83: {  	[sflag:s9] =	ssyncadd.s32 $0xFFFFE000  }
.LBB2_1:
0x84: {  	s0 =	simm.s32 $0x0;
	s11 =	simm.s32 $0x200  }
.LBB2_2:
0x85: {  	p0 =	sne.s32 s11, $0x7E00;
	[tilespmem:s0+$0x2870] =	vst v0  }
0x86: {  	[tilespmem:s0+$0x2800] =	vst v0  }
0x87: {  	[tilespmem:s0+$0x2810] =	vst v0  }
.Ltmp2:
0x88: {  	[tilespmem:s0+$0x2820] =	vst v0;
	(pc) =	sbr.rel @p0 .LBB2_2-.Ltmp2, $4  }
0x89: {  	[tilespmem:s0+$0x2830] =	vst v0  }
0x8a: {  	[tilespmem:s0+$0x2840] =	vst v0  }
0x8b: {  	[tilespmem:s0+$0x2850] =	vst v0  }
0x8c: {  	[tilespmem:s0+$0x2860] =	vst v0;
	s0 =	sshra.s32 s11, $0x2;
	s11 =	sadd.s32 $0x200, s11  }
0x8d: {  	[tilespmem:s0+$0x2870] =	vst v0  }
0x8e: {  	[tilespmem:s0+$0x2800] =	vst v0  }
0x8f: {  	[tilespmem:s0+$0x2810] =	vst v0  }
0x90: {  	[tilespmem:s0+$0x2820] =	vst v0  }
0x91: {  	[tilespmem:s0+$0x2830] =	vst v0  }
0x92: {  	[tilespmem:s0+$0x2840] =	vst v0  }
0x93: {  	[tilespmem:s0+$0x2850] =	vst v0  }
0x94: {  	[tilespmem:s0+$0x2860] =	vst v0  }
0x95: {  	[spmem:s17] =	stream.linear.scatter [tilespmem:s8], [sflag:$0x5], $0x2000, $0x38;
	[tilespmem:$0x1E800] =	vst v63  }
0x96: {  	_ =	swait.ge [sflag:s9], $0x2000  }
0x97: {  	[sflag:s9] =	ssyncset.done $0x0  }
0x98: {  	s5 =	rddreg [dreg:$0x18];
	[sflag:s9] =	ssyncadd.s32 $0xFFFFE000  }
0x99: {  	[spmem:s5] =	stream.linear.scatter [tilespmem:s8], [sflag:$0x5], $0x2000, $0x38;
	[tilespmem:$0x1E800] =	vst v63  }
0x9a: {  	_ =	swait.ge [sflag:s9], $0x2000  }
0x9b: {  	[sflag:s9] =	ssyncset.done $0x0  }
0x9c: {  	s6 =	rddreg [dreg:$0x19];
	[sflag:s9] =	ssyncadd.s32 $0xFFFFE000  }
0x9d: {  	[spmem:s6] =	stream.linear.scatter [tilespmem:s8], [sflag:$0x5], $0x2000, $0x38;
	[tilespmem:$0x1E800] =	vst v63  }
0x9e: {  	_ =	swait.ge [sflag:s9], $0x2000  }
0x9f: {  	[sflag:s9] =	ssyncset.done $0x0  }
0xa0: {  	s11 =	rddreg [dreg:$0x1a];
	[sflag:s9] =	ssyncadd.s32 $0xFFFFE000  }
0xa1: {  	[spmem:s11] =	stream.linear.scatter [tilespmem:s8], [sflag:$0x5], $0x2000, $0x38;
	[tilespmem:$0x1E800] =	vst v63  }
0xa2: {  	_ =	swait.ge [sflag:s9], $0x2000  }
0xa3: {  	[sflag:s9] =	ssyncset.done $0x0  }
0xa4: {  	s3 =	rddreg [dreg:$0x1b];
	[sflag:s9] =	ssyncadd.s32 $0xFFFFE000  }
0xa5: {  	[spmem:s3] =	stream.linear.scatter [tilespmem:s8], [sflag:$0x5], $0x2000, $0x38;
	[tilespmem:$0x1E800] =	vst v63  }
0xa6: {  	_ =	swait.ge [sflag:s9], $0x2000  }
0xa7: {  	[sflag:s9] =	ssyncset.done $0x0  }
0xa8: {  	s4 =	rddreg [dreg:$0x1c];
	[sflag:s9] =	ssyncadd.s32 $0xFFFFE000  }
0xa9: {  	[spmem:s4] =	stream.linear.scatter [tilespmem:s8], [sflag:$0x5], $0x2000, $0x38;
	[tilespmem:$0x1E800] =	vst v63  }
0xaa: {  	_ =	swait.ge [sflag:s9], $0x2000  }
0xab: {  	[sflag:s9] =	ssyncset.done $0x0  }
0xac: {  	s5 =	rddreg [dreg:$0x1d];
	[sflag:s9] =	ssyncadd.s32 $0xFFFFE000  }
0xad: {  	[spmem:s5] =	stream.linear.scatter [tilespmem:s8], [sflag:$0x5], $0x2000, $0x38;
	[tilespmem:$0x1E800] =	vst v63  }
0xae: {  	_ =	swait.ge [sflag:s9], $0x2000  }
0xaf: {  	[sflag:s9] =	ssyncset.done $0x0  }
0xb0: {  	s6 =	rddreg [dreg:$0x1e];
	[sflag:s9] =	ssyncadd.s32 $0xFFFFE000  }
0xb1: {  	[spmem:s6] =	stream.linear.scatter [tilespmem:s8], [sflag:$0x5], $0x2000, $0x38;
	[tilespmem:$0x1E800] =	vst v63  }
0xb2: {  	_ =	swait.ge [sflag:s9], $0x2000  }
0xb3: {  	[sflag:s9] =	ssyncset.done $0x0  }
0xb4: {  	s11 =	rddreg [dreg:$0x1f];
	[sflag:s9] =	ssyncadd.s32 $0xFFFFE000  }
0xb5: {  	[spmem:s11] =	stream.linear.scatter [tilespmem:s8], [sflag:$0x5], $0x2000, $0x38;
	[tilespmem:$0x1E800] =	vst v63  }
0xb6: {  	_ =	swait.ge [sflag:s9], $0x2000  }
0xb7: {  	[sflag:s9] =	ssyncset.done $0x0  }
0xb8: {  	[sflag:s9] =	ssyncadd.s32 $0xFFFFE000  }
0xb9: {  	[spmem:s7] =	stream.linear.scatter [tilespmem:s8], [sflag:$0x5], $0x2000, $0x38;
	[tilespmem:$0x1E800] =	vst v63  }
.Ltmp3:
0xba: {  	_ =	swait.ge [sflag:s9], $0x2000;
	(pc) =	sbr.rel .LBB2_4-.Ltmp3, $4  }
0xbb: {  	[sflag:s9] =	ssyncset.done $0x0  }
0xbc: {  	[sflag:s9] =	ssyncadd.s32 $0xFFFFE000  }
0xbd: {  	[bflag:$0x0] =	sbarrier.arrive $0xFFFF  }
0xbe: {  	s31 =	simm.s32 $0x0  }
.LBB2_7:
0xbf: {  	_ =	swait.ge [sflag:s28], $0x2000;
	s31 =	sadd.s32 $0x1, s31  }
0xc0: {  	[sflag:s28] =	ssyncset.done $0x0;
	p0 =	sne.s32 s31, $0x4  }
.Ltmp4:
0xc1: {  	[sflag:s28] =	ssyncadd.s32 $0xFFFFE000;
	(pc) =	sbr.rel @!p0 .LBB2_8-.Ltmp4, $4  }
0xc2: {  	[spmem:s13] =	stream.indirect.scatter.add.f32 [tilespmem:s23], [sflag:$0x5], $0x80, s3, s12, $0xb8;
	[tilespmem:$0x1E800] =	vst v63  }
0xc3: {  	_ =	swait.ge [sflag:s9], $0x2000  }
0xc4: {  	[sflag:s9] =	ssyncset.done $0x0  }
0xc5: {  	[sflag:s9] =	ssyncadd.s32 $0xFFFFE000  }
.LBB2_4:
0xc6: {  	s0 =	smul.u32 $0x28, s31;
	_ =	sdelay $0x1  }
0xc7: {  	s0 =	sadd.s32 s18, s0  }
0xc8: {  	s0 =	sshll.u32 s0, $0x4  }
0xc9: {  	s3 =	sadd.s32 s16, s0  }
0xca: {  	[tilespmem:s30], [sflag:$0x5] =	stream.linear.gather [hbm4b:s3+s30], $0x1400, $0x38;
	[tilespmem:$0x1E800] =	vst v63  }
0xcb: {  	_ =	swait.ge [sflag:s9], $0x1400  }
0xcc: {  	[sflag:s9] =	ssyncset.done $0x0  }
0xcd: {  	s0 =	sadd.s32 s1, s0;
	[sflag:s9] =	ssyncadd.s32 $0xFFFFEC00  }
0xce: {  	[tilespmem:s10], [sflag:$0x5] =	stream.linear.gather [hbm4b:s0+s30], $0x1400, $0x38;
	[tilespmem:$0x1E800] =	vst v63  }
0xcf: {  	_ =	swait.ge [sflag:s9], $0x1400  }
0xd0: {  	[sflag:s9] =	ssyncset.done $0x0  }
0xd1: {  	[sflag:s9] =	ssyncadd.s32 $0xFFFFEC00  }
0xd2: {  	[tilespmem:s8], [sflag:$0x1] =	stream.indirect.gather [hbm4b:s15+s12], $0x80, s30, s12, $0xb8;
	[tilespmem:$0x1E800] =	vst v63  }
0xd3: {  	_ = 	snop  }
0xd4: {  	[tilespmem:s19], [sflag:$0x2] =	stream.indirect.gather [hbm4b:s15+s12], $0x80, s14, s12, $0xb8;
	[tilespmem:$0x1E800] =	vst v63  }
0xd5: {  	_ = 	snop  }
0xd6: {  	[tilespmem:s21], [sflag:$0x3] =	stream.indirect.gather [hbm4b:s15+s12], $0x80, s20, s12, $0xb8;
	[tilespmem:$0x1E800] =	vst v63  }
0xd7: {  	s11 =	simm.s32 $0x0  }
0xd8: {  	[tilespmem:s23], [sflag:$0x4] =	stream.indirect.gather [hbm4b:s15+s12], $0x80, s22, s12, $0xb8;
	[tilespmem:$0x1E800] =	vst v63  }
.LBB2_5:
0xd9: {  	_ =	swait.ge [sflag:s24], $0x2000  }
0xda: {  	s0 =	sshra.s32 s11, $0x2;
	[sflag:s24] =	ssyncset.done $0x0  }
0xdb: {  	s3 =	sadd.s32 $0x1400, s0;
	[sflag:s24] =	ssyncadd.s32 $0xFFFFE000  }
0xdc: {  	[spmem:s13] =	stream.indirect.scatter.add.f32 [tilespmem:s8], [sflag:$0x5], $0x80, s3, s12, $0xb8;
	[tilespmem:$0x1E800] =	vst v63  }
0xdd: {  	_ =	swait.ge [sflag:s9], $0x2000  }
0xde: {  	[sflag:s9] =	ssyncset.done $0x0  }
0xdf: {  	s4 =	sadd.s32 $0x200, s0;
	[sflag:s9] =	ssyncadd.s32 $0xFFFFE000  }
0xe0: {  	[tilespmem:s8], [sflag:$0x1] =	stream.indirect.gather [hbm4b:s15+s12], $0x80, s4, s12, $0xb8;
	[tilespmem:$0x1E800] =	vst v63  }
0xe1: {  	_ =	swait.ge [sflag:s25], $0x2000  }
0xe2: {  	[sflag:s25] =	ssyncset.done $0x0  }
0xe3: {  	s5 =	sadd.s32 $0x1480, s0;
	[sflag:s25] =	ssyncadd.s32 $0xFFFFE000  }
0xe4: {  	[spmem:s13] =	stream.indirect.scatter.add.f32 [tilespmem:s19], [sflag:$0x5], $0x80, s5, s12, $0xb8;
	[tilespmem:$0x1E800] =	vst v63  }
0xe5: {  	_ =	swait.ge [sflag:s9], $0x2000  }
0xe6: {  	[sflag:s9] =	ssyncset.done $0x0  }
0xe7: {  	s6 =	sadd.s32 $0x280, s0;
	[sflag:s9] =	ssyncadd.s32 $0xFFFFE000  }
0xe8: {  	[tilespmem:s19], [sflag:$0x2] =	stream.indirect.gather [hbm4b:s15+s12], $0x80, s6, s12, $0xb8;
	[tilespmem:$0x1E800] =	vst v63  }
0xe9: {  	_ =	swait.ge [sflag:s26], $0x2000  }
0xea: {  	[sflag:s26] =	ssyncset.done $0x0  }
0xeb: {  	s4 =	sadd.s32 $0x1500, s0;
	[sflag:s26] =	ssyncadd.s32 $0xFFFFE000  }
0xec: {  	[spmem:s13] =	stream.indirect.scatter.add.f32 [tilespmem:s21], [sflag:$0x5], $0x80, s4, s12, $0xb8;
	[tilespmem:$0x1E800] =	vst v63  }
0xed: {  	_ =	swait.ge [sflag:s9], $0x2000  }
0xee: {  	[sflag:s9] =	ssyncset.done $0x0  }
0xef: {  	s5 =	sadd.s32 $0x300, s0;
	[sflag:s9] =	ssyncadd.s32 $0xFFFFE000  }
0xf0: {  	[tilespmem:s21], [sflag:$0x3] =	stream.indirect.gather [hbm4b:s15+s12], $0x80, s5, s12, $0xb8;
	[tilespmem:$0x1E800] =	vst v63  }
0xf1: {  	_ =	swait.ge [sflag:s28], $0x2000  }
0xf2: {  	[sflag:s28] =	ssyncset.done $0x0  }
0xf3: {  	s6 =	sadd.s32 $0x1580, s0;
	[sflag:s28] =	ssyncadd.s32 $0xFFFFE000  }
0xf4: {  	[spmem:s13] =	stream.indirect.scatter.add.f32 [tilespmem:s23], [sflag:$0x5], $0x80, s6, s12, $0xb8;
	[tilespmem:$0x1E800] =	vst v63  }
0xf5: {  	_ =	swait.ge [sflag:s9], $0x2000  }
0xf6: {  	[sflag:s9] =	ssyncset.done $0x0  }
0xf7: {  	s4 =	sadd.s32 $0x380, s0;
	[sflag:s9] =	ssyncadd.s32 $0xFFFFE000  }
0xf8: {  	[tilespmem:s23], [sflag:$0x4] =	stream.indirect.gather [hbm4b:s15+s12], $0x80, s4, s12, $0xb8;
	[tilespmem:$0x1E800] =	vst v63  }
0xf9: {  	_ =	swait.ge [sflag:s24], $0x2000  }
0xfa: {  	[sflag:s24] =	ssyncset.done $0x0  }
0xfb: {  	s5 =	sadd.s32 $0x1600, s0;
	[sflag:s24] =	ssyncadd.s32 $0xFFFFE000  }
0xfc: {  	[spmem:s13] =	stream.indirect.scatter.add.f32 [tilespmem:s8], [sflag:$0x5], $0x80, s5, s12, $0xb8;
	[tilespmem:$0x1E800] =	vst v63  }
0xfd: {  	_ =	swait.ge [sflag:s9], $0x2000  }
0xfe: {  	p0 =	seq.s32 s11, $0x4000;
	[sflag:s9] =	ssyncset.done $0x0  }
0xff: {  	s3 =	simm.s32 @p0 $0x2;
	[sflag:s9] =	ssyncadd.s32 $0xFFFFE000  }
0x100: {  	_ =	swait.ge @p0 [sflag:s3], $0x2000  }
0x101: {  	[sflag:s3] =	ssyncset.done @p0 $0x0  }
0x102: {  	[sflag:s3] =	ssyncadd.s32 @p0 $0xFFFFE000;
	s3 =	sshra.s32 @p0 s11, $0x2  }
0x103: {  	s4 =	simm.s32 @p0 $0x40;
	s5 =	simm.s32 @p0 $0x4800;
	s3 =	sadd.s32 @p0 $0x1680, s3  }
0x104: {  	[spmem:s13] =	stream.indirect.scatter.add.f32 @p0 [tilespmem:s5], [sflag:$0x5], $0x80, s3, s4, $0xb8;
	[tilespmem:$0x1E800] =	vst v63  }
0x105: {  	s3 =	simm.s32 @p0 $0x5  }
0x106: {  	_ =	swait.ge @p0 [sflag:s3], $0x2000  }
0x107: {  	[sflag:s3] =	ssyncset.done @p0 $0x0  }
0x108: {  	[sflag:s3] =	ssyncadd.s32 @p0 $0xFFFFE000;
	s3 =	sshra.s32 @!p0 s11, $0x2  }
0x109: {  	s6 =	simm.s32 @!p0 $0x2800;
	s5 =	simm.s32 @!p0 $0x40;
	s4 =	sadd.s32 @!p0 $0x400, s3  }
0x10a: {  	[tilespmem:s6], [sflag:$0x1] =	stream.indirect.gather @!p0 [hbm4b:s15+s5], $0x80, s4, s5, $0xb8;
	[tilespmem:$0x1E800] =	vst v63  }
0x10b: {  	s4 =	simm.s32 @!p0 $0x2  }
0x10c: {  	_ =	swait.ge @!p0 [sflag:s4], $0x2000  }
0x10d: {  	[sflag:s4] =	ssyncset.done @!p0 $0x0  }
0x10e: {  	s6 =	simm.s32 @!p0 $0x4800;
	[sflag:s4] =	ssyncadd.s32 @!p0 $0xFFFFE000;
	s4 =	sadd.s32 @!p0 $0x1680, s3  }
0x10f: {  	[spmem:s13] =	stream.indirect.scatter.add.f32 @!p0 [tilespmem:s6], [sflag:$0x5], $0x80, s4, s5, $0xb8;
	[tilespmem:$0x1E800] =	vst v63  }
0x110: {  	s4 =	simm.s32 @!p0 $0x5  }
0x111: {  	_ =	swait.ge @!p0 [sflag:s4], $0x2000  }
0x112: {  	[sflag:s4] =	ssyncset.done @!p0 $0x0  }
0x113: {  	s3 =	sadd.s32 @!p0 $0x480, s3;
	[sflag:s4] =	ssyncadd.s32 @!p0 $0xFFFFE000  }
0x114: {  	[tilespmem:s6], [sflag:$0x2] =	stream.indirect.gather @!p0 [hbm4b:s15+s5], $0x80, s3, s5, $0xb8;
	[tilespmem:$0x1E800] =	vst v63  }
0x115: {  	_ =	swait.ge [sflag:s26], $0x2000  }
0x116: {  	[sflag:s26] =	ssyncset.done $0x0  }
.Ltmp5:
0x117: {  	s6 =	sadd.s32 $0x1700, s0;
	[sflag:s26] =	ssyncadd.s32 $0xFFFFE000;
	(pc) =	sbr.rel @p0 .LBB2_7-.Ltmp5, $4  }
0x118: {  	[spmem:s13] =	stream.indirect.scatter.add.f32 [tilespmem:s21], [sflag:$0x5], $0x80, s6, s12, $0xb8;
	[tilespmem:$0x1E800] =	vst v63  }
0x119: {  	_ =	swait.ge [sflag:s9], $0x2000  }
0x11a: {  	[sflag:s9] =	ssyncset.done $0x0  }
0x11b: {  	s3 =	sadd.s32 $0x1780, s0;
	[sflag:s9] =	ssyncadd.s32 $0xFFFFE000  }
0x11c: {  	s4 =	sadd.s32 $0x500, s0  }
0x11d: {  	[tilespmem:s21], [sflag:$0x3] =	stream.indirect.gather [hbm4b:s15+s12], $0x80, s4, s12, $0xb8;
	[tilespmem:$0x1E800] =	vst v63  }
0x11e: {  	_ =	swait.ge [sflag:s28], $0x2000  }
0x11f: {  	[sflag:s28] =	ssyncset.done $0x0  }
0x120: {  	[sflag:s28] =	ssyncadd.s32 $0xFFFFE000  }
0x121: {  	[spmem:s13] =	stream.indirect.scatter.add.f32 [tilespmem:s23], [sflag:$0x5], $0x80, s3, s12, $0xb8;
	[tilespmem:$0x1E800] =	vst v63  }
.Ltmp6:
0x122: {  	_ = 	snop;
	(pc) =	sbr.rel .LBB2_5-.Ltmp6, $4  }
0x123: {  	_ =	swait.ge [sflag:s9], $0x2000  }
0x124: {  	[sflag:s9] =	ssyncset.done $0x0  }
0x125: {  	s6 =	sadd.s32 $0x580, s0;
	s11 =	sadd.s32 $0x1000, s11;
	[sflag:s9] =	ssyncadd.s32 $0xFFFFE000  }
0x126: {  	[tilespmem:s23], [sflag:$0x4] =	stream.indirect.gather [hbm4b:s15+s12], $0x80, s6, s12, $0xb8;
	[tilespmem:$0x1E800] =	vst v63  }
.LBB2_9:
0x127: {  	_ =	sfence.sel $0x180000  }
0x128: {  	[bflag:$0x0] =	sbarrier.arrive $0xFFFF  }
0x129: {  	_ =	strace $0x9000004D  }
0x12a: {  	s0 =	stileid.u32;
	[bflag:$0x2] =	sbarrier.arrive $0xFFFF  }
0x12b: {  	p0 =	sne.s32 s0, $0x0;
	s0 =	rddreg [dreg:$0x3]  }
0x12c: {  	s0 =	sadd.s32 @!p0 $0x100000, s0  }
0x12d: {  	[sflag:s0] =	ssyncadd.tile.s32 @!p0 $0x1;
	_ =	shalt  }
.Lfunc_end2:
_tile_overlayer_lowered:
.L_overlay_start_2:
0x12e: {  	(tag) =	ssettag $0x2  }
0x12f: {  	s0 =	rddreg [dreg:$0x0];
	s2 =	stileid.u32  }
0x130: {  	s1 =	rddreg [dreg:$0x1];
	p0 =	sne.s32 s2, $0x0  }
0x131: {  	s3 =	rddreg [dreg:$0x2];
	[bflag:$0x3] =	sbarrier.arrive $0xFFFF;
	s2 =	simm.s32 @!p0 $0x1C05  }
0x132: {  	[timem:s3], [sflag:s2] =	dma.local @!p0 [hbm:s0], s1  }
0x133: {  	s0 =	simm.s32 @!p0 $0x5  }
0x134: {  	_ =	swait.ge @!p0 [sflag:s0], s1  }
0x135: {  	s1 =	ssub.s32 @!p0 $0x0, s1;
	[sflag:s0] =	ssyncset.done @!p0 $0x0  }
0x136: {  	[sflag:s0] =	ssyncadd.s32 @!p0 s1  }
0x137: {  	[bflag:$0x3] =	sbarrier.arrive $0xFFFF  }
0x138: {  	_ =	shalt  }

// kernel: kernel.19.cloned.1.call-start
scs
__scs_entry_jumppad:
0x0: {  	(pc) =	sbr.rel $0x88, $3  }
0x1: {  	(tag) =	ssettag $0x0;
	lr =	simm.s32 $0x1  }
0x2: {  	[smem:$0x3F9D] =	sst lr;
	_ =	strace $0xD0000000  }
0x3: {  	_ = 	snop  }
0x4: {  	_ = 	snop  }
0x5: {  	_ = 	snop  }
0x6: {  	_ = 	snop  }
0x7: {  	_ = 	snop  }
__scs_overlays_trampoline_lowered:
0x8: {  	[smem:$0x3FAC] =	sst s0  }
0x9: {  	[smem:$0x3FAD] =	sst s1  }
0xa: {  	[smem:$0x3FAE] =	sst s2  }
0xb: {  	[smem:$0x3FAF] =	sst s3  }
0xc: {  	[smem:$0x3FB0] =	sst s4  }
0xd: {  	[smem:$0x3FB1] =	sst s5  }
0xe: {  	[smem:$0x3FB2] =	sst s6  }
0xf: {  	[smem:$0x3FB3] =	sst s7  }
0x10: {  	[smem:$0x3FB4] =	sst s8  }
0x11: {  	[smem:$0x3FB5] =	sst s9;
	s0 =	simm.s32 @!p0 $0x0  }
0x12: {  	s1 =	sld [smem:$0x3F9B];
	s0 =	simm.s32 @p0 $0x1  }
0x13: {  	[smem:$0x3FB6] =	sst s0;
	s0 =	simm.s32 @!p1 $0x0  }
0x14: {  	s2 =	sld [smem:$0x3F9A];
	s0 =	simm.s32 @p1 $0x1  }
0x15: {  	[smem:$0x3FB7] =	sst s0;
	s0 =	simm.s32 @!p2 $0x0  }
0x16: {  	s3 =	sld [smem:$0x3FDB];
	s0 =	simm.s32 @p2 $0x1  }
0x17: {  	s4 =	simm.s32 $0x1BF5;
	[smem:$0x3FB9] =	sst s0  }
0x18: {  	s0 =	sld [smem:$0x3F9C];
	_ =	swait.ge [sflag:s4], $0x0  }
0x19: {  	s7 =	sld [smem:$0x3F9D]  }
0x1a: {  	s8 =	sadd.s32 $0xFFFFE003, lr  }
0x1b: {  	s9 =	sadd.s32 $0xFFFFFEF7, lr;
	s5 =	simm.s32 $0xFFFFFFFF;
	p2 =	slt.u32 s8, $0xFFFFF086  }
0x1c: {  	p1 =	slt.u32 s9, $0xF7A;
	s5 =	simm.s32 @!p2 $0x0  }
0x1d: {  	s5 =	simm.s32 @p1 $0x1;
	p0 =	seq.s32 s7, s2  }
0x1e: {  	s7 =	smul.u32 @!p0 $0xF7A, s2;
	p2 =	seq.s32 @!p0 s5, $0x0  }
0x1f: {  	s9 =	smul.u32 $0xF7A, s1;
	s8 =	simm.s32 @!p0 $0x1BF5;
	p2 =	por !p2, p0  }
0x20: {  	[sflag:s8] =	ssyncset.s32 @!p0 $0xFFFFF086;
	s6 =	sadd.s32 @!p0 s3, s7;
	s7 =	simm.s32 @!p0 $0x108  }
0x21: {  	s3 =	sadd.s32 s3, s9;
	s6 =	sadd.s32 @!p0 $0x88, s6;
	s7 =	simm.s32 @p2 $0x1082  }
0x22: {  	[simem:s7], [sflag:s8] =	dma.local @!p0 [hbm:s6], $0xF7A  }
0x23: {  	s9 =	sor.u32 $0xD0000000, s2;
	s6 =	simm.s32 $0x108;
	_ =	swait.ge @!p0 [sflag:s8], $0x0  }
0x24: {  	s3 =	sadd.s32 $0x88, s3;
	s6 =	simm.s32 @!p1 $0x1082;
	[sflag:s4] =	ssyncset.s32 $0xFFFFF086  }
0x25: {  	[simem:s6], [sflag:s4] =	dma.local [hbm:s3], $0xF7A  }
0x26: {  	[smem:$0x3F9D] =	sst s1;
	(tag) =	ssettag s2;
	_ =	strace s9  }
0x27: {  	s1 =	sld [smem:$0x3FAD]  }
0x28: {  	s2 =	sld [smem:$0x3FAE]  }
0x29: {  	s4 =	sld [smem:$0x3FB0]  }
0x2a: {  	p0 =	seq.s32 s5, $0x0;
	s5 =	sld [smem:$0x3FB1]  }
0x2b: {  	s6 =	sld [smem:$0x3FB2]  }
0x2c: {  	s7 =	sld [smem:$0x3FB3]  }
0x2d: {  	s3 =	simm.s32 $0x108;
	s8 =	sld [smem:$0x3FB4]  }
0x2e: {  	s3 =	simm.s32 @!p0 $0x1082;
	s9 =	sld [smem:$0x3FB5]  }
0x2f: {  	lr =	sadd.s32 s0, s3;
	s0 =	sld [smem:$0x3FAC]  }
0x30: {  	s3 =	sld [smem:$0x3FAF]  }
0x31: {  	[smem:$0x3FB8] =	sst s10  }
0x32: {  	s10 =	sld [smem:$0x3FB6];
	_ =	sdelay $0x3  }
0x33: {  	p0 =	seq.s32 s10, $0x1;
	s10 =	sld [smem:$0x3FB8];
	_ =	sdelay $0x3  }
0x34: {  	[smem:$0x3FB8] =	sst s10  }
0x35: {  	s10 =	sld [smem:$0x3FB7];
	_ =	sdelay $0x3  }
0x36: {  	p1 =	seq.s32 s10, $0x1;
	s10 =	sld [smem:$0x3FB8];
	_ =	sdelay $0x3  }
0x37: {  	[smem:$0x3FB8] =	sst s10  }
0x38: {  	s10 =	sld [smem:$0x3FB9]  }
0x39: {  	_ = 	snop;
	(pc) =	sbr.ind lr, $3  }
0x3a: {  	_ = 	snop  }
0x3b: {  	_ = 	snop  }
0x3c: {  	p2 =	seq.s32 s10, $0x1;
	s10 =	sld [smem:$0x3FB8]  }
0x3d: {  	_ =	shalt  }
0x3e: {  	_ =	shalt  }
0x3f: {  	_ =	shalt  }
0x40: {  	_ =	shalt  }
0x41: {  	_ =	shalt  }
0x42: {  	_ =	shalt  }
0x43: {  	_ =	shalt  }
0x44: {  	_ =	shalt  }
0x45: {  	_ =	shalt  }
0x46: {  	_ =	shalt  }
0x47: {  	_ =	shalt  }
0x48: {  	_ =	shalt  }
0x49: {  	_ =	shalt  }
0x4a: {  	_ =	shalt  }
0x4b: {  	_ =	shalt  }
0x4c: {  	_ =	shalt  }
0x4d: {  	_ =	shalt  }
0x4e: {  	_ =	shalt  }
0x4f: {  	_ =	shalt  }
0x50: {  	_ =	shalt  }
0x51: {  	_ =	shalt  }
0x52: {  	_ =	shalt  }
0x53: {  	_ =	shalt  }
0x54: {  	_ =	shalt  }
0x55: {  	_ =	shalt  }
0x56: {  	_ =	shalt  }
0x57: {  	_ =	shalt  }
0x58: {  	_ =	shalt  }
0x59: {  	_ =	shalt  }
0x5a: {  	_ =	shalt  }
0x5b: {  	_ =	shalt  }
0x5c: {  	_ =	shalt  }
0x5d: {  	_ =	shalt  }
0x5e: {  	_ =	shalt  }
0x5f: {  	_ =	shalt  }
0x60: {  	_ =	shalt  }
0x61: {  	_ =	shalt  }
0x62: {  	_ =	shalt  }
0x63: {  	_ =	shalt  }
0x64: {  	_ =	shalt  }
0x65: {  	_ =	shalt  }
0x66: {  	_ =	shalt  }
0x67: {  	_ =	shalt  }
0x68: {  	_ =	shalt  }
0x69: {  	_ =	shalt  }
0x6a: {  	_ =	shalt  }
0x6b: {  	_ =	shalt  }
0x6c: {  	_ =	shalt  }
0x6d: {  	_ =	shalt  }
0x6e: {  	_ =	shalt  }
0x6f: {  	_ =	shalt  }
0x70: {  	_ =	shalt  }
0x71: {  	_ =	shalt  }
0x72: {  	_ =	shalt  }
0x73: {  	_ =	shalt  }
0x74: {  	_ =	shalt  }
0x75: {  	_ =	shalt  }
0x76: {  	_ =	shalt  }
0x77: {  	_ =	shalt  }
0x78: {  	_ =	shalt  }
0x79: {  	_ =	shalt  }
0x7a: {  	_ =	shalt  }
0x7b: {  	_ =	shalt  }
0x7c: {  	_ =	shalt  }
0x7d: {  	_ =	shalt  }
0x7e: {  	_ =	shalt  }
0x7f: {  	_ =	shalt  }
0x80: {  	_ =	shalt  }
0x81: {  	_ =	shalt  }
0x82: {  	_ =	shalt  }
0x83: {  	_ =	shalt  }
0x84: {  	_ =	shalt  }
0x85: {  	_ =	shalt  }
0x86: {  	_ =	shalt  }
0x87: {  	_ =	shalt  }
.Lfunc_end0:
.L_simem_size_0:
called_computation.3_lowered:
.L_overlay_start_0:
0x88: {  	s2 =	sld [smem:$0x3FD9]  }
0x89: {  	s3 =	sld [smem:$0x3FFE];
	_ =	sdelay $0x1  }
0x8a: {  	s1 =	srdreg.scid  }
0x8b: {  	s0 =	sand.u32 $0x1, s1  }
0x8c: {  	s17 =	sshll.u32 s0, $0xA;
	s2 =	sadd.s32 s3, s2  }
0x8d: {  	s2 =	sadd.s32 s2, s17  }
0x8e: {  	[smem:$0x3FC4] =	sst s2  }
0x8f: {  	_ = 	snop  }
0x90: {  	s2 =	sld [smem:$0x3FD0];
	(tm) =	ssettm $0x1  }
0x91: {  	s18 =	sld [smem:$0x3FFB];
	_ =	sdelay $0x3  }
0x92: {  	_ =	strace s18  }
0x93: {  	s3 =	sld [smem:$0x3FFC];
	_ =	sdelay $0x3  }
0x94: {  	_ =	strace s3  }
0x95: {  	s3 =	sld [smem:$0x3FFD];
	_ =	sdelay $0x3  }
0x96: {  	_ =	strace s3  }
0x97: {  	_ =	strace $0x8FFFFFFF  }
0x98: {  	s19 =	sld [smem:$0x3FDB];
	_ =	sdelay $0x1  }
0x99: {  	s4 =	simm.s32 $_scs_section_size  }
0x9a: {  	s5 =	simm.s32 $_size__tile_overlayer_lowered;
	s6 =	simm.s32 $_tile_overlayer_lowered  }
0x9b: {  	s22 =	simm.s32 $0x1BFF;
	s21 =	sshll.u32 s6, $0x1;
	s3 =	sadd.s32 s4, s19  }
0x9c: {  	s7 =	simm.s32 $0x0;
	s20 =	sshll.u32 s5, $0x1;
	s5 =	sadd.s32 s21, s3  }
0x9d: {  	[timem:s7], [sflag:s22] =	dma.local [hbm:s5], s20  }
0x9e: {  	_ =	swait.ge [sflag:s22], s20  }
0x9f: {  	s4 =	ssub.s32 $0x0, s20;
	[sflag:s22] =	ssyncset.done $0x0  }
0xa0: {  	[sflag:s22] =	ssyncadd.s32 s4;
	_ =	sdelay $0x1  }
0xa1: {  	s23 =	simm.s32 $0x1B8B  }
0xa2: {  	_ =	swait.ge [sflag:s23], $0x1  }
0xa3: {  	[sflag:s23] =	ssyncset.done $0x0  }
0xa4: {  	s25 =	simm.s32 $0x1B8E;
	s24 =	sld [smem:$0x3FFE];
	[sflag:s23] =	ssyncadd.s32 $0xFFFFFFFF  }
0xa5: {  	s26 =	simm.s32 $execute0_lowered;
	[smem:$0x3FD2] =	sst s25  }
0xa6: {  	s5 =	sshll.u32 s26, $0x1;
	_ =	strace $0x8000004F;
	[dreg:$0x1] =	wrdreg $0xFFFFFFFF  }
0xa7: {  	s28 =	simm.s32 $_size_execute0_lowered;
	s3 =	sadd.s32 s3, s5;
	[dreg:$0x0] =	wrdreg $0x0  }
0xa8: {  	s5 =	sshll.u32 s28, $0x1;
	[dreg:$0x2] =	wrdreg s3  }
0xa9: {  	[dreg:$0x3] =	wrdreg s5  }
0xaa: {  	[dreg:$0x4] =	wrdreg $0xC0  }
0xab: {  	_ =	task [dreg:s7], $0x5FFFF  }
0xac: {  	[dreg:$0x1] =	wrdreg $0xFFFFFFFF  }
0xad: {  	[dreg:$0x0] =	wrdreg $0x60  }
0xae: {  	[dreg:$0x2] =	wrdreg s24  }
0xaf: {  	[dreg:$0x3] =	wrdreg s2  }
0xb0: {  	[dreg:$0x4] =	wrdreg $0xA8000  }
0xb1: {  	[dreg:$0x5] =	wrdreg $0x9  }
0xb2: {  	_ =	task.clear_ibuf [dreg:s7], $0x6FFFF;
	_ =	strace $0x9000004F  }
0xb3: {  	s29 =	simm.s32 $0x9;
	_ =	strace $0x80000051  }
0xb4: {  	_ =	swait.ge [sflag:s29], $0x1  }
0xb5: {  	[sflag:s29] =	ssyncadd.s32 $0xFFFFFFFF  }
0xb6: {  	_ =	strace $0x90000051  }
0xb7: {  	_ =	sfence  }
0xb8: {  	s30 =	sld [smem:$0x0];
	_ =	sdelay $0x2  }
0xb9: {  	s31 =	sshll.u32 s1, $0xD;
	s1 =	sshrl.u32 s1, $0x2  }
0xba: {  	s3 =	sand.u32 $0x4000, s31;
	s1 =	sadd.s32 s1, s30  }
0xbb: {  	s0 =	sor.u32 s3, s0;
	s1 =	sshll.u32 s1, $0x11  }
0xbc: {  	s0 =	sor.u32 s1, s0  }
0xbd: {  	s0 =	sadd.s32 $0x8F2B, s0  }
0xbe: {  	[sflag:s0] =	ssyncadd.remote.s32 $0x1  }
0xbf: {  	_ =	sfence.sel $0xFFFF  }
0xc0: {  	[dreg:$0x0] =	wrdreg $0xFFFFFFFF;
	(pc) =	sbr.abs _section_cstart, $3  }
0xc1: {  	[dreg:$0x1] =	wrdreg $0xFFFFFFFF  }
0xc2: {  	_ =	task.clear_ibuf [dreg:s7], $0x2FFFF;
	_ =	strace $0x9FFFFFFF  }
0xc3: {  	(tm) =	ssettm $0x7FFFFFFF  }
tec
execute0_lowered:
.L_overlay_start_1:
0x0: {  	(tag) =	ssettag $0x1  }
0x1: {  	s0 =	srdreg.scid  }
0x2: {  	s3 =	rddreg [dreg:$0x0];
	s17 =	stileid.u32  }
0x3: {  	s1 =	rddreg [dreg:$0x1];
	s0 =	sand.u32 $0x1, s0;
	s5 =	smul.u32 $0x14000, s17  }
0x4: {  	s2 =	simm.s32 $0x0;
	s4 =	smul.u32 $0x140000, s0;
	s6 =	ssub.s32 $0x2, s0  }
0x5: {  	[smem:$0x7FF] =	sst s2;
	s7 =	sadd.s32 $0x48600, s3;
	s8 =	sshrl.u32 s6, $0x1  }
0x6: {  	s10 =	sadd.s32 $0x4000, s5;
	s12 =	sadd.s32 $0x6000, s5;
	s9 =	sadd.s32 s4, s5  }
0x7: {  	s6 =	ssub.s32 s6, s8;
	s13 =	sshrl.u32 s9, $0x3;
	s9 =	sor.u32 $0x2000, s5  }
0x8: {  	s11 =	sadd.s32 s4, s10;
	s8 =	sadd.s32 s7, s13;
	s14 =	sadd.s32 s4, s9  }
0x9: {  	s16 =	sadd.s32 s4, s12;
	[dreg:$0x4] =	wrdreg s8;
	s8 =	sshrl.u32 s14, $0x3  }
0xa: {  	s15 =	sshrl.u32 s11, $0x3;
	s18 =	sshrl.u32 s16, $0x3;
	s8 =	sadd.s32 s7, s8  }
0xb: {  	s11 =	sadd.s32 $0x8000, s5;
	[dreg:$0x5] =	wrdreg s8;
	s8 =	sadd.s32 s7, s15  }
0xc: {  	s19 =	sadd.s32 s4, s11;
	[dreg:$0x6] =	wrdreg s8;
	s8 =	sadd.s32 s7, s18  }
0xd: {  	s14 =	sadd.s32 $0xA000, s5;
	[dreg:$0x7] =	wrdreg s8;
	s8 =	sshrl.u32 s19, $0x3  }
0xe: {  	s13 =	sadd.s32 s4, s14;
	s19 =	sadd.s32 $0xC000, s5;
	s8 =	sadd.s32 s7, s8  }
0xf: {  	s20 =	sshrl.u32 s13, $0x3;
	s21 =	sadd.s32 s4, s19;
	[dreg:$0x8] =	wrdreg s8  }
0x10: {  	s8 =	sadd.s32 s7, s20;
	s22 =	sshrl.u32 s21, $0x3;
	s20 =	sadd.s32 $0xE000, s5  }
0x11: {  	s21 =	sadd.s32 $0x10000, s5;
	s5 =	sadd.s32 $0x12000, s5;
	[dreg:$0x9] =	wrdreg s8  }
0x12: {  	s8 =	sadd.s32 s7, s22;
	s23 =	sadd.s32 s4, s20;
	s24 =	sadd.s32 s4, s21  }
0x13: {  	s4 =	sadd.s32 s4, s5;
	[dreg:$0xa] =	wrdreg s8;
	s8 =	sshrl.u32 s23, $0x3  }
0x14: {  	s13 =	rddreg [dreg:$0x2];
	s4 =	sshrl.u32 s4, $0x3;
	s8 =	sadd.s32 s7, s8  }
0x15: {  	s25 =	sshrl.u32 s24, $0x3;
	s4 =	sadd.s32 s7, s4;
	[dreg:$0xb] =	wrdreg s8  }
0x16: {  	s8 =	sadd.s32 s7, s25;
	[dreg:$0xd] =	wrdreg s4  }
0x17: {  	s4 =	smax.u32 s6, $0x1;
	[dreg:$0xc] =	wrdreg s8  }
0x18: {  	s6 =	sadd.s32 s9, s13;
	_ =	strace $0x80000050;
	[dreg:$0xe] =	wrdreg s4  }
0x19: {  	s7 =	sadd.s32 s10, s13;
	[dreg:$0xf] =	wrdreg s6  }
0x1a: {  	s8 =	sadd.s32 s12, s13;
	[dreg:$0x10] =	wrdreg s7  }
0x1b: {  	s9 =	sadd.s32 s11, s13;
	[dreg:$0x11] =	wrdreg s8  }
0x1c: {  	s26 =	smul.u32 $0x50000, s17;
	s10 =	sadd.s32 s14, s13;
	[dreg:$0x12] =	wrdreg s9  }
0x1d: {  	s0 =	sshll.u32 s0, $0x4;
	s11 =	sadd.s32 s19, s13;
	[dreg:$0x13] =	wrdreg s10  }
0x1e: {  	s0 =	sor.u32 s17, s0;
	s12 =	sadd.s32 s20, s13;
	[dreg:$0x14] =	wrdreg s11  }
0x1f: {  	s31 =	sshrl.u32 s26, $0x2;
	s14 =	sadd.s32 s21, s13;
	[dreg:$0x15] =	wrdreg s12  }
0x20: {  	s17 =	sadd.s32 s31, s13;
	s19 =	sadd.s32 s5, s13;
	[dreg:$0x16] =	wrdreg s14  }
0x21: {  	s20 =	sadd.s32 $0x2000, s17;
	[dreg:$0x17] =	wrdreg s19  }
0x22: {  	s21 =	sadd.s32 $0x4000, s17;
	[dreg:$0x18] =	wrdreg s20  }
0x23: {  	s22 =	sadd.s32 $0x6000, s17;
	[dreg:$0x19] =	wrdreg s21  }
0x24: {  	s23 =	sadd.s32 $0x8000, s17;
	[dreg:$0x1a] =	wrdreg s22  }
0x25: {  	s28 =	simm.s32 $0x4;
	s24 =	sadd.s32 $0xA000, s17;
	[dreg:$0x1b] =	wrdreg s23  }
0x26: {  	s29 =	simm.s32 $0x0;
	s25 =	sadd.s32 $0xC000, s17;
	[dreg:$0x1c] =	wrdreg s24  }
0x27: {  	s30 =	simm.s32 $0x0;
	s26 =	sadd.s32 $0xE000, s17;
	[dreg:$0x1d] =	wrdreg s25  }
0x28: {  	s16 =	sadd.s32 $0xC600, s3;
	s31 =	sadd.s32 $0x10000, s17;
	[dreg:$0x1e] =	wrdreg s26  }
0x29: {  	s15 =	sadd.s32 $0x20600, s3;
	s18 =	smul.u32 $0xA0, s0;
	[dreg:$0x1f] =	wrdreg s31  }
.Ltmp0:
0x2a: {  	s7 =	sadd.s32 $0x12000, s17;
	s8 =	simm.s32 $0x2800;
	(pc) =	sbr.rel .LBB2_1-.Ltmp0, $4  }
0x2b: {  	s9 =	simm.s32 $0x5;
	s10 =	simm.s32 $0x1400;
	s12 =	simm.s32 $0x40  }
0x2c: {  	s14 =	simm.s32 $0x80;
	s19 =	simm.s32 $0x4800;
	s20 =	simm.s32 $0x100  }
0x2d: {  	s21 =	simm.s32 $0x6800;
	s22 =	simm.s32 $0x180;
	s23 =	simm.s32 $0x8800  }
0x2e: {  	v0 =	vimm.f32 $0.0e+00;
	s24 =	simm.s32 $0x1;
	s25 =	simm.s32 $0x2;
	s26 =	simm.s32 $0x3  }
.LBB2_8:
0x2f: {  	[bflag:$0x0] =	sbarrier.arrive $0xFFFF  }
0x30: {  	[tilespmem:s8], [sflag:$0x5] =	stream.linear.gather [spmem:s17], $0x2000, $0x38;
	[tilespmem:$0x1E800] =	vst v63  }
0x31: {  	_ =	swait.ge [sflag:s9], $0x2000  }
0x32: {  	[sflag:s9] =	ssyncset.done $0x0  }
0x33: {  	s0 =	rddreg [dreg:$0x4];
	[sflag:s9] =	ssyncadd.s32 $0xFFFFE000  }
0x34: {  	[hbm4b:s0+s2] =	stream.linear.scatter [tilespmem:s8], [sflag:$0x5], $0x2000, $0x38;
	[tilespmem:$0x1E800] =	vst v63  }
0x35: {  	_ =	swait.ge [sflag:s9], $0x2000  }
0x36: {  	[sflag:s9] =	ssyncset.done $0x0  }
0x37: {  	s31 =	rddreg [dreg:$0xf];
	[sflag:s9] =	ssyncadd.s32 $0xFFFFE000  }
0x38: {  	[tilespmem:s8], [sflag:$0x5] =	stream.linear.gather [spmem:s31], $0x2000, $0x38;
	[tilespmem:$0x1E800] =	vst v63  }
0x39: {  	_ =	swait.ge [sflag:s9], $0x2000  }
0x3a: {  	[sflag:s9] =	ssyncset.done $0x0  }
0x3b: {  	s3 =	rddreg [dreg:$0x5];
	[sflag:s9] =	ssyncadd.s32 $0xFFFFE000  }
0x3c: {  	[hbm4b:s3+s2] =	stream.linear.scatter [tilespmem:s8], [sflag:$0x5], $0x2000, $0x38;
	[tilespmem:$0x1E800] =	vst v63  }
0x3d: {  	_ =	swait.ge [sflag:s9], $0x2000  }
0x3e: {  	[sflag:s9] =	ssyncset.done $0x0  }
0x3f: {  	s4 =	rddreg [dreg:$0x10];
	[sflag:s9] =	ssyncadd.s32 $0xFFFFE000  }
0x40: {  	[tilespmem:s8], [sflag:$0x5] =	stream.linear.gather [spmem:s4], $0x2000, $0x38;
	[tilespmem:$0x1E800] =	vst v63  }
0x41: {  	_ =	swait.ge [sflag:s9], $0x2000  }
0x42: {  	[sflag:s9] =	ssyncset.done $0x0  }
0x43: {  	s5 =	rddreg [dreg:$0x6];
	[sflag:s9] =	ssyncadd.s32 $0xFFFFE000  }
0x44: {  	[hbm4b:s5+s2] =	stream.linear.scatter [tilespmem:s8], [sflag:$0x5], $0x2000, $0x38;
	[tilespmem:$0x1E800] =	vst v63  }
0x45: {  	_ =	swait.ge [sflag:s9], $0x2000  }
0x46: {  	[sflag:s9] =	ssyncset.done $0x0  }
0x47: {  	s6 =	rddreg [dreg:$0x11];
	[sflag:s9] =	ssyncadd.s32 $0xFFFFE000  }
0x48: {  	[tilespmem:s8], [sflag:$0x5] =	stream.linear.gather [spmem:s6], $0x2000, $0x38;
	[tilespmem:$0x1E800] =	vst v63  }
0x49: {  	_ =	swait.ge [sflag:s9], $0x2000  }
0x4a: {  	[sflag:s9] =	ssyncset.done $0x0  }
0x4b: {  	s11 =	rddreg [dreg:$0x7];
	[sflag:s9] =	ssyncadd.s32 $0xFFFFE000  }
0x4c: {  	[hbm4b:s11+s2] =	stream.linear.scatter [tilespmem:s8], [sflag:$0x5], $0x2000, $0x38;
	[tilespmem:$0x1E800] =	vst v63  }
0x4d: {  	_ =	swait.ge [sflag:s9], $0x2000  }
0x4e: {  	[sflag:s9] =	ssyncset.done $0x0  }
0x4f: {  	s31 =	rddreg [dreg:$0x12];
	[sflag:s9] =	ssyncadd.s32 $0xFFFFE000  }
0x50: {  	[tilespmem:s8], [sflag:$0x5] =	stream.linear.gather [spmem:s31], $0x2000, $0x38;
	[tilespmem:$0x1E800] =	vst v63  }
0x51: {  	_ =	swait.ge [sflag:s9], $0x2000  }
0x52: {  	[sflag:s9] =	ssyncset.done $0x0  }
0x53: {  	s3 =	rddreg [dreg:$0x8];
	[sflag:s9] =	ssyncadd.s32 $0xFFFFE000  }
0x54: {  	[hbm4b:s3+s2] =	stream.linear.scatter [tilespmem:s8], [sflag:$0x5], $0x2000, $0x38;
	[tilespmem:$0x1E800] =	vst v63  }
0x55: {  	_ =	swait.ge [sflag:s9], $0x2000  }
0x56: {  	[sflag:s9] =	ssyncset.done $0x0  }
0x57: {  	s4 =	rddreg [dreg:$0x13];
	[sflag:s9] =	ssyncadd.s32 $0xFFFFE000  }
0x58: {  	[tilespmem:s8], [sflag:$0x5] =	stream.linear.gather [spmem:s4], $0x2000, $0x38;
	[tilespmem:$0x1E800] =	vst v63  }
0x59: {  	_ =	swait.ge [sflag:s9], $0x2000  }
0x5a: {  	[sflag:s9] =	ssyncset.done $0x0  }
0x5b: {  	s5 =	rddreg [dreg:$0x9];
	[sflag:s9] =	ssyncadd.s32 $0xFFFFE000  }
0x5c: {  	[hbm4b:s5+s2] =	stream.linear.scatter [tilespmem:s8], [sflag:$0x5], $0x2000, $0x38;
	[tilespmem:$0x1E800] =	vst v63  }
0x5d: {  	_ =	swait.ge [sflag:s9], $0x2000  }
0x5e: {  	[sflag:s9] =	ssyncset.done $0x0  }
0x5f: {  	s6 =	rddreg [dreg:$0x14];
	[sflag:s9] =	ssyncadd.s32 $0xFFFFE000  }
0x60: {  	[tilespmem:s8], [sflag:$0x5] =	stream.linear.gather [spmem:s6], $0x2000, $0x38;
	[tilespmem:$0x1E800] =	vst v63  }
0x61: {  	_ =	swait.ge [sflag:s9], $0x2000  }
0x62: {  	[sflag:s9] =	ssyncset.done $0x0  }
0x63: {  	s11 =	rddreg [dreg:$0xa];
	[sflag:s9] =	ssyncadd.s32 $0xFFFFE000  }
0x64: {  	[hbm4b:s11+s2] =	stream.linear.scatter [tilespmem:s8], [sflag:$0x5], $0x2000, $0x38;
	[tilespmem:$0x1E800] =	vst v63  }
0x65: {  	_ =	swait.ge [sflag:s9], $0x2000  }
0x66: {  	[sflag:s9] =	ssyncset.done $0x0  }
0x67: {  	s31 =	rddreg [dreg:$0x15];
	[sflag:s9] =	ssyncadd.s32 $0xFFFFE000  }
0x68: {  	[tilespmem:s8], [sflag:$0x5] =	stream.linear.gather [spmem:s31], $0x2000, $0x38;
	[tilespmem:$0x1E800] =	vst v63  }
0x69: {  	_ =	swait.ge [sflag:s9], $0x2000  }
0x6a: {  	[sflag:s9] =	ssyncset.done $0x0  }
0x6b: {  	s3 =	rddreg [dreg:$0xb];
	[sflag:s9] =	ssyncadd.s32 $0xFFFFE000  }
0x6c: {  	[hbm4b:s3+s2] =	stream.linear.scatter [tilespmem:s8], [sflag:$0x5], $0x2000, $0x38;
	[tilespmem:$0x1E800] =	vst v63  }
0x6d: {  	_ =	swait.ge [sflag:s9], $0x2000  }
0x6e: {  	[sflag:s9] =	ssyncset.done $0x0  }
0x6f: {  	s4 =	rddreg [dreg:$0x16];
	[sflag:s9] =	ssyncadd.s32 $0xFFFFE000  }
0x70: {  	[tilespmem:s8], [sflag:$0x5] =	stream.linear.gather [spmem:s4], $0x2000, $0x38;
	[tilespmem:$0x1E800] =	vst v63  }
0x71: {  	_ =	swait.ge [sflag:s9], $0x2000  }
0x72: {  	[sflag:s9] =	ssyncset.done $0x0  }
0x73: {  	s5 =	rddreg [dreg:$0xc];
	[sflag:s9] =	ssyncadd.s32 $0xFFFFE000  }
0x74: {  	[hbm4b:s5+s2] =	stream.linear.scatter [tilespmem:s8], [sflag:$0x5], $0x2000, $0x38;
	[tilespmem:$0x1E800] =	vst v63  }
0x75: {  	_ =	swait.ge [sflag:s9], $0x2000  }
0x76: {  	[sflag:s9] =	ssyncset.done $0x0  }
0x77: {  	s6 =	rddreg [dreg:$0x17];
	[sflag:s9] =	ssyncadd.s32 $0xFFFFE000  }
0x78: {  	[tilespmem:s8], [sflag:$0x5] =	stream.linear.gather [spmem:s6], $0x2000, $0x38;
	[tilespmem:$0x1E800] =	vst v63  }
0x79: {  	_ =	swait.ge [sflag:s9], $0x2000  }
0x7a: {  	[sflag:s9] =	ssyncset.done $0x0  }
0x7b: {  	s11 =	rddreg [dreg:$0xd];
	[sflag:s9] =	ssyncadd.s32 $0xFFFFE000  }
0x7c: {  	[hbm4b:s11+s2] =	stream.linear.scatter [tilespmem:s8], [sflag:$0x5], $0x2000, $0x38;
	[tilespmem:$0x1E800] =	vst v63  }
0x7d: {  	_ =	swait.ge [sflag:s9], $0x2000  }
0x7e: {  	s29 =	sadd.s32 $0x1, s29;
	s31 =	rddreg [dreg:$0xe]  }
0x7f: {  	p0 =	sne.s32 s29, s31  }
.Ltmp1:
0x80: {  	_ = 	snop;
	(pc) =	sbr.rel @!p0 .LBB2_9-.Ltmp1, $3  }
0x81: {  	_ =	sdelay $0x1  }
0x82: {  	[sflag:s9] =	ssyncset.done $0x0  }
0x83: {  	[sflag:s9] =	ssyncadd.s32 $0xFFFFE000  }
.LBB2_1:
0x84: {  	s0 =	simm.s32 $0x0;
	s11 =	simm.s32 $0x200  }
.LBB2_2:
0x85: {  	p0 =	sne.s32 s11, $0x7E00;
	[tilespmem:s0+$0x2870] =	vst v0  }
0x86: {  	[tilespmem:s0+$0x2800] =	vst v0  }
0x87: {  	[tilespmem:s0+$0x2810] =	vst v0  }
.Ltmp2:
0x88: {  	[tilespmem:s0+$0x2820] =	vst v0;
	(pc) =	sbr.rel @p0 .LBB2_2-.Ltmp2, $4  }
0x89: {  	[tilespmem:s0+$0x2830] =	vst v0  }
0x8a: {  	[tilespmem:s0+$0x2840] =	vst v0  }
0x8b: {  	[tilespmem:s0+$0x2850] =	vst v0  }
0x8c: {  	[tilespmem:s0+$0x2860] =	vst v0;
	s0 =	sshra.s32 s11, $0x2;
	s11 =	sadd.s32 $0x200, s11  }
0x8d: {  	[tilespmem:s0+$0x2870] =	vst v0  }
0x8e: {  	[tilespmem:s0+$0x2800] =	vst v0  }
0x8f: {  	[tilespmem:s0+$0x2810] =	vst v0  }
0x90: {  	[tilespmem:s0+$0x2820] =	vst v0  }
0x91: {  	[tilespmem:s0+$0x2830] =	vst v0  }
0x92: {  	[tilespmem:s0+$0x2840] =	vst v0  }
0x93: {  	[tilespmem:s0+$0x2850] =	vst v0  }
0x94: {  	[tilespmem:s0+$0x2860] =	vst v0  }
0x95: {  	[spmem:s17] =	stream.linear.scatter [tilespmem:s8], [sflag:$0x5], $0x2000, $0x38;
	[tilespmem:$0x1E800] =	vst v63  }
0x96: {  	_ =	swait.ge [sflag:s9], $0x2000  }
0x97: {  	[sflag:s9] =	ssyncset.done $0x0  }
0x98: {  	s5 =	rddreg [dreg:$0x18];
	[sflag:s9] =	ssyncadd.s32 $0xFFFFE000  }
0x99: {  	[spmem:s5] =	stream.linear.scatter [tilespmem:s8], [sflag:$0x5], $0x2000, $0x38;
	[tilespmem:$0x1E800] =	vst v63  }
0x9a: {  	_ =	swait.ge [sflag:s9], $0x2000  }
0x9b: {  	[sflag:s9] =	ssyncset.done $0x0  }
0x9c: {  	s6 =	rddreg [dreg:$0x19];
	[sflag:s9] =	ssyncadd.s32 $0xFFFFE000  }
0x9d: {  	[spmem:s6] =	stream.linear.scatter [tilespmem:s8], [sflag:$0x5], $0x2000, $0x38;
	[tilespmem:$0x1E800] =	vst v63  }
0x9e: {  	_ =	swait.ge [sflag:s9], $0x2000  }
0x9f: {  	[sflag:s9] =	ssyncset.done $0x0  }
0xa0: {  	s11 =	rddreg [dreg:$0x1a];
	[sflag:s9] =	ssyncadd.s32 $0xFFFFE000  }
0xa1: {  	[spmem:s11] =	stream.linear.scatter [tilespmem:s8], [sflag:$0x5], $0x2000, $0x38;
	[tilespmem:$0x1E800] =	vst v63  }
0xa2: {  	_ =	swait.ge [sflag:s9], $0x2000  }
0xa3: {  	[sflag:s9] =	ssyncset.done $0x0  }
0xa4: {  	s3 =	rddreg [dreg:$0x1b];
	[sflag:s9] =	ssyncadd.s32 $0xFFFFE000  }
0xa5: {  	[spmem:s3] =	stream.linear.scatter [tilespmem:s8], [sflag:$0x5], $0x2000, $0x38;
	[tilespmem:$0x1E800] =	vst v63  }
0xa6: {  	_ =	swait.ge [sflag:s9], $0x2000  }
0xa7: {  	[sflag:s9] =	ssyncset.done $0x0  }
0xa8: {  	s4 =	rddreg [dreg:$0x1c];
	[sflag:s9] =	ssyncadd.s32 $0xFFFFE000  }
0xa9: {  	[spmem:s4] =	stream.linear.scatter [tilespmem:s8], [sflag:$0x5], $0x2000, $0x38;
	[tilespmem:$0x1E800] =	vst v63  }
0xaa: {  	_ =	swait.ge [sflag:s9], $0x2000  }
0xab: {  	[sflag:s9] =	ssyncset.done $0x0  }
0xac: {  	s5 =	rddreg [dreg:$0x1d];
	[sflag:s9] =	ssyncadd.s32 $0xFFFFE000  }
0xad: {  	[spmem:s5] =	stream.linear.scatter [tilespmem:s8], [sflag:$0x5], $0x2000, $0x38;
	[tilespmem:$0x1E800] =	vst v63  }
0xae: {  	_ =	swait.ge [sflag:s9], $0x2000  }
0xaf: {  	[sflag:s9] =	ssyncset.done $0x0  }
0xb0: {  	s6 =	rddreg [dreg:$0x1e];
	[sflag:s9] =	ssyncadd.s32 $0xFFFFE000  }
0xb1: {  	[spmem:s6] =	stream.linear.scatter [tilespmem:s8], [sflag:$0x5], $0x2000, $0x38;
	[tilespmem:$0x1E800] =	vst v63  }
0xb2: {  	_ =	swait.ge [sflag:s9], $0x2000  }
0xb3: {  	[sflag:s9] =	ssyncset.done $0x0  }
0xb4: {  	s11 =	rddreg [dreg:$0x1f];
	[sflag:s9] =	ssyncadd.s32 $0xFFFFE000  }
0xb5: {  	[spmem:s11] =	stream.linear.scatter [tilespmem:s8], [sflag:$0x5], $0x2000, $0x38;
	[tilespmem:$0x1E800] =	vst v63  }
0xb6: {  	_ =	swait.ge [sflag:s9], $0x2000  }
0xb7: {  	[sflag:s9] =	ssyncset.done $0x0  }
0xb8: {  	[sflag:s9] =	ssyncadd.s32 $0xFFFFE000  }
0xb9: {  	[spmem:s7] =	stream.linear.scatter [tilespmem:s8], [sflag:$0x5], $0x2000, $0x38;
	[tilespmem:$0x1E800] =	vst v63  }
.Ltmp3:
0xba: {  	_ =	swait.ge [sflag:s9], $0x2000;
	(pc) =	sbr.rel .LBB2_4-.Ltmp3, $4  }
0xbb: {  	[sflag:s9] =	ssyncset.done $0x0  }
0xbc: {  	[sflag:s9] =	ssyncadd.s32 $0xFFFFE000  }
0xbd: {  	[bflag:$0x0] =	sbarrier.arrive $0xFFFF  }
0xbe: {  	s31 =	simm.s32 $0x0  }
.LBB2_7:
0xbf: {  	_ =	swait.ge [sflag:s28], $0x2000;
	s31 =	sadd.s32 $0x1, s31  }
0xc0: {  	[sflag:s28] =	ssyncset.done $0x0;
	p0 =	sne.s32 s31, $0x4  }
.Ltmp4:
0xc1: {  	[sflag:s28] =	ssyncadd.s32 $0xFFFFE000;
	(pc) =	sbr.rel @!p0 .LBB2_8-.Ltmp4, $4  }
0xc2: {  	[spmem:s13] =	stream.indirect.scatter.add.f32 [tilespmem:s23], [sflag:$0x5], $0x80, s3, s12, $0xb8;
	[tilespmem:$0x1E800] =	vst v63  }
0xc3: {  	_ =	swait.ge [sflag:s9], $0x2000  }
0xc4: {  	[sflag:s9] =	ssyncset.done $0x0  }
0xc5: {  	[sflag:s9] =	ssyncadd.s32 $0xFFFFE000  }
.LBB2_4:
0xc6: {  	s0 =	smul.u32 $0x28, s31;
	_ =	sdelay $0x1  }
0xc7: {  	s0 =	sadd.s32 s18, s0  }
0xc8: {  	s0 =	sshll.u32 s0, $0x4  }
0xc9: {  	s3 =	sadd.s32 s16, s0  }
0xca: {  	[tilespmem:s30], [sflag:$0x5] =	stream.linear.gather [hbm4b:s3+s30], $0x1400, $0x38;
	[tilespmem:$0x1E800] =	vst v63  }
0xcb: {  	_ =	swait.ge [sflag:s9], $0x1400  }
0xcc: {  	[sflag:s9] =	ssyncset.done $0x0  }
0xcd: {  	s0 =	sadd.s32 s1, s0;
	[sflag:s9] =	ssyncadd.s32 $0xFFFFEC00  }
0xce: {  	[tilespmem:s10], [sflag:$0x5] =	stream.linear.gather [hbm4b:s0+s30], $0x1400, $0x38;
	[tilespmem:$0x1E800] =	vst v63  }
0xcf: {  	_ =	swait.ge [sflag:s9], $0x1400  }
0xd0: {  	[sflag:s9] =	ssyncset.done $0x0  }
0xd1: {  	[sflag:s9] =	ssyncadd.s32 $0xFFFFEC00  }
0xd2: {  	[tilespmem:s8], [sflag:$0x1] =	stream.indirect.gather [hbm4b:s15+s12], $0x80, s30, s12, $0xb8;
	[tilespmem:$0x1E800] =	vst v63  }
0xd3: {  	_ = 	snop  }
0xd4: {  	[tilespmem:s19], [sflag:$0x2] =	stream.indirect.gather [hbm4b:s15+s12], $0x80, s14, s12, $0xb8;
	[tilespmem:$0x1E800] =	vst v63  }
0xd5: {  	_ = 	snop  }
0xd6: {  	[tilespmem:s21], [sflag:$0x3] =	stream.indirect.gather [hbm4b:s15+s12], $0x80, s20, s12, $0xb8;
	[tilespmem:$0x1E800] =	vst v63  }
0xd7: {  	s11 =	simm.s32 $0x0  }
0xd8: {  	[tilespmem:s23], [sflag:$0x4] =	stream.indirect.gather [hbm4b:s15+s12], $0x80, s22, s12, $0xb8;
	[tilespmem:$0x1E800] =	vst v63  }
.LBB2_5:
0xd9: {  	_ =	swait.ge [sflag:s24], $0x2000  }
0xda: {  	s0 =	sshra.s32 s11, $0x2;
	[sflag:s24] =	ssyncset.done $0x0  }
0xdb: {  	s3 =	sadd.s32 $0x1400, s0;
	[sflag:s24] =	ssyncadd.s32 $0xFFFFE000  }
0xdc: {  	[spmem:s13] =	stream.indirect.scatter.add.f32 [tilespmem:s8], [sflag:$0x5], $0x80, s3, s12, $0xb8;
	[tilespmem:$0x1E800] =	vst v63  }
0xdd: {  	_ =	swait.ge [sflag:s9], $0x2000  }
0xde: {  	[sflag:s9] =	ssyncset.done $0x0  }
0xdf: {  	s4 =	sadd.s32 $0x200, s0;
	[sflag:s9] =	ssyncadd.s32 $0xFFFFE000  }
0xe0: {  	[tilespmem:s8], [sflag:$0x1] =	stream.indirect.gather [hbm4b:s15+s12], $0x80, s4, s12, $0xb8;
	[tilespmem:$0x1E800] =	vst v63  }
0xe1: {  	_ =	swait.ge [sflag:s25], $0x2000  }
0xe2: {  	[sflag:s25] =	ssyncset.done $0x0  }
0xe3: {  	s5 =	sadd.s32 $0x1480, s0;
	[sflag:s25] =	ssyncadd.s32 $0xFFFFE000  }
0xe4: {  	[spmem:s13] =	stream.indirect.scatter.add.f32 [tilespmem:s19], [sflag:$0x5], $0x80, s5, s12, $0xb8;
	[tilespmem:$0x1E800] =	vst v63  }
0xe5: {  	_ =	swait.ge [sflag:s9], $0x2000  }
0xe6: {  	[sflag:s9] =	ssyncset.done $0x0  }
0xe7: {  	s6 =	sadd.s32 $0x280, s0;
	[sflag:s9] =	ssyncadd.s32 $0xFFFFE000  }
0xe8: {  	[tilespmem:s19], [sflag:$0x2] =	stream.indirect.gather [hbm4b:s15+s12], $0x80, s6, s12, $0xb8;
	[tilespmem:$0x1E800] =	vst v63  }
0xe9: {  	_ =	swait.ge [sflag:s26], $0x2000  }
0xea: {  	[sflag:s26] =	ssyncset.done $0x0  }
0xeb: {  	s4 =	sadd.s32 $0x1500, s0;
	[sflag:s26] =	ssyncadd.s32 $0xFFFFE000  }
0xec: {  	[spmem:s13] =	stream.indirect.scatter.add.f32 [tilespmem:s21], [sflag:$0x5], $0x80, s4, s12, $0xb8;
	[tilespmem:$0x1E800] =	vst v63  }
0xed: {  	_ =	swait.ge [sflag:s9], $0x2000  }
0xee: {  	[sflag:s9] =	ssyncset.done $0x0  }
0xef: {  	s5 =	sadd.s32 $0x300, s0;
	[sflag:s9] =	ssyncadd.s32 $0xFFFFE000  }
0xf0: {  	[tilespmem:s21], [sflag:$0x3] =	stream.indirect.gather [hbm4b:s15+s12], $0x80, s5, s12, $0xb8;
	[tilespmem:$0x1E800] =	vst v63  }
0xf1: {  	_ =	swait.ge [sflag:s28], $0x2000  }
0xf2: {  	[sflag:s28] =	ssyncset.done $0x0  }
0xf3: {  	s6 =	sadd.s32 $0x1580, s0;
	[sflag:s28] =	ssyncadd.s32 $0xFFFFE000  }
0xf4: {  	[spmem:s13] =	stream.indirect.scatter.add.f32 [tilespmem:s23], [sflag:$0x5], $0x80, s6, s12, $0xb8;
	[tilespmem:$0x1E800] =	vst v63  }
0xf5: {  	_ =	swait.ge [sflag:s9], $0x2000  }
0xf6: {  	[sflag:s9] =	ssyncset.done $0x0  }
0xf7: {  	s4 =	sadd.s32 $0x380, s0;
	[sflag:s9] =	ssyncadd.s32 $0xFFFFE000  }
0xf8: {  	[tilespmem:s23], [sflag:$0x4] =	stream.indirect.gather [hbm4b:s15+s12], $0x80, s4, s12, $0xb8;
	[tilespmem:$0x1E800] =	vst v63  }
0xf9: {  	_ =	swait.ge [sflag:s24], $0x2000  }
0xfa: {  	[sflag:s24] =	ssyncset.done $0x0  }
0xfb: {  	s5 =	sadd.s32 $0x1600, s0;
	[sflag:s24] =	ssyncadd.s32 $0xFFFFE000  }
0xfc: {  	[spmem:s13] =	stream.indirect.scatter.add.f32 [tilespmem:s8], [sflag:$0x5], $0x80, s5, s12, $0xb8;
	[tilespmem:$0x1E800] =	vst v63  }
0xfd: {  	_ =	swait.ge [sflag:s9], $0x2000  }
0xfe: {  	p0 =	seq.s32 s11, $0x4000;
	[sflag:s9] =	ssyncset.done $0x0  }
0xff: {  	s3 =	simm.s32 @p0 $0x2;
	[sflag:s9] =	ssyncadd.s32 $0xFFFFE000  }
0x100: {  	_ =	swait.ge @p0 [sflag:s3], $0x2000  }
0x101: {  	[sflag:s3] =	ssyncset.done @p0 $0x0  }
0x102: {  	[sflag:s3] =	ssyncadd.s32 @p0 $0xFFFFE000;
	s3 =	sshra.s32 @p0 s11, $0x2  }
0x103: {  	s4 =	simm.s32 @p0 $0x40;
	s5 =	simm.s32 @p0 $0x4800;
	s3 =	sadd.s32 @p0 $0x1680, s3  }
0x104: {  	[spmem:s13] =	stream.indirect.scatter.add.f32 @p0 [tilespmem:s5], [sflag:$0x5], $0x80, s3, s4, $0xb8;
	[tilespmem:$0x1E800] =	vst v63  }
0x105: {  	s3 =	simm.s32 @p0 $0x5  }
0x106: {  	_ =	swait.ge @p0 [sflag:s3], $0x2000  }
0x107: {  	[sflag:s3] =	ssyncset.done @p0 $0x0  }
0x108: {  	[sflag:s3] =	ssyncadd.s32 @p0 $0xFFFFE000;
	s3 =	sshra.s32 @!p0 s11, $0x2  }
0x109: {  	s6 =	simm.s32 @!p0 $0x2800;
	s5 =	simm.s32 @!p0 $0x40;
	s4 =	sadd.s32 @!p0 $0x400, s3  }
0x10a: {  	[tilespmem:s6], [sflag:$0x1] =	stream.indirect.gather @!p0 [hbm4b:s15+s5], $0x80, s4, s5, $0xb8;
	[tilespmem:$0x1E800] =	vst v63  }
0x10b: {  	s4 =	simm.s32 @!p0 $0x2  }
0x10c: {  	_ =	swait.ge @!p0 [sflag:s4], $0x2000  }
0x10d: {  	[sflag:s4] =	ssyncset.done @!p0 $0x0  }
0x10e: {  	s6 =	simm.s32 @!p0 $0x4800;
	[sflag:s4] =	ssyncadd.s32 @!p0 $0xFFFFE000;
	s4 =	sadd.s32 @!p0 $0x1680, s3  }
0x10f: {  	[spmem:s13] =	stream.indirect.scatter.add.f32 @!p0 [tilespmem:s6], [sflag:$0x5], $0x80, s4, s5, $0xb8;
	[tilespmem:$0x1E800] =	vst v63  }
0x110: {  	s4 =	simm.s32 @!p0 $0x5  }
0x111: {  	_ =	swait.ge @!p0 [sflag:s4], $0x2000  }
0x112: {  	[sflag:s4] =	ssyncset.done @!p0 $0x0  }
0x113: {  	s3 =	sadd.s32 @!p0 $0x480, s3;
	[sflag:s4] =	ssyncadd.s32 @!p0 $0xFFFFE000  }
0x114: {  	[tilespmem:s6], [sflag:$0x2] =	stream.indirect.gather @!p0 [hbm4b:s15+s5], $0x80, s3, s5, $0xb8;
	[tilespmem:$0x1E800] =	vst v63  }
0x115: {  	_ =	swait.ge [sflag:s26], $0x2000  }
0x116: {  	[sflag:s26] =	ssyncset.done $0x0  }
.Ltmp5:
0x117: {  	s6 =	sadd.s32 $0x1700, s0;
	[sflag:s26] =	ssyncadd.s32 $0xFFFFE000;
	(pc) =	sbr.rel @p0 .LBB2_7-.Ltmp5, $4  }
0x118: {  	[spmem:s13] =	stream.indirect.scatter.add.f32 [tilespmem:s21], [sflag:$0x5], $0x80, s6, s12, $0xb8;
	[tilespmem:$0x1E800] =	vst v63  }
0x119: {  	_ =	swait.ge [sflag:s9], $0x2000  }
0x11a: {  	[sflag:s9] =	ssyncset.done $0x0  }
0x11b: {  	s3 =	sadd.s32 $0x1780, s0;
	[sflag:s9] =	ssyncadd.s32 $0xFFFFE000  }
0x11c: {  	s4 =	sadd.s32 $0x500, s0  }
0x11d: {  	[tilespmem:s21], [sflag:$0x3] =	stream.indirect.gather [hbm4b:s15+s12], $0x80, s4, s12, $0xb8;
	[tilespmem:$0x1E800] =	vst v63  }
0x11e: {  	_ =	swait.ge [sflag:s28], $0x2000  }
0x11f: {  	[sflag:s28] =	ssyncset.done $0x0  }
0x120: {  	[sflag:s28] =	ssyncadd.s32 $0xFFFFE000  }
0x121: {  	[spmem:s13] =	stream.indirect.scatter.add.f32 [tilespmem:s23], [sflag:$0x5], $0x80, s3, s12, $0xb8;
	[tilespmem:$0x1E800] =	vst v63  }
.Ltmp6:
0x122: {  	_ = 	snop;
	(pc) =	sbr.rel .LBB2_5-.Ltmp6, $4  }
0x123: {  	_ =	swait.ge [sflag:s9], $0x2000  }
0x124: {  	[sflag:s9] =	ssyncset.done $0x0  }
0x125: {  	s6 =	sadd.s32 $0x580, s0;
	s11 =	sadd.s32 $0x1000, s11;
	[sflag:s9] =	ssyncadd.s32 $0xFFFFE000  }
0x126: {  	[tilespmem:s23], [sflag:$0x4] =	stream.indirect.gather [hbm4b:s15+s12], $0x80, s6, s12, $0xb8;
	[tilespmem:$0x1E800] =	vst v63  }
.LBB2_9:
0x127: {  	_ =	sfence.sel $0x180000  }
0x128: {  	[bflag:$0x0] =	sbarrier.arrive $0xFFFF  }
0x129: {  	_ =	strace $0x90000050  }
0x12a: {  	s0 =	stileid.u32;
	[bflag:$0x2] =	sbarrier.arrive $0xFFFF  }
0x12b: {  	p0 =	sne.s32 s0, $0x0;
	s0 =	rddreg [dreg:$0x3]  }
0x12c: {  	s0 =	sadd.s32 @!p0 $0x100000, s0  }
0x12d: {  	[sflag:s0] =	ssyncadd.tile.s32 @!p0 $0x1;
	_ =	shalt  }
.Lfunc_end2:
_tile_overlayer_lowered:
.L_overlay_start_2:
0x12e: {  	(tag) =	ssettag $0x2  }
0x12f: {  	s0 =	rddreg [dreg:$0x0];
	s2 =	stileid.u32  }
0x130: {  	s1 =	rddreg [dreg:$0x1];
	p0 =	sne.s32 s2, $0x0  }
0x131: {  	s3 =	rddreg [dreg:$0x2];
	[bflag:$0x3] =	sbarrier.arrive $0xFFFF;
	s2 =	simm.s32 @!p0 $0x1C05  }
0x132: {  	[timem:s3], [sflag:s2] =	dma.local @!p0 [hbm:s0], s1  }
0x133: {  	s0 =	simm.s32 @!p0 $0x5  }
0x134: {  	_ =	swait.ge @!p0 [sflag:s0], s1  }
0x135: {  	s1 =	ssub.s32 @!p0 $0x0, s1;
	[sflag:s0] =	ssyncset.done @!p0 $0x0  }
0x136: {  	[sflag:s0] =	ssyncadd.s32 @!p0 s1  }
0x137: {  	[bflag:$0x3] =	sbarrier.arrive $0xFFFF  }
0x138: {  	_ =	shalt  }

</sc_bundles>
